<compile_context>
chip_gen: v7x
topology: tpu7x:2x2x1
jax: 0.10.2.dev20260603
libtpu: 0.0.44.dev20260713+nightly
codegen_flags: <defaults>
</compile_context>

<pallas_src>
import jax
import jax.numpy as jnp
from jax import lax
from jax.experimental import pallas as pl
from jax.experimental.pallas import tpu as pltpu
from jax.experimental.pallas import tpu_sc as plsc

N = 10000
H = 128
E = 320000
NC, NS = 2, 16
NW = NC * NS
EPW = E // NW
C = 80
NCHUNK = EPW // C
HALF = 5120
APAD = 5248
RPS = APAD // NS
OPS = HALF // NS
RB = 2000
GRID = N // RB

_mesh = plsc.VectorSubcoreMesh(
    core_axis_name="c", subcore_axis_name="s", num_cores=NC, num_subcores=NS)


def _sc_edge_body(lo_hbm, ei, ej, a_hbm, b_hbm, u_out, deg_out,
                  idx_i, idx_j, idx_adj, arow, brow, ones_v, zdeg,
                  lo_v, sem_a, sem_b, u_sh, deg_sh):
  c = lax.axis_index("c")
  s = lax.axis_index("s")
  wid = c * NS + s

  pltpu.sync_copy(lo_hbm, lo_v)

  z = jnp.zeros((16,), jnp.float32)
  def zrow_body(r, _):
    for k in range(H // 16):
      arow[r, pl.ds(k * 16, 16)] = z
    return 0
  lax.fori_loop(0, C, zrow_body, 0)
  for t in range(4):
    pltpu.sync_copy(arow, u_sh.at[pl.ds(s * RPS + t * C, C)])
  pltpu.sync_copy(arow.at[pl.ds(0, RPS - 4 * C)],
                  u_sh.at[pl.ds(s * RPS + 4 * C, RPS - 4 * C)])
  def zdeg_body(r, _):
    zdeg[r, :] = z
    return 0
  lax.fori_loop(0, RPS // 4, zdeg_body, 0)
  for t in range(4):
    pltpu.sync_copy(zdeg, deg_sh.at[pl.ds(s * RPS + t * (RPS // 4), RPS // 4)])
  one = jnp.ones((16,), jnp.float32)
  def ones_body(r, _):
    ones_v[r, :] = one
    return 0
  lax.fori_loop(0, C, ones_body, 0)
  plsc.subcore_barrier()

  def chunk(g, _):
    base = wid * EPW + g * C
    pltpu.sync_copy(ei.at[pl.ds(base, C)], idx_i)
    pltpu.sync_copy(ej.at[pl.ds(base, C)], idx_j)
    cp_a = pltpu.async_copy(a_hbm.at[idx_i], arow, sem_a)
    cp_b = pltpu.async_copy(b_hbm.at[idx_j], brow, sem_b)

    lo = lo_v[:]
    for m in range(C // 16):
      sl = pl.ds(m * 16, 16)
      v = idx_i[sl] - lo
      oob = (v < 0) | (v >= HALF)
      idx_adj[sl] = jnp.where(oob, HALF, v)

    cp_a.wait()
    cp_b.wait()

    def rbody(r, _):
      for k in range(H // 16):
        sl = pl.ds(k * 16, 16)
        t = arow[r, sl] + brow[r, sl]
        arow[r, sl] = t / (1.0 + jnp.exp(-t))
      return 0
    lax.fori_loop(0, C, rbody, 0)

    pltpu.sync_copy(arow, u_sh.at[idx_adj], add=True)
    pltpu.sync_copy(ones_v, deg_sh.at[idx_adj], add=True)
    return 0

  lax.fori_loop(0, NCHUNK, chunk, 0)
  plsc.subcore_barrier()

  pltpu.sync_copy(u_sh.at[pl.ds(s * OPS, OPS)], u_out.at[c, pl.ds(s * OPS, OPS)])
  pltpu.sync_copy(deg_sh.at[pl.ds(s * OPS, OPS)],
                  deg_out.at[c, pl.ds(s * OPS, OPS)])


_sc_edge = pl.kernel(
    _sc_edge_body,
    out_type=(jax.ShapeDtypeStruct((NC, HALF, H), jnp.float32),
              jax.ShapeDtypeStruct((NC, HALF, 16), jnp.float32)),
    mesh=_mesh,
    scratch_types=[
        pltpu.VMEM((C,), jnp.int32),
        pltpu.VMEM((C,), jnp.int32),
        pltpu.VMEM((C,), jnp.int32),
        pltpu.VMEM((C, H), jnp.float32),
        pltpu.VMEM((C, H), jnp.float32),
        pltpu.VMEM((C, 16), jnp.float32),
        pltpu.VMEM((RPS // 4, 16), jnp.float32),
        pltpu.VMEM((16,), jnp.int32),
        pltpu.SemaphoreType.DMA,
        pltpu.SemaphoreType.DMA,
        pltpu.VMEM_SHARED((APAD, H), jnp.float32),
        pltpu.VMEM_SHARED((APAD, 16), jnp.float32),
    ],
)


def _tc0_body(x_ref, pos_ref, wn_ref, bn_ref, h_ref, pos_out_ref):
  xx = jnp.nan_to_num(x_ref[...])
  h = jnp.dot(xx, wn_ref[...], preferred_element_type=jnp.float32) + bn_ref[...]
  h_ref[...] = jnp.nan_to_num(h, nan=0.0)
  pos_out_ref[...] = jnp.clip(jnp.nan_to_num(pos_ref[...]), -20.0, 20.0)


def _tc_ab_body(h_ref, w1a_ref, w1b_ref, b1_ref, a_ref, b_ref):
  h = h_ref[...]
  a_ref[...] = jnp.dot(h, w1a_ref[...],
                       preferred_element_type=jnp.float32) + b1_ref[...]
  b_ref[...] = jnp.dot(h, w1b_ref[...], preferred_element_type=jnp.float32)


def _tc_upd_body(h_ref, u_ref, deg_ref, w2_ref, b2_ref, h_out_ref):
  u = u_ref[0] + u_ref[1]
  deg = (deg_ref[0] + deg_ref[1])[:, 0:1]
  agg = jnp.dot(u, w2_ref[...], preferred_element_type=jnp.float32)
  agg = agg + deg * b2_ref[...]
  h_out_ref[...] = jax.nn.silu(h_ref[...] + agg)


def _row_spec(width):
  return pl.BlockSpec((RB, width), lambda i: (i, 0))


def _full_spec(shape):
  nd = len(shape)
  return pl.BlockSpec(shape, lambda i: (0,) * nd)


def _pair_spec(width):
  return pl.BlockSpec((NC, RB, width), lambda i: (0, i, 0))


_f32 = jnp.float32


def kernel(x, pos, edge_index, edge_attr, graph_idx, W_node, b_node, W_edge,
           b_edge, W1_0, b1_0, W2_0, b2_0, W1_1, b1_1, W2_1, b2_1):
  del edge_attr, graph_idx, W_edge, b_edge
  ei = edge_index[0]
  ej = edge_index[1]
  lo0 = jnp.zeros((16,), jnp.int32)
  lo1 = jnp.full((16,), HALF, jnp.int32)

  h0, pos_out = pl.pallas_call(
      _tc0_body,
      grid=(GRID,),
      in_specs=[_row_spec(H), _row_spec(3), _full_spec((H, H)),
                _full_spec((1, H))],
      out_specs=[_row_spec(H), _row_spec(3)],
      out_shape=(jax.ShapeDtypeStruct((N, H), _f32),
                 jax.ShapeDtypeStruct((N, 3), _f32)),
  )(x, pos, W_node, b_node.reshape(1, H))

  w1a = jnp.stack([W1_0[:H], W1_1[:H]])
  w1b = jnp.stack([W1_0[H:], W1_1[H:]])
  b1s = jnp.stack([b1_0.reshape(1, H), b1_1.reshape(1, H)])
  w2s = jnp.stack([W2_0, W2_1])
  b2s = jnp.stack([b2_0.reshape(1, H), b2_1.reshape(1, H)])

  def layer_step(h, ws):
    w1a_l, w1b_l, b1_l, w2_l, b2_l = ws
    a, b = pl.pallas_call(
        _tc_ab_body,
        grid=(GRID,),
        in_specs=[_row_spec(H), _full_spec((H, H)), _full_spec((H, H)),
                  _full_spec((1, H))],
        out_specs=[_row_spec(H), _row_spec(H)],
        out_shape=(jax.ShapeDtypeStruct((N, H), _f32),
                   jax.ShapeDtypeStruct((N, H), _f32)),
    )(h, w1a_l, w1b_l, b1_l)

    u_lo, deg_lo = _sc_edge(lo0, ei, ej, a, b)
    u_hi, deg_hi = _sc_edge(lo1, ei, ej, a, b)
    u_acc = jnp.concatenate([u_lo, u_hi], axis=1)
    deg_acc = jnp.concatenate([deg_lo, deg_hi], axis=1)

    h_next = pl.pallas_call(
        _tc_upd_body,
        grid=(GRID,),
        in_specs=[_row_spec(H), _pair_spec(H), _pair_spec(16),
                  _full_spec((H, H)), _full_spec((1, H))],
        out_specs=_row_spec(H),
        out_shape=jax.ShapeDtypeStruct((N, H), _f32),
    )(h, u_acc, deg_acc, w2_l, b2_l)
    return h_next, 0

  h2, _ = lax.scan(layer_step, h0, (w1a, w1b, b1s, w2s, b2s))
  return (h2, pos_out)

# --- scband reference (transcript-rebuilt; emitter-appended) ---
"""Pipeline reference for scband-equivariant-backbone-55619826483393 (READ-ONLY COPY).

The authoritative reference and input builder live on the scoring server;
editing this copy changes nothing except your own understanding.
"""

import jax, jax.numpy as jnp
import numpy as np

N = 10000
E = 320000
IN_NODE = 128
IN_EDGE = 16
H = 128

def setup_inputs(seed: int = 0) -> dict:
    key = jax.random.key(seed)
    ks = jax.random.split(key, 16)
    x = jax.random.normal(ks[0], (N, IN_NODE), dtype=jnp.float32)
    pos = jax.random.normal(ks[1], (N, 3), dtype=jnp.float32)
    edge_index = jax.random.randint(ks[2], (2, E), 0, N, dtype=jnp.int32)
    edge_attr = jax.random.normal(ks[3], (E, IN_EDGE), dtype=jnp.float32)
    graph_idx = jnp.arange(N, dtype=jnp.int32)
    W_node = jax.random.normal(ks[4], (IN_NODE, H), dtype=jnp.float32) * 0.05
    b_node = jnp.zeros((H,), dtype=jnp.float32)
    W_edge = jax.random.normal(ks[5], (IN_EDGE, H), dtype=jnp.float32) * 0.05
    b_edge = jnp.zeros((H,), dtype=jnp.float32)
    W1_0 = jax.random.normal(ks[6], (2 * H, H), dtype=jnp.float32) * 0.05
    b1_0 = jnp.zeros((H,), dtype=jnp.float32)
    W2_0 = jax.random.normal(ks[7], (H, H), dtype=jnp.float32) * 0.05
    b2_0 = jnp.zeros((H,), dtype=jnp.float32)
    W1_1 = jax.random.normal(ks[8], (2 * H, H), dtype=jnp.float32) * 0.05
    b1_1 = jnp.zeros((H,), dtype=jnp.float32)
    W2_1 = jax.random.normal(ks[9], (H, H), dtype=jnp.float32) * 0.05
    b2_1 = jnp.zeros((H,), dtype=jnp.float32)
    return {"x": x, "pos": pos, "edge_index": edge_index, "edge_attr": edge_attr,
            "graph_idx": graph_idx, "W_node": W_node, "b_node": b_node,
            "W_edge": W_edge, "b_edge": b_edge,
            "W1_0": W1_0, "b1_0": b1_0, "W2_0": W2_0, "b2_0": b2_0,
            "W1_1": W1_1, "b1_1": b1_1, "W2_1": W2_1, "b2_1": b2_1}

def reference(x, pos, edge_index, edge_attr, graph_idx,
              W_node, b_node, W_edge, b_edge,
              W1_0, b1_0, W2_0, b2_0, W1_1, b1_1, W2_1, b2_1):
    x = jnp.nan_to_num(x)
    pos = jnp.nan_to_num(pos)
    pos = jnp.nan_to_num(pos, nan=0.0, posinf=0.0, neginf=0.0)
    pos = jnp.clip(pos, -20.0, 20.0)
    edge_attr = jnp.nan_to_num(edge_attr)
    h = x @ W_node + b_node
    e = edge_attr @ W_edge + b_edge
    h = jnp.nan_to_num(h, nan=0.0)
    pos = jnp.nan_to_num(pos, nan=0.0, posinf=1.0, neginf=-1.0)
    e = jnp.nan_to_num(e, nan=0.0)
    i = edge_index[0]
    j = edge_index[1]
    layers = [(W1_0, b1_0, W2_0, b2_0), (W1_1, b1_1, W2_1, b2_1)]
    for (W1, b1, W2, b2) in layers:
        m = jnp.concatenate([h[i], h[j]], axis=-1)
        m = jax.nn.silu(m @ W1 + b1) @ W2 + b2
        agg = jnp.zeros_like(h).at[i].add(m)
        h = jax.nn.silu(h + agg)
    return (h, pos)

if __name__ == "__main__":
    import jax
    _d = setup_inputs()
    print(jax.jit(kernel)(*tuple(_d.values())))

</pallas_src>

<mosaic_0001>
#map = affine_map<(d0, d1) -> (0)>
#map1 = affine_map<(d0, d1) -> (0, 0)>
#map2 = affine_map<(d0, d1) -> (0, 0, 0)>
module attributes {stable_mosaic.version = 14 : i64} {
  func.func @_sc_edge_body(%arg0: i32, %arg1: i32, %arg2: memref<16xi32, #tpu.memory_space<hbm>>, %arg3: memref<320000xi32, #tpu.memory_space<hbm>>, %arg4: memref<320000xi32, #tpu.memory_space<hbm>>, %arg5: memref<10000x128xf32, #tpu.memory_space<hbm>>, %arg6: memref<10000x128xf32, #tpu.memory_space<hbm>>, %arg7: memref<2x5120x128xf32, #tpu.memory_space<hbm>>, %arg8: memref<2x5120x16xf32, #tpu.memory_space<hbm>>, %arg9: memref<80xi32, #tpu.memory_space<vmem>>, %arg10: memref<80xi32, #tpu.memory_space<vmem>>, %arg11: memref<80xi32, #tpu.memory_space<vmem>>, %arg12: memref<80x128xf32, #tpu.memory_space<vmem>>, %arg13: memref<80x128xf32, #tpu.memory_space<vmem>>, %arg14: memref<80x16xf32, #tpu.memory_space<vmem>>, %arg15: memref<82x16xf32, #tpu.memory_space<vmem>>, %arg16: memref<16xi32, #tpu.memory_space<vmem>>, %arg17: memref<!tpu.dma_semaphore, #tpu.memory_space<semaphore_mem>>, %arg18: memref<!tpu.dma_semaphore, #tpu.memory_space<semaphore_mem>>, %arg19: memref<5248x128xf32, #tpu.memory_space<vmem_shared>>, %arg20: memref<5248x16xf32, #tpu.memory_space<vmem_shared>>) attributes {dimension_semantics = [#tpu.dimension_semantics<core_parallel>, #tpu.dimension_semantics<subcore_parallel>], iteration_bounds = array<i64: 2, 16>, scalar_prefetch = 0 : i64, scratch_operands = 12 : i64, tpu.core_type = #tpu.core_type<sc_vector_subcore>, window_params = [{transform_indices = #map}, {transform_indices = #map}, {transform_indices = #map}, {transform_indices = #map1}, {transform_indices = #map1}, {transform_indices = #map2}, {transform_indices = #map2}]} {
    %mul3A = arith.constant 16 : i32
    %mul3A_0 = arith.muli %arg0, %mul3A : i32
    %add3A = arith.addi %mul3A_0, %arg1 : i32
    "tpu.region"() ({
      %run_scoped3A = tpu.sem_alloc : memref<!tpu.dma_semaphore, #tpu.memory_space<semaphore_mem>>
      tpu.enqueue_dma source(%arg2 : memref<16xi32, #tpu.memory_space<hbm>>) target(%arg16 : memref<16xi32, #tpu.memory_space<vmem>>) target_semaphore(%run_scoped3A : memref<!tpu.dma_semaphore, #tpu.memory_space<semaphore_mem>>)
      tpu.wait_dma2 semaphore(%run_scoped3A : memref<!tpu.dma_semaphore, #tpu.memory_space<semaphore_mem>>) src(%arg2 : memref<16xi32, #tpu.memory_space<hbm>>) dst(%arg16 : memref<16xi32, #tpu.memory_space<vmem>>)
      tpu.yield
    }) : () -> ()
    %broadcast_in_dim3A = arith.constant 0.000000e+00 : f32
    %broadcast_in_dim3A_1 = vector.broadcast %broadcast_in_dim3A : f32 to vector<16xf32>
    %scan3A = arith.constant 0 : i32
    %scan3A_2 = arith.constant 0 : i32
    %scan3A_3 = arith.constant 80 : i32
    %scan3A_4 = arith.addi %scan3A_2, %scan3A_3 : i32
    %scan3A_5 = arith.constant 1 : i32
    %scan3A_6 = scf.for %scan3A_76 = %scan3A_2 to %scan3A_4 step %scan3A_5 iter_args(%scan3A_77 = %scan3A) -> (i32)  : i32 {
      %swap3A = arith.index_cast %scan3A_76 : i32 to index
      %swap3A_78 = arith.constant 0 : index
      %swap3A_79 = tpu.vector_load %arg12[%swap3A, %swap3A_78] {strides = array<i32>} : memref<80x128xf32, #tpu.memory_space<vmem>>, vector<1x16xf32>,
      %swap3A_80 = vector.shape_cast %swap3A_79 : vector<1x16xf32> to vector<16xf32>
      %swap3A_81 = vector.shape_cast %broadcast_in_dim3A_1 : vector<16xf32> to vector<1x16xf32>
      tpu.vector_store %arg12[%swap3A, %swap3A_78], %swap3A_81 {strides = array<i32>} : memref<80x128xf32, #tpu.memory_space<vmem>>, vector<1x16xf32>,
      %swap3A_82 = arith.index_cast %scan3A_76 : i32 to index
      %swap3A_83 = arith.constant 16 : index
      %swap3A_84 = tpu.vector_load %arg12[%swap3A_82, %swap3A_83] {strides = array<i32>} : memref<80x128xf32, #tpu.memory_space<vmem>>, vector<1x16xf32>,
      %swap3A_85 = vector.shape_cast %swap3A_84 : vector<1x16xf32> to vector<16xf32>
      %swap3A_86 = vector.shape_cast %broadcast_in_dim3A_1 : vector<16xf32> to vector<1x16xf32>
      tpu.vector_store %arg12[%swap3A_82, %swap3A_83], %swap3A_86 {strides = array<i32>} : memref<80x128xf32, #tpu.memory_space<vmem>>, vector<1x16xf32>,
      %swap3A_87 = arith.index_cast %scan3A_76 : i32 to index
      %swap3A_88 = arith.constant 32 : index
      %swap3A_89 = tpu.vector_load %arg12[%swap3A_87, %swap3A_88] {strides = array<i32>} : memref<80x128xf32, #tpu.memory_space<vmem>>, vector<1x16xf32>,
      %swap3A_90 = vector.shape_cast %swap3A_89 : vector<1x16xf32> to vector<16xf32>
      %swap3A_91 = vector.shape_cast %broadcast_in_dim3A_1 : vector<16xf32> to vector<1x16xf32>
      tpu.vector_store %arg12[%swap3A_87, %swap3A_88], %swap3A_91 {strides = array<i32>} : memref<80x128xf32, #tpu.memory_space<vmem>>, vector<1x16xf32>,
      %swap3A_92 = arith.index_cast %scan3A_76 : i32 to index
      %swap3A_93 = arith.constant 48 : index
      %swap3A_94 = tpu.vector_load %arg12[%swap3A_92, %swap3A_93] {strides = array<i32>} : memref<80x128xf32, #tpu.memory_space<vmem>>, vector<1x16xf32>,
      %swap3A_95 = vector.shape_cast %swap3A_94 : vector<1x16xf32> to vector<16xf32>
      %swap3A_96 = vector.shape_cast %broadcast_in_dim3A_1 : vector<16xf32> to vector<1x16xf32>
      tpu.vector_store %arg12[%swap3A_92, %swap3A_93], %swap3A_96 {strides = array<i32>} : memref<80x128xf32, #tpu.memory_space<vmem>>, vector<1x16xf32>,
      %swap3A_97 = arith.index_cast %scan3A_76 : i32 to index
      %swap3A_98 = arith.constant 64 : index
      %swap3A_99 = tpu.vector_load %arg12[%swap3A_97, %swap3A_98] {strides = array<i32>} : memref<80x128xf32, #tpu.memory_space<vmem>>, vector<1x16xf32>,
      %swap3A_100 = vector.shape_cast %swap3A_99 : vector<1x16xf32> to vector<16xf32>
      %swap3A_101 = vector.shape_cast %broadcast_in_dim3A_1 : vector<16xf32> to vector<1x16xf32>
      tpu.vector_store %arg12[%swap3A_97, %swap3A_98], %swap3A_101 {strides = array<i32>} : memref<80x128xf32, #tpu.memory_space<vmem>>, vector<1x16xf32>,
      %swap3A_102 = arith.index_cast %scan3A_76 : i32 to index
      %swap3A_103 = arith.constant 80 : index
      %swap3A_104 = tpu.vector_load %arg12[%swap3A_102, %swap3A_103] {strides = array<i32>} : memref<80x128xf32, #tpu.memory_space<vmem>>, vector<1x16xf32>,
      %swap3A_105 = vector.shape_cast %swap3A_104 : vector<1x16xf32> to vector<16xf32>
      %swap3A_106 = vector.shape_cast %broadcast_in_dim3A_1 : vector<16xf32> to vector<1x16xf32>
      tpu.vector_store %arg12[%swap3A_102, %swap3A_103], %swap3A_106 {strides = array<i32>} : memref<80x128xf32, #tpu.memory_space<vmem>>, vector<1x16xf32>,
      %swap3A_107 = arith.index_cast %scan3A_76 : i32 to index
      %swap3A_108 = arith.constant 96 : index
      %swap3A_109 = tpu.vector_load %arg12[%swap3A_107, %swap3A_108] {strides = array<i32>} : memref<80x128xf32, #tpu.memory_space<vmem>>, vector<1x16xf32>,
      %swap3A_110 = vector.shape_cast %swap3A_109 : vector<1x16xf32> to vector<16xf32>
      %swap3A_111 = vector.shape_cast %broadcast_in_dim3A_1 : vector<16xf32> to vector<1x16xf32>
      tpu.vector_store %arg12[%swap3A_107, %swap3A_108], %swap3A_111 {strides = array<i32>} : memref<80x128xf32, #tpu.memory_space<vmem>>, vector<1x16xf32>,
      %swap3A_112 = arith.index_cast %scan3A_76 : i32 to index
      %swap3A_113 = arith.constant 112 : index
      %swap3A_114 = tpu.vector_load %arg12[%swap3A_112, %swap3A_113] {strides = array<i32>} : memref<80x128xf32, #tpu.memory_space<vmem>>, vector<1x16xf32>,
      %swap3A_115 = vector.shape_cast %swap3A_114 : vector<1x16xf32> to vector<16xf32>
      %swap3A_116 = vector.shape_cast %broadcast_in_dim3A_1 : vector<16xf32> to vector<1x16xf32>
      tpu.vector_store %arg12[%swap3A_112, %swap3A_113], %swap3A_116 {strides = array<i32>} : memref<80x128xf32, #tpu.memory_space<vmem>>, vector<1x16xf32>,
      %scan3A_117 = arith.constant 0 : i32
      scf.yield %scan3A_117 : i32
    }
    %scan3A_7 = arith.constant 80 : i32
    %mul3A_8 = arith.constant 328 : i32
    %mul3A_9 = arith.muli %arg1, %mul3A_8 : i32
    %add3A_10 = arith.constant 0 : i32
    %add3A_11 = arith.addi %mul3A_9, %add3A_10 : i32
    "tpu.region"() ({
      %run_scoped3A = tpu.sem_alloc : memref<!tpu.dma_semaphore, #tpu.memory_space<semaphore_mem>>
      %dma_start3A = arith.constant 0 : i32
      %dma_start3A_76 = tpu.memref_slice %arg19[%add3A_11, %dma_start3A] : memref<5248x128xf32, #tpu.memory_space<vmem_shared>> -> memref<80x128xf32, #tpu.memory_space<vmem_shared>>
      %dma_start3A_77 = arith.constant 0 : i32
      %dma_start3A_78 = tpu.memref_slice %arg19[%add3A_11, %dma_start3A_77] : memref<5248x128xf32, #tpu.memory_space<vmem_shared>> -> memref<80x128xf32, #tpu.memory_space<vmem_shared>>
      tpu.enqueue_dma source(%arg12 : memref<80x128xf32, #tpu.memory_space<vmem>>) target(%dma_start3A_78 : memref<80x128xf32, #tpu.memory_space<vmem_shared>>) target_semaphore(%run_scoped3A : memref<!tpu.dma_semaphore, #tpu.memory_space<semaphore_mem>>)
      %dma_wait3A = arith.constant 0 : i32
      %dma_wait3A_79 = tpu.memref_slice %arg19[%add3A_11, %dma_wait3A] : memref<5248x128xf32, #tpu.memory_space<vmem_shared>> -> memref<80x128xf32, #tpu.memory_space<vmem_shared>>
      %dma_wait3A_80 = arith.constant 0 : i32
      %dma_wait3A_81 = tpu.memref_slice %arg19[%add3A_11, %dma_wait3A_80] : memref<5248x128xf32, #tpu.memory_space<vmem_shared>> -> memref<80x128xf32, #tpu.memory_space<vmem_shared>>
      tpu.wait_dma2 semaphore(%run_scoped3A : memref<!tpu.dma_semaphore, #tpu.memory_space<semaphore_mem>>) src(%arg12 : memref<80x128xf32, #tpu.memory_space<vmem>>) dst(%dma_wait3A_81 : memref<80x128xf32, #tpu.memory_space<vmem_shared>>)
      tpu.yield
    }) : () -> ()
    %mul3A_12 = arith.constant 328 : i32
    %mul3A_13 = arith.muli %arg1, %mul3A_12 : i32
    %add3A_14 = arith.constant 80 : i32
    %add3A_15 = arith.addi %mul3A_13, %add3A_14 : i32
    "tpu.region"() ({
      %run_scoped3A = tpu.sem_alloc : memref<!tpu.dma_semaphore, #tpu.memory_space<semaphore_mem>>
      %dma_start3A = arith.constant 0 : i32
      %dma_start3A_76 = tpu.memref_slice %arg19[%add3A_15, %dma_start3A] : memref<5248x128xf32, #tpu.memory_space<vmem_shared>> -> memref<80x128xf32, #tpu.memory_space<vmem_shared>>
      %dma_start3A_77 = arith.constant 0 : i32
      %dma_start3A_78 = tpu.memref_slice %arg19[%add3A_15, %dma_start3A_77] : memref<5248x128xf32, #tpu.memory_space<vmem_shared>> -> memref<80x128xf32, #tpu.memory_space<vmem_shared>>
      tpu.enqueue_dma source(%arg12 : memref<80x128xf32, #tpu.memory_space<vmem>>) target(%dma_start3A_78 : memref<80x128xf32, #tpu.memory_space<vmem_shared>>) target_semaphore(%run_scoped3A : memref<!tpu.dma_semaphore, #tpu.memory_space<semaphore_mem>>)
      %dma_wait3A = arith.constant 0 : i32
      %dma_wait3A_79 = tpu.memref_slice %arg19[%add3A_15, %dma_wait3A] : memref<5248x128xf32, #tpu.memory_space<vmem_shared>> -> memref<80x128xf32, #tpu.memory_space<vmem_shared>>
      %dma_wait3A_80 = arith.constant 0 : i32
      %dma_wait3A_81 = tpu.memref_slice %arg19[%add3A_15, %dma_wait3A_80] : memref<5248x128xf32, #tpu.memory_space<vmem_shared>> -> memref<80x128xf32, #tpu.memory_space<vmem_shared>>
      tpu.wait_dma2 semaphore(%run_scoped3A : memref<!tpu.dma_semaphore, #tpu.memory_space<semaphore_mem>>) src(%arg12 : memref<80x128xf32, #tpu.memory_space<vmem>>) dst(%dma_wait3A_81 : memref<80x128xf32, #tpu.memory_space<vmem_shared>>)
      tpu.yield
    }) : () -> ()
    %mul3A_16 = arith.constant 328 : i32
    %mul3A_17 = arith.muli %arg1, %mul3A_16 : i32
    %add3A_18 = arith.constant 160 : i32
    %add3A_19 = arith.addi %mul3A_17, %add3A_18 : i32
    "tpu.region"() ({
      %run_scoped3A = tpu.sem_alloc : memref<!tpu.dma_semaphore, #tpu.memory_space<semaphore_mem>>
      %dma_start3A = arith.constant 0 : i32
      %dma_start3A_76 = tpu.memref_slice %arg19[%add3A_19, %dma_start3A] : memref<5248x128xf32, #tpu.memory_space<vmem_shared>> -> memref<80x128xf32, #tpu.memory_space<vmem_shared>>
      %dma_start3A_77 = arith.constant 0 : i32
      %dma_start3A_78 = tpu.memref_slice %arg19[%add3A_19, %dma_start3A_77] : memref<5248x128xf32, #tpu.memory_space<vmem_shared>> -> memref<80x128xf32, #tpu.memory_space<vmem_shared>>
      tpu.enqueue_dma source(%arg12 : memref<80x128xf32, #tpu.memory_space<vmem>>) target(%dma_start3A_78 : memref<80x128xf32, #tpu.memory_space<vmem_shared>>) target_semaphore(%run_scoped3A : memref<!tpu.dma_semaphore, #tpu.memory_space<semaphore_mem>>)
      %dma_wait3A = arith.constant 0 : i32
      %dma_wait3A_79 = tpu.memref_slice %arg19[%add3A_19, %dma_wait3A] : memref<5248x128xf32, #tpu.memory_space<vmem_shared>> -> memref<80x128xf32, #tpu.memory_space<vmem_shared>>
      %dma_wait3A_80 = arith.constant 0 : i32
      %dma_wait3A_81 = tpu.memref_slice %arg19[%add3A_19, %dma_wait3A_80] : memref<5248x128xf32, #tpu.memory_space<vmem_shared>> -> memref<80x128xf32, #tpu.memory_space<vmem_shared>>
      tpu.wait_dma2 semaphore(%run_scoped3A : memref<!tpu.dma_semaphore, #tpu.memory_space<semaphore_mem>>) src(%arg12 : memref<80x128xf32, #tpu.memory_space<vmem>>) dst(%dma_wait3A_81 : memref<80x128xf32, #tpu.memory_space<vmem_shared>>)
      tpu.yield
    }) : () -> ()
    %mul3A_20 = arith.constant 328 : i32
    %mul3A_21 = arith.muli %arg1, %mul3A_20 : i32
    %add3A_22 = arith.constant 240 : i32
    %add3A_23 = arith.addi %mul3A_21, %add3A_22 : i32
    "tpu.region"() ({
      %run_scoped3A = tpu.sem_alloc : memref<!tpu.dma_semaphore, #tpu.memory_space<semaphore_mem>>
      %dma_start3A = arith.constant 0 : i32
      %dma_start3A_76 = tpu.memref_slice %arg19[%add3A_23, %dma_start3A] : memref<5248x128xf32, #tpu.memory_space<vmem_shared>> -> memref<80x128xf32, #tpu.memory_space<vmem_shared>>
      %dma_start3A_77 = arith.constant 0 : i32
      %dma_start3A_78 = tpu.memref_slice %arg19[%add3A_23, %dma_start3A_77] : memref<5248x128xf32, #tpu.memory_space<vmem_shared>> -> memref<80x128xf32, #tpu.memory_space<vmem_shared>>
      tpu.enqueue_dma source(%arg12 : memref<80x128xf32, #tpu.memory_space<vmem>>) target(%dma_start3A_78 : memref<80x128xf32, #tpu.memory_space<vmem_shared>>) target_semaphore(%run_scoped3A : memref<!tpu.dma_semaphore, #tpu.memory_space<semaphore_mem>>)
      %dma_wait3A = arith.constant 0 : i32
      %dma_wait3A_79 = tpu.memref_slice %arg19[%add3A_23, %dma_wait3A] : memref<5248x128xf32, #tpu.memory_space<vmem_shared>> -> memref<80x128xf32, #tpu.memory_space<vmem_shared>>
      %dma_wait3A_80 = arith.constant 0 : i32
      %dma_wait3A_81 = tpu.memref_slice %arg19[%add3A_23, %dma_wait3A_80] : memref<5248x128xf32, #tpu.memory_space<vmem_shared>> -> memref<80x128xf32, #tpu.memory_space<vmem_shared>>
      tpu.wait_dma2 semaphore(%run_scoped3A : memref<!tpu.dma_semaphore, #tpu.memory_space<semaphore_mem>>) src(%arg12 : memref<80x128xf32, #tpu.memory_space<vmem>>) dst(%dma_wait3A_81 : memref<80x128xf32, #tpu.memory_space<vmem_shared>>)
      tpu.yield
    }) : () -> ()
    %mul3A_24 = arith.constant 328 : i32
    %mul3A_25 = arith.muli %arg1, %mul3A_24 : i32
    %add3A_26 = arith.constant 320 : i32
    %add3A_27 = arith.addi %mul3A_25, %add3A_26 : i32
    "tpu.region"() ({
      %run_scoped3A = tpu.sem_alloc : memref<!tpu.dma_semaphore, #tpu.memory_space<semaphore_mem>>
      %dma_start3A = arith.constant 0 : i32
      %dma_start3A_76 = arith.constant 0 : i32
      %dma_start3A_77 = tpu.memref_slice %arg12[%dma_start3A, %dma_start3A_76] : memref<80x128xf32, #tpu.memory_space<vmem>> -> memref<8x128xf32, #tpu.memory_space<vmem>>
      %dma_start3A_78 = arith.constant 0 : i32
      %dma_start3A_79 = tpu.memref_slice %arg19[%add3A_27, %dma_start3A_78] : memref<5248x128xf32, #tpu.memory_space<vmem_shared>> -> memref<8x128xf32, #tpu.memory_space<vmem_shared>>
      %dma_start3A_80 = arith.constant 0 : i32
      %dma_start3A_81 = tpu.memref_slice %arg19[%add3A_27, %dma_start3A_80] : memref<5248x128xf32, #tpu.memory_space<vmem_shared>> -> memref<8x128xf32, #tpu.memory_space<vmem_shared>>
      %dma_start3A_82 = arith.constant 0 : i32
      %dma_start3A_83 = arith.constant 0 : i32
      %dma_start3A_84 = tpu.memref_slice %arg12[%dma_start3A_82, %dma_start3A_83] : memref<80x128xf32, #tpu.memory_space<vmem>> -> memref<8x128xf32, #tpu.memory_space<vmem>>
      tpu.enqueue_dma source(%dma_start3A_84 : memref<8x128xf32, #tpu.memory_space<vmem>>) target(%dma_start3A_81 : memref<8x128xf32, #tpu.memory_space<vmem_shared>>) target_semaphore(%run_scoped3A : memref<!tpu.dma_semaphore, #tpu.memory_space<semaphore_mem>>)
      %dma_wait3A = arith.constant 0 : i32
      %dma_wait3A_85 = arith.constant 0 : i32
      %dma_wait3A_86 = tpu.memref_slice %arg12[%dma_wait3A, %dma_wait3A_85] : memref<80x128xf32, #tpu.memory_space<vmem>> -> memref<8x128xf32, #tpu.memory_space<vmem>>
      %dma_wait3A_87 = arith.constant 0 : i32
      %dma_wait3A_88 = tpu.memref_slice %arg19[%add3A_27, %dma_wait3A_87] : memref<5248x128xf32, #tpu.memory_space<vmem_shared>> -> memref<8x128xf32, #tpu.memory_space<vmem_shared>>
      %dma_wait3A_89 = arith.constant 0 : i32
      %dma_wait3A_90 = tpu.memref_slice %arg19[%add3A_27, %dma_wait3A_89] : memref<5248x128xf32, #tpu.memory_space<vmem_shared>> -> memref<8x128xf32, #tpu.memory_space<vmem_shared>>
      %dma_wait3A_91 = arith.constant 0 : i32
      %dma_wait3A_92 = arith.constant 0 : i32
      %dma_wait3A_93 = tpu.memref_slice %arg12[%dma_wait3A_91, %dma_wait3A_92] : memref<80x128xf32, #tpu.memory_space<vmem>> -> memref<8x128xf32, #tpu.memory_space<vmem>>
      tpu.wait_dma2 semaphore(%run_scoped3A : memref<!tpu.dma_semaphore, #tpu.memory_space<semaphore_mem>>) src(%dma_wait3A_93 : memref<8x128xf32, #tpu.memory_space<vmem>>) dst(%dma_wait3A_90 : memref<8x128xf32, #tpu.memory_space<vmem_shared>>)
      tpu.yield
    }) : () -> ()
    %scan3A_28 = arith.constant 0 : i32
    %scan3A_29 = arith.constant 0 : i32
    %scan3A_30 = arith.constant 82 : i32
    %scan3A_31 = arith.addi %scan3A_29, %scan3A_30 : i32
    %scan3A_32 = arith.constant 1 : i32
    %scan3A_33 = scf.for %scan3A_76 = %scan3A_29 to %scan3A_31 step %scan3A_32 iter_args(%scan3A_77 = %scan3A_28) -> (i32)  : i32 {
      %swap3A = arith.index_cast %scan3A_76 : i32 to index
      %swap3A_78 = arith.constant 0 : index
      %swap3A_79 = tpu.vector_load %arg15[%swap3A, %swap3A_78] {strides = array<i32>} : memref<82x16xf32, #tpu.memory_space<vmem>>, vector<1x16xf32>,
      %swap3A_80 = vector.shape_cast %swap3A_79 : vector<1x16xf32> to vector<16xf32>
      %swap3A_81 = vector.shape_cast %broadcast_in_dim3A_1 : vector<16xf32> to vector<1x16xf32>
      tpu.vector_store %arg15[%swap3A, %swap3A_78], %swap3A_81 {strides = array<i32>} : memref<82x16xf32, #tpu.memory_space<vmem>>, vector<1x16xf32>,
      %scan3A_82 = arith.constant 0 : i32
      scf.yield %scan3A_82 : i32
    }
    %scan3A_34 = arith.constant 82 : i32
    %mul3A_35 = arith.constant 328 : i32
    %mul3A_36 = arith.muli %arg1, %mul3A_35 : i32
    %add3A_37 = arith.constant 0 : i32
    %add3A_38 = arith.addi %mul3A_36, %add3A_37 : i32
    "tpu.region"() ({
      %run_scoped3A = tpu.sem_alloc : memref<!tpu.dma_semaphore, #tpu.memory_space<semaphore_mem>>
      %dma_start3A = arith.constant 0 : i32
      %dma_start3A_76 = tpu.memref_slice %arg20[%add3A_38, %dma_start3A] : memref<5248x16xf32, #tpu.memory_space<vmem_shared>> -> memref<82x16xf32, #tpu.memory_space<vmem_shared>>
      %dma_start3A_77 = arith.constant 0 : i32
      %dma_start3A_78 = tpu.memref_slice %arg20[%add3A_38, %dma_start3A_77] : memref<5248x16xf32, #tpu.memory_space<vmem_shared>> -> memref<82x16xf32, #tpu.memory_space<vmem_shared>>
      tpu.enqueue_dma source(%arg15 : memref<82x16xf32, #tpu.memory_space<vmem>>) target(%dma_start3A_78 : memref<82x16xf32, #tpu.memory_space<vmem_shared>>) target_semaphore(%run_scoped3A : memref<!tpu.dma_semaphore, #tpu.memory_space<semaphore_mem>>)
      %dma_wait3A = arith.constant 0 : i32
      %dma_wait3A_79 = tpu.memref_slice %arg20[%add3A_38, %dma_wait3A] : memref<5248x16xf32, #tpu.memory_space<vmem_shared>> -> memref<82x16xf32, #tpu.memory_space<vmem_shared>>
      %dma_wait3A_80 = arith.constant 0 : i32
      %dma_wait3A_81 = tpu.memref_slice %arg20[%add3A_38, %dma_wait3A_80] : memref<5248x16xf32, #tpu.memory_space<vmem_shared>> -> memref<82x16xf32, #tpu.memory_space<vmem_shared>>
      tpu.wait_dma2 semaphore(%run_scoped3A : memref<!tpu.dma_semaphore, #tpu.memory_space<semaphore_mem>>) src(%arg15 : memref<82x16xf32, #tpu.memory_space<vmem>>) dst(%dma_wait3A_81 : memref<82x16xf32, #tpu.memory_space<vmem_shared>>)
      tpu.yield
    }) : () -> ()
    %mul3A_39 = arith.constant 328 : i32
    %mul3A_40 = arith.muli %arg1, %mul3A_39 : i32
    %add3A_41 = arith.constant 82 : i32
    %add3A_42 = arith.addi %mul3A_40, %add3A_41 : i32
    "tpu.region"() ({
      %run_scoped3A = tpu.sem_alloc : memref<!tpu.dma_semaphore, #tpu.memory_space<semaphore_mem>>
      %dma_start3A = arith.constant 0 : i32
      %dma_start3A_76 = tpu.memref_slice %arg20[%add3A_42, %dma_start3A] : memref<5248x16xf32, #tpu.memory_space<vmem_shared>> -> memref<82x16xf32, #tpu.memory_space<vmem_shared>>
      %dma_start3A_77 = arith.constant 0 : i32
      %dma_start3A_78 = tpu.memref_slice %arg20[%add3A_42, %dma_start3A_77] : memref<5248x16xf32, #tpu.memory_space<vmem_shared>> -> memref<82x16xf32, #tpu.memory_space<vmem_shared>>
      tpu.enqueue_dma source(%arg15 : memref<82x16xf32, #tpu.memory_space<vmem>>) target(%dma_start3A_78 : memref<82x16xf32, #tpu.memory_space<vmem_shared>>) target_semaphore(%run_scoped3A : memref<!tpu.dma_semaphore, #tpu.memory_space<semaphore_mem>>)
      %dma_wait3A = arith.constant 0 : i32
      %dma_wait3A_79 = tpu.memref_slice %arg20[%add3A_42, %dma_wait3A] : memref<5248x16xf32, #tpu.memory_space<vmem_shared>> -> memref<82x16xf32, #tpu.memory_space<vmem_shared>>
      %dma_wait3A_80 = arith.constant 0 : i32
      %dma_wait3A_81 = tpu.memref_slice %arg20[%add3A_42, %dma_wait3A_80] : memref<5248x16xf32, #tpu.memory_space<vmem_shared>> -> memref<82x16xf32, #tpu.memory_space<vmem_shared>>
      tpu.wait_dma2 semaphore(%run_scoped3A : memref<!tpu.dma_semaphore, #tpu.memory_space<semaphore_mem>>) src(%arg15 : memref<82x16xf32, #tpu.memory_space<vmem>>) dst(%dma_wait3A_81 : memref<82x16xf32, #tpu.memory_space<vmem_shared>>)
      tpu.yield
    }) : () -> ()
    %mul3A_43 = arith.constant 328 : i32
    %mul3A_44 = arith.muli %arg1, %mul3A_43 : i32
    %add3A_45 = arith.constant 164 : i32
    %add3A_46 = arith.addi %mul3A_44, %add3A_45 : i32
    "tpu.region"() ({
      %run_scoped3A = tpu.sem_alloc : memref<!tpu.dma_semaphore, #tpu.memory_space<semaphore_mem>>
      %dma_start3A = arith.constant 0 : i32
      %dma_start3A_76 = tpu.memref_slice %arg20[%add3A_46, %dma_start3A] : memref<5248x16xf32, #tpu.memory_space<vmem_shared>> -> memref<82x16xf32, #tpu.memory_space<vmem_shared>>
      %dma_start3A_77 = arith.constant 0 : i32
      %dma_start3A_78 = tpu.memref_slice %arg20[%add3A_46, %dma_start3A_77] : memref<5248x16xf32, #tpu.memory_space<vmem_shared>> -> memref<82x16xf32, #tpu.memory_space<vmem_shared>>
      tpu.enqueue_dma source(%arg15 : memref<82x16xf32, #tpu.memory_space<vmem>>) target(%dma_start3A_78 : memref<82x16xf32, #tpu.memory_space<vmem_shared>>) target_semaphore(%run_scoped3A : memref<!tpu.dma_semaphore, #tpu.memory_space<semaphore_mem>>)
      %dma_wait3A = arith.constant 0 : i32
      %dma_wait3A_79 = tpu.memref_slice %arg20[%add3A_46, %dma_wait3A] : memref<5248x16xf32, #tpu.memory_space<vmem_shared>> -> memref<82x16xf32, #tpu.memory_space<vmem_shared>>
      %dma_wait3A_80 = arith.constant 0 : i32
      %dma_wait3A_81 = tpu.memref_slice %arg20[%add3A_46, %dma_wait3A_80] : memref<5248x16xf32, #tpu.memory_space<vmem_shared>> -> memref<82x16xf32, #tpu.memory_space<vmem_shared>>
      tpu.wait_dma2 semaphore(%run_scoped3A : memref<!tpu.dma_semaphore, #tpu.memory_space<semaphore_mem>>) src(%arg15 : memref<82x16xf32, #tpu.memory_space<vmem>>) dst(%dma_wait3A_81 : memref<82x16xf32, #tpu.memory_space<vmem_shared>>)
      tpu.yield
    }) : () -> ()
    %mul3A_47 = arith.constant 328 : i32
    %mul3A_48 = arith.muli %arg1, %mul3A_47 : i32
    %add3A_49 = arith.constant 246 : i32
    %add3A_50 = arith.addi %mul3A_48, %add3A_49 : i32
    "tpu.region"() ({
      %run_scoped3A = tpu.sem_alloc : memref<!tpu.dma_semaphore, #tpu.memory_space<semaphore_mem>>
      %dma_start3A = arith.constant 0 : i32
      %dma_start3A_76 = tpu.memref_slice %arg20[%add3A_50, %dma_start3A] : memref<5248x16xf32, #tpu.memory_space<vmem_shared>> -> memref<82x16xf32, #tpu.memory_space<vmem_shared>>
      %dma_start3A_77 = arith.constant 0 : i32
      %dma_start3A_78 = tpu.memref_slice %arg20[%add3A_50, %dma_start3A_77] : memref<5248x16xf32, #tpu.memory_space<vmem_shared>> -> memref<82x16xf32, #tpu.memory_space<vmem_shared>>
      tpu.enqueue_dma source(%arg15 : memref<82x16xf32, #tpu.memory_space<vmem>>) target(%dma_start3A_78 : memref<82x16xf32, #tpu.memory_space<vmem_shared>>) target_semaphore(%run_scoped3A : memref<!tpu.dma_semaphore, #tpu.memory_space<semaphore_mem>>)
      %dma_wait3A = arith.constant 0 : i32
      %dma_wait3A_79 = tpu.memref_slice %arg20[%add3A_50, %dma_wait3A] : memref<5248x16xf32, #tpu.memory_space<vmem_shared>> -> memref<82x16xf32, #tpu.memory_space<vmem_shared>>
      %dma_wait3A_80 = arith.constant 0 : i32
      %dma_wait3A_81 = tpu.memref_slice %arg20[%add3A_50, %dma_wait3A_80] : memref<5248x16xf32, #tpu.memory_space<vmem_shared>> -> memref<82x16xf32, #tpu.memory_space<vmem_shared>>
      tpu.wait_dma2 semaphore(%run_scoped3A : memref<!tpu.dma_semaphore, #tpu.memory_space<semaphore_mem>>) src(%arg15 : memref<82x16xf32, #tpu.memory_space<vmem>>) dst(%dma_wait3A_81 : memref<82x16xf32, #tpu.memory_space<vmem_shared>>)
      tpu.yield
    }) : () -> ()
    %broadcast_in_dim3A_51 = arith.constant 1.000000e+00 : f32
    %broadcast_in_dim3A_52 = vector.broadcast %broadcast_in_dim3A_51 : f32 to vector<16xf32>
    %scan3A_53 = arith.constant 0 : i32
    %scan3A_54 = arith.constant 0 : i32
    %scan3A_55 = arith.constant 80 : i32
    %scan3A_56 = arith.addi %scan3A_54, %scan3A_55 : i32
    %scan3A_57 = arith.constant 1 : i32
    %scan3A_58 = scf.for %scan3A_76 = %scan3A_54 to %scan3A_56 step %scan3A_57 iter_args(%scan3A_77 = %scan3A_53) -> (i32)  : i32 {
      %swap3A = arith.index_cast %scan3A_76 : i32 to index
      %swap3A_78 = arith.constant 0 : index
      %swap3A_79 = tpu.vector_load %arg14[%swap3A, %swap3A_78] {strides = array<i32>} : memref<80x16xf32, #tpu.memory_space<vmem>>, vector<1x16xf32>,
      %swap3A_80 = vector.shape_cast %swap3A_79 : vector<1x16xf32> to vector<16xf32>
      %swap3A_81 = vector.shape_cast %broadcast_in_dim3A_52 : vector<16xf32> to vector<1x16xf32>
      tpu.vector_store %arg14[%swap3A, %swap3A_78], %swap3A_81 {strides = array<i32>} : memref<80x16xf32, #tpu.memory_space<vmem>>, vector<1x16xf32>,
      %scan3A_82 = arith.constant 0 : i32
      scf.yield %scan3A_82 : i32
    }
    %scan3A_59 = arith.constant 80 : i32
    %barrier3A = arith.constant 0 : index
    tpu.barrier barrier_id(%barrier3A)
    %scan3A_60 = arith.constant 0 : i32
    %scan3A_61 = arith.constant 0 : i32
    %scan3A_62 = arith.constant 125 : i32
    %scan3A_63 = arith.addi %scan3A_61, %scan3A_62 : i32
    %scan3A_64 = arith.constant 1 : i32
    %scan3A_65 = scf.for %scan3A_76 = %scan3A_61 to %scan3A_63 step %scan3A_64 iter_args(%scan3A_77 = %scan3A_60) -> (i32)  : i32 {
      %mul3A_78 = arith.constant 10000 : i32
      %mul3A_79 = arith.muli %add3A, %mul3A_78 : i32
      %mul3A_80 = arith.constant 80 : i32
      %mul3A_81 = arith.muli %scan3A_76, %mul3A_80 : i32
      %add3A_82 = arith.addi %mul3A_79, %mul3A_81 : i32
      "tpu.region"() ({
        %run_scoped3A = tpu.sem_alloc : memref<!tpu.dma_semaphore, #tpu.memory_space<semaphore_mem>>
        %dma_start3A_186 = tpu.memref_slice %arg3[%add3A_82] : memref<320000xi32, #tpu.memory_space<hbm>> -> memref<80xi32, #tpu.memory_space<hbm>>
        %dma_start3A_187 = tpu.memref_slice %arg3[%add3A_82] : memref<320000xi32, #tpu.memory_space<hbm>> -> memref<80xi32, #tpu.memory_space<hbm>>
        tpu.enqueue_dma source(%dma_start3A_187 : memref<80xi32, #tpu.memory_space<hbm>>) target(%arg9 : memref<80xi32, #tpu.memory_space<vmem>>) target_semaphore(%run_scoped3A : memref<!tpu.dma_semaphore, #tpu.memory_space<semaphore_mem>>)
        %dma_wait3A_188 = tpu.memref_slice %arg3[%add3A_82] : memref<320000xi32, #tpu.memory_space<hbm>> -> memref<80xi32, #tpu.memory_space<hbm>>
        %dma_wait3A_189 = tpu.memref_slice %arg3[%add3A_82] : memref<320000xi32, #tpu.memory_space<hbm>> -> memref<80xi32, #tpu.memory_space<hbm>>
        tpu.wait_dma2 semaphore(%run_scoped3A : memref<!tpu.dma_semaphore, #tpu.memory_space<semaphore_mem>>) src(%dma_wait3A_189 : memref<80xi32, #tpu.memory_space<hbm>>) dst(%arg9 : memref<80xi32, #tpu.memory_space<vmem>>)
        tpu.yield
      }) : () -> ()
      "tpu.region"() ({
        %run_scoped3A = tpu.sem_alloc : memref<!tpu.dma_semaphore, #tpu.memory_space<semaphore_mem>>
        %dma_start3A_186 = tpu.memref_slice %arg4[%add3A_82] : memref<320000xi32, #tpu.memory_space<hbm>> -> memref<80xi32, #tpu.memory_space<hbm>>
        %dma_start3A_187 = tpu.memref_slice %arg4[%add3A_82] : memref<320000xi32, #tpu.memory_space<hbm>> -> memref<80xi32, #tpu.memory_space<hbm>>
        tpu.enqueue_dma source(%dma_start3A_187 : memref<80xi32, #tpu.memory_space<hbm>>) target(%arg10 : memref<80xi32, #tpu.memory_space<vmem>>) target_semaphore(%run_scoped3A : memref<!tpu.dma_semaphore, #tpu.memory_space<semaphore_mem>>)
        %dma_wait3A_188 = tpu.memref_slice %arg4[%add3A_82] : memref<320000xi32, #tpu.memory_space<hbm>> -> memref<80xi32, #tpu.memory_space<hbm>>
        %dma_wait3A_189 = tpu.memref_slice %arg4[%add3A_82] : memref<320000xi32, #tpu.memory_space<hbm>> -> memref<80xi32, #tpu.memory_space<hbm>>
        tpu.wait_dma2 semaphore(%run_scoped3A : memref<!tpu.dma_semaphore, #tpu.memory_space<semaphore_mem>>) src(%dma_wait3A_189 : memref<80xi32, #tpu.memory_space<hbm>>) dst(%arg10 : memref<80xi32, #tpu.memory_space<vmem>>)
        tpu.yield
      }) : () -> ()
      %dma_start3A = arith.constant 0 : i32
      %dma_start3A_83 = arith.constant 0 : i32
      %dma_start3A_84 = tpu.memref_slice %arg5[%dma_start3A, %dma_start3A_83] : memref<10000x128xf32, #tpu.memory_space<hbm>> -> memref<10000x128xf32, #tpu.memory_space<hbm>>
      tpu.enqueue_indirect_dma source(%dma_start3A_84 : memref<10000x128xf32, #tpu.memory_space<hbm>>) target(%arg12 : memref<80x128xf32, #tpu.memory_space<vmem>>) offsets(%arg9 : memref<80xi32, #tpu.memory_space<vmem>>) semaphore(%arg17 : memref<!tpu.dma_semaphore, #tpu.memory_space<semaphore_mem>>)
      %dma_start3A_85 = arith.constant 0 : i32
      %dma_start3A_86 = arith.constant 0 : i32
      %dma_start3A_87 = tpu.memref_slice %arg6[%dma_start3A_85, %dma_start3A_86] : memref<10000x128xf32, #tpu.memory_space<hbm>> -> memref<10000x128xf32, #tpu.memory_space<hbm>>
      tpu.enqueue_indirect_dma source(%dma_start3A_87 : memref<10000x128xf32, #tpu.memory_space<hbm>>) target(%arg13 : memref<80x128xf32, #tpu.memory_space<vmem>>) offsets(%arg10 : memref<80xi32, #tpu.memory_space<vmem>>) semaphore(%arg18 : memref<!tpu.dma_semaphore, #tpu.memory_space<semaphore_mem>>)
      %get3A = arith.constant 0 : index
      %get3A_88 = tpu.vector_load %arg16[%get3A] {strides = array<i32>} : memref<16xi32, #tpu.memory_space<vmem>>, vector<16xi32>,
      %get3A_89 = vector.shape_cast %get3A_88 : vector<16xi32> to vector<16xi32>
      %get3A_90 = arith.constant 0 : index
      %get3A_91 = tpu.vector_load %arg9[%get3A_90] {strides = array<i32>} : memref<80xi32, #tpu.memory_space<vmem>>, vector<16xi32>,
      %get3A_92 = vector.shape_cast %get3A_91 : vector<16xi32> to vector<16xi32>
      %sub3A = arith.subi %get3A_92, %get3A_89 : vector<16xi32>
      %lt3A = arith.constant 0 : i32
      %lt3A_93 = vector.broadcast %lt3A : i32 to vector<16xi32>
      %lt3A_94 = arith.cmpi slt, %sub3A, %lt3A_93 : vector<16xi32>
      %ge3A = arith.constant 5120 : i32
      %ge3A_95 = vector.broadcast %ge3A : i32 to vector<16xi32>
      %ge3A_96 = arith.cmpi sge, %sub3A, %ge3A_95 : vector<16xi32>
      %or3A = arith.ori %lt3A_94, %ge3A_96 : vector<16xi1>
      %jit3A = arith.constant 5120 : i32
      %broadcast_in_dim3A_97 = vector.broadcast %jit3A : i32 to vector<16xi32>
      %select_n3A = arith.select %or3A, %broadcast_in_dim3A_97, %sub3A : vector<16xi1>, vector<16xi32>
      %swap3A = arith.constant 0 : index
      %swap3A_98 = tpu.vector_load %arg11[%swap3A] {strides = array<i32>} : memref<80xi32, #tpu.memory_space<vmem>>, vector<16xi32>,
      %swap3A_99 = vector.shape_cast %swap3A_98 : vector<16xi32> to vector<16xi32>
      %swap3A_100 = vector.shape_cast %select_n3A : vector<16xi32> to vector<16xi32>
      tpu.vector_store %arg11[%swap3A], %swap3A_100 {strides = array<i32>} : memref<80xi32, #tpu.memory_space<vmem>>, vector<16xi32>,
      %get3A_101 = arith.constant 16 : index
      %get3A_102 = tpu.vector_load %arg9[%get3A_101] {strides = array<i32>} : memref<80xi32, #tpu.memory_space<vmem>>, vector<16xi32>,
      %get3A_103 = vector.shape_cast %get3A_102 : vector<16xi32> to vector<16xi32>
      %sub3A_104 = arith.subi %get3A_103, %get3A_89 : vector<16xi32>
      %lt3A_105 = arith.constant 0 : i32
      %lt3A_106 = vector.broadcast %lt3A_105 : i32 to vector<16xi32>
      %lt3A_107 = arith.cmpi slt, %sub3A_104, %lt3A_106 : vector<16xi32>
      %ge3A_108 = arith.constant 5120 : i32
      %ge3A_109 = vector.broadcast %ge3A_108 : i32 to vector<16xi32>
      %ge3A_110 = arith.cmpi sge, %sub3A_104, %ge3A_109 : vector<16xi32>
      %or3A_111 = arith.ori %lt3A_107, %ge3A_110 : vector<16xi1>
      %jit3A_112 = arith.constant 5120 : i32
      %broadcast_in_dim3A_113 = vector.broadcast %jit3A_112 : i32 to vector<16xi32>
      %select_n3A_114 = arith.select %or3A_111, %broadcast_in_dim3A_113, %sub3A_104 : vector<16xi1>, vector<16xi32>
      %swap3A_115 = arith.constant 16 : index
      %swap3A_116 = tpu.vector_load %arg11[%swap3A_115] {strides = array<i32>} : memref<80xi32, #tpu.memory_space<vmem>>, vector<16xi32>,
      %swap3A_117 = vector.shape_cast %swap3A_116 : vector<16xi32> to vector<16xi32>
      %swap3A_118 = vector.shape_cast %select_n3A_114 : vector<16xi32> to vector<16xi32>
      tpu.vector_store %arg11[%swap3A_115], %swap3A_118 {strides = array<i32>} : memref<80xi32, #tpu.memory_space<vmem>>, vector<16xi32>,
      %get3A_119 = arith.constant 32 : index
      %get3A_120 = tpu.vector_load %arg9[%get3A_119] {strides = array<i32>} : memref<80xi32, #tpu.memory_space<vmem>>, vector<16xi32>,
      %get3A_121 = vector.shape_cast %get3A_120 : vector<16xi32> to vector<16xi32>
      %sub3A_122 = arith.subi %get3A_121, %get3A_89 : vector<16xi32>
      %lt3A_123 = arith.constant 0 : i32
      %lt3A_124 = vector.broadcast %lt3A_123 : i32 to vector<16xi32>
      %lt3A_125 = arith.cmpi slt, %sub3A_122, %lt3A_124 : vector<16xi32>
      %ge3A_126 = arith.constant 5120 : i32
      %ge3A_127 = vector.broadcast %ge3A_126 : i32 to vector<16xi32>
      %ge3A_128 = arith.cmpi sge, %sub3A_122, %ge3A_127 : vector<16xi32>
      %or3A_129 = arith.ori %lt3A_125, %ge3A_128 : vector<16xi1>
      %jit3A_130 = arith.constant 5120 : i32
      %broadcast_in_dim3A_131 = vector.broadcast %jit3A_130 : i32 to vector<16xi32>
      %select_n3A_132 = arith.select %or3A_129, %broadcast_in_dim3A_131, %sub3A_122 : vector<16xi1>, vector<16xi32>
      %swap3A_133 = arith.constant 32 : index
      %swap3A_134 = tpu.vector_load %arg11[%swap3A_133] {strides = array<i32>} : memref<80xi32, #tpu.memory_space<vmem>>, vector<16xi32>,
      %swap3A_135 = vector.shape_cast %swap3A_134 : vector<16xi32> to vector<16xi32>
      %swap3A_136 = vector.shape_cast %select_n3A_132 : vector<16xi32> to vector<16xi32>
      tpu.vector_store %arg11[%swap3A_133], %swap3A_136 {strides = array<i32>} : memref<80xi32, #tpu.memory_space<vmem>>, vector<16xi32>,
      %get3A_137 = arith.constant 48 : index
      %get3A_138 = tpu.vector_load %arg9[%get3A_137] {strides = array<i32>} : memref<80xi32, #tpu.memory_space<vmem>>, vector<16xi32>,
      %get3A_139 = vector.shape_cast %get3A_138 : vector<16xi32> to vector<16xi32>
      %sub3A_140 = arith.subi %get3A_139, %get3A_89 : vector<16xi32>
      %lt3A_141 = arith.constant 0 : i32
      %lt3A_142 = vector.broadcast %lt3A_141 : i32 to vector<16xi32>
      %lt3A_143 = arith.cmpi slt, %sub3A_140, %lt3A_142 : vector<16xi32>
      %ge3A_144 = arith.constant 5120 : i32
      %ge3A_145 = vector.broadcast %ge3A_144 : i32 to vector<16xi32>
      %ge3A_146 = arith.cmpi sge, %sub3A_140, %ge3A_145 : vector<16xi32>
      %or3A_147 = arith.ori %lt3A_143, %ge3A_146 : vector<16xi1>
      %jit3A_148 = arith.constant 5120 : i32
      %broadcast_in_dim3A_149 = vector.broadcast %jit3A_148 : i32 to vector<16xi32>
      %select_n3A_150 = arith.select %or3A_147, %broadcast_in_dim3A_149, %sub3A_140 : vector<16xi1>, vector<16xi32>
      %swap3A_151 = arith.constant 48 : index
      %swap3A_152 = tpu.vector_load %arg11[%swap3A_151] {strides = array<i32>} : memref<80xi32, #tpu.memory_space<vmem>>, vector<16xi32>,
      %swap3A_153 = vector.shape_cast %swap3A_152 : vector<16xi32> to vector<16xi32>
      %swap3A_154 = vector.shape_cast %select_n3A_150 : vector<16xi32> to vector<16xi32>
      tpu.vector_store %arg11[%swap3A_151], %swap3A_154 {strides = array<i32>} : memref<80xi32, #tpu.memory_space<vmem>>, vector<16xi32>,
      %get3A_155 = arith.constant 64 : index
      %get3A_156 = tpu.vector_load %arg9[%get3A_155] {strides = array<i32>} : memref<80xi32, #tpu.memory_space<vmem>>, vector<16xi32>,
      %get3A_157 = vector.shape_cast %get3A_156 : vector<16xi32> to vector<16xi32>
      %sub3A_158 = arith.subi %get3A_157, %get3A_89 : vector<16xi32>
      %lt3A_159 = arith.constant 0 : i32
      %lt3A_160 = vector.broadcast %lt3A_159 : i32 to vector<16xi32>
      %lt3A_161 = arith.cmpi slt, %sub3A_158, %lt3A_160 : vector<16xi32>
      %ge3A_162 = arith.constant 5120 : i32
      %ge3A_163 = vector.broadcast %ge3A_162 : i32 to vector<16xi32>
      %ge3A_164 = arith.cmpi sge, %sub3A_158, %ge3A_163 : vector<16xi32>
      %or3A_165 = arith.ori %lt3A_161, %ge3A_164 : vector<16xi1>
      %jit3A_166 = arith.constant 5120 : i32
      %broadcast_in_dim3A_167 = vector.broadcast %jit3A_166 : i32 to vector<16xi32>
      %select_n3A_168 = arith.select %or3A_165, %broadcast_in_dim3A_167, %sub3A_158 : vector<16xi1>, vector<16xi32>
      %swap3A_169 = arith.constant 64 : index
      %swap3A_170 = tpu.vector_load %arg11[%swap3A_169] {strides = array<i32>} : memref<80xi32, #tpu.memory_space<vmem>>, vector<16xi32>,
      %swap3A_171 = vector.shape_cast %swap3A_170 : vector<16xi32> to vector<16xi32>
      %swap3A_172 = vector.shape_cast %select_n3A_168 : vector<16xi32> to vector<16xi32>
      tpu.vector_store %arg11[%swap3A_169], %swap3A_172 {strides = array<i32>} : memref<80xi32, #tpu.memory_space<vmem>>, vector<16xi32>,
      %dma_wait3A = arith.constant 0 : i32
      %dma_wait3A_173 = arith.constant 0 : i32
      %dma_wait3A_174 = tpu.memref_slice %arg5[%dma_wait3A, %dma_wait3A_173] : memref<10000x128xf32, #tpu.memory_space<hbm>> -> memref<10000x128xf32, #tpu.memory_space<hbm>>
      tpu.wait_indirect_dma semaphore(%arg17 : memref<!tpu.dma_semaphore, #tpu.memory_space<semaphore_mem>>) src(%dma_wait3A_174 : memref<10000x128xf32, #tpu.memory_space<hbm>>) dst(%arg12 : memref<80x128xf32, #tpu.memory_space<vmem>>)
      %dma_wait3A_175 = arith.constant 0 : i32
      %dma_wait3A_176 = arith.constant 0 : i32
      %dma_wait3A_177 = tpu.memref_slice %arg6[%dma_wait3A_175, %dma_wait3A_176] : memref<10000x128xf32, #tpu.memory_space<hbm>> -> memref<10000x128xf32, #tpu.memory_space<hbm>>
      tpu.wait_indirect_dma semaphore(%arg18 : memref<!tpu.dma_semaphore, #tpu.memory_space<semaphore_mem>>) src(%dma_wait3A_177 : memref<10000x128xf32, #tpu.memory_space<hbm>>) dst(%arg13 : memref<80x128xf32, #tpu.memory_space<vmem>>)
      %scan3A_178 = arith.constant 0 : i32
      %scan3A_179 = arith.constant 0 : i32
      %scan3A_180 = arith.constant 80 : i32
      %scan3A_181 = arith.addi %scan3A_179, %scan3A_180 : i32
      %scan3A_182 = arith.constant 1 : i32
      %scan3A_183 = scf.for %scan3A_186 = %scan3A_179 to %scan3A_181 step %scan3A_182 iter_args(%scan3A_187 = %scan3A_178) -> (i32)  : i32 {
        %get3A_188 = arith.index_cast %scan3A_186 : i32 to index
        %get3A_189 = arith.constant 0 : index
        %get3A_190 = tpu.vector_load %arg12[%get3A_188, %get3A_189] {strides = array<i32>} : memref<80x128xf32, #tpu.memory_space<vmem>>, vector<1x16xf32>,
        %get3A_191 = vector.shape_cast %get3A_190 : vector<1x16xf32> to vector<16xf32>
        %get3A_192 = arith.index_cast %scan3A_186 : i32 to index
        %get3A_193 = arith.constant 0 : index
        %get3A_194 = tpu.vector_load %arg13[%get3A_192, %get3A_193] {strides = array<i32>} : memref<80x128xf32, #tpu.memory_space<vmem>>, vector<1x16xf32>,
        %get3A_195 = vector.shape_cast %get3A_194 : vector<1x16xf32> to vector<16xf32>
        %add3A_196 = arith.addf %get3A_191, %get3A_195 : vector<16xf32>
        %neg3A = arith.constant 0.000000e+00 : f32
        %neg3A_197 = vector.broadcast %neg3A : f32 to vector<16xf32>
        %neg3A_198 = arith.subf %neg3A_197, %add3A_196 : vector<16xf32>
        %exp3A = math.exp %neg3A_198 : vector<16xf32>
        %add3A_199 = arith.constant 1.000000e+00 : f32
        %add3A_200 = vector.broadcast %add3A_199 : f32 to vector<16xf32>
        %add3A_201 = arith.addf %add3A_200, %exp3A : vector<16xf32>
        %div3A = arith.divf %add3A_196, %add3A_201 : vector<16xf32>
        %swap3A_202 = arith.index_cast %scan3A_186 : i32 to index
        %swap3A_203 = arith.constant 0 : index
        %swap3A_204 = tpu.vector_load %arg12[%swap3A_202, %swap3A_203] {strides = array<i32>} : memref<80x128xf32, #tpu.memory_space<vmem>>, vector<1x16xf32>,
        %swap3A_205 = vector.shape_cast %swap3A_204 : vector<1x16xf32> to vector<16xf32>
        %swap3A_206 = vector.shape_cast %div3A : vector<16xf32> to vector<1x16xf32>
        tpu.vector_store %arg12[%swap3A_202, %swap3A_203], %swap3A_206 {strides = array<i32>} : memref<80x128xf32, #tpu.memory_space<vmem>>, vector<1x16xf32>,
        %get3A_207 = arith.index_cast %scan3A_186 : i32 to index
        %get3A_208 = arith.constant 16 : index
        %get3A_209 = tpu.vector_load %arg12[%get3A_207, %get3A_208] {strides = array<i32>} : memref<80x128xf32, #tpu.memory_space<vmem>>, vector<1x16xf32>,
        %get3A_210 = vector.shape_cast %get3A_209 : vector<1x16xf32> to vector<16xf32>
        %get3A_211 = arith.index_cast %scan3A_186 : i32 to index
        %get3A_212 = arith.constant 16 : index
        %get3A_213 = tpu.vector_load %arg13[%get3A_211, %get3A_212] {strides = array<i32>} : memref<80x128xf32, #tpu.memory_space<vmem>>, vector<1x16xf32>,
        %get3A_214 = vector.shape_cast %get3A_213 : vector<1x16xf32> to vector<16xf32>
        %add3A_215 = arith.addf %get3A_210, %get3A_214 : vector<16xf32>
        %neg3A_216 = arith.constant 0.000000e+00 : f32
        %neg3A_217 = vector.broadcast %neg3A_216 : f32 to vector<16xf32>
        %neg3A_218 = arith.subf %neg3A_217, %add3A_215 : vector<16xf32>
        %exp3A_219 = math.exp %neg3A_218 : vector<16xf32>
        %add3A_220 = arith.constant 1.000000e+00 : f32
        %add3A_221 = vector.broadcast %add3A_220 : f32 to vector<16xf32>
        %add3A_222 = arith.addf %add3A_221, %exp3A_219 : vector<16xf32>
        %div3A_223 = arith.divf %add3A_215, %add3A_222 : vector<16xf32>
        %swap3A_224 = arith.index_cast %scan3A_186 : i32 to index
        %swap3A_225 = arith.constant 16 : index
        %swap3A_226 = tpu.vector_load %arg12[%swap3A_224, %swap3A_225] {strides = array<i32>} : memref<80x128xf32, #tpu.memory_space<vmem>>, vector<1x16xf32>,
        %swap3A_227 = vector.shape_cast %swap3A_226 : vector<1x16xf32> to vector<16xf32>
        %swap3A_228 = vector.shape_cast %div3A_223 : vector<16xf32> to vector<1x16xf32>
        tpu.vector_store %arg12[%swap3A_224, %swap3A_225], %swap3A_228 {strides = array<i32>} : memref<80x128xf32, #tpu.memory_space<vmem>>, vector<1x16xf32>,
        %get3A_229 = arith.index_cast %scan3A_186 : i32 to index
        %get3A_230 = arith.constant 32 : index
        %get3A_231 = tpu.vector_load %arg12[%get3A_229, %get3A_230] {strides = array<i32>} : memref<80x128xf32, #tpu.memory_space<vmem>>, vector<1x16xf32>,
        %get3A_232 = vector.shape_cast %get3A_231 : vector<1x16xf32> to vector<16xf32>
        %get3A_233 = arith.index_cast %scan3A_186 : i32 to index
        %get3A_234 = arith.constant 32 : index
        %get3A_235 = tpu.vector_load %arg13[%get3A_233, %get3A_234] {strides = array<i32>} : memref<80x128xf32, #tpu.memory_space<vmem>>, vector<1x16xf32>,
        %get3A_236 = vector.shape_cast %get3A_235 : vector<1x16xf32> to vector<16xf32>
        %add3A_237 = arith.addf %get3A_232, %get3A_236 : vector<16xf32>
        %neg3A_238 = arith.constant 0.000000e+00 : f32
        %neg3A_239 = vector.broadcast %neg3A_238 : f32 to vector<16xf32>
        %neg3A_240 = arith.subf %neg3A_239, %add3A_237 : vector<16xf32>
        %exp3A_241 = math.exp %neg3A_240 : vector<16xf32>
        %add3A_242 = arith.constant 1.000000e+00 : f32
        %add3A_243 = vector.broadcast %add3A_242 : f32 to vector<16xf32>
        %add3A_244 = arith.addf %add3A_243, %exp3A_241 : vector<16xf32>
        %div3A_245 = arith.divf %add3A_237, %add3A_244 : vector<16xf32>
        %swap3A_246 = arith.index_cast %scan3A_186 : i32 to index
        %swap3A_247 = arith.constant 32 : index
        %swap3A_248 = tpu.vector_load %arg12[%swap3A_246, %swap3A_247] {strides = array<i32>} : memref<80x128xf32, #tpu.memory_space<vmem>>, vector<1x16xf32>,
        %swap3A_249 = vector.shape_cast %swap3A_248 : vector<1x16xf32> to vector<16xf32>
        %swap3A_250 = vector.shape_cast %div3A_245 : vector<16xf32> to vector<1x16xf32>
        tpu.vector_store %arg12[%swap3A_246, %swap3A_247], %swap3A_250 {strides = array<i32>} : memref<80x128xf32, #tpu.memory_space<vmem>>, vector<1x16xf32>,
        %get3A_251 = arith.index_cast %scan3A_186 : i32 to index
        %get3A_252 = arith.constant 48 : index
        %get3A_253 = tpu.vector_load %arg12[%get3A_251, %get3A_252] {strides = array<i32>} : memref<80x128xf32, #tpu.memory_space<vmem>>, vector<1x16xf32>,
        %get3A_254 = vector.shape_cast %get3A_253 : vector<1x16xf32> to vector<16xf32>
        %get3A_255 = arith.index_cast %scan3A_186 : i32 to index
        %get3A_256 = arith.constant 48 : index
        %get3A_257 = tpu.vector_load %arg13[%get3A_255, %get3A_256] {strides = array<i32>} : memref<80x128xf32, #tpu.memory_space<vmem>>, vector<1x16xf32>,
        %get3A_258 = vector.shape_cast %get3A_257 : vector<1x16xf32> to vector<16xf32>
        %add3A_259 = arith.addf %get3A_254, %get3A_258 : vector<16xf32>
        %neg3A_260 = arith.constant 0.000000e+00 : f32
        %neg3A_261 = vector.broadcast %neg3A_260 : f32 to vector<16xf32>
        %neg3A_262 = arith.subf %neg3A_261, %add3A_259 : vector<16xf32>
        %exp3A_263 = math.exp %neg3A_262 : vector<16xf32>
        %add3A_264 = arith.constant 1.000000e+00 : f32
        %add3A_265 = vector.broadcast %add3A_264 : f32 to vector<16xf32>
        %add3A_266 = arith.addf %add3A_265, %exp3A_263 : vector<16xf32>
        %div3A_267 = arith.divf %add3A_259, %add3A_266 : vector<16xf32>
        %swap3A_268 = arith.index_cast %scan3A_186 : i32 to index
        %swap3A_269 = arith.constant 48 : index
        %swap3A_270 = tpu.vector_load %arg12[%swap3A_268, %swap3A_269] {strides = array<i32>} : memref<80x128xf32, #tpu.memory_space<vmem>>, vector<1x16xf32>,
        %swap3A_271 = vector.shape_cast %swap3A_270 : vector<1x16xf32> to vector<16xf32>
        %swap3A_272 = vector.shape_cast %div3A_267 : vector<16xf32> to vector<1x16xf32>
        tpu.vector_store %arg12[%swap3A_268, %swap3A_269], %swap3A_272 {strides = array<i32>} : memref<80x128xf32, #tpu.memory_space<vmem>>, vector<1x16xf32>,
        %get3A_273 = arith.index_cast %scan3A_186 : i32 to index
        %get3A_274 = arith.constant 64 : index
        %get3A_275 = tpu.vector_load %arg12[%get3A_273, %get3A_274] {strides = array<i32>} : memref<80x128xf32, #tpu.memory_space<vmem>>, vector<1x16xf32>,
        %get3A_276 = vector.shape_cast %get3A_275 : vector<1x16xf32> to vector<16xf32>
        %get3A_277 = arith.index_cast %scan3A_186 : i32 to index
        %get3A_278 = arith.constant 64 : index
        %get3A_279 = tpu.vector_load %arg13[%get3A_277, %get3A_278] {strides = array<i32>} : memref<80x128xf32, #tpu.memory_space<vmem>>, vector<1x16xf32>,
        %get3A_280 = vector.shape_cast %get3A_279 : vector<1x16xf32> to vector<16xf32>
        %add3A_281 = arith.addf %get3A_276, %get3A_280 : vector<16xf32>
        %neg3A_282 = arith.constant 0.000000e+00 : f32
        %neg3A_283 = vector.broadcast %neg3A_282 : f32 to vector<16xf32>
        %neg3A_284 = arith.subf %neg3A_283, %add3A_281 : vector<16xf32>
        %exp3A_285 = math.exp %neg3A_284 : vector<16xf32>
        %add3A_286 = arith.constant 1.000000e+00 : f32
        %add3A_287 = vector.broadcast %add3A_286 : f32 to vector<16xf32>
        %add3A_288 = arith.addf %add3A_287, %exp3A_285 : vector<16xf32>
        %div3A_289 = arith.divf %add3A_281, %add3A_288 : vector<16xf32>
        %swap3A_290 = arith.index_cast %scan3A_186 : i32 to index
        %swap3A_291 = arith.constant 64 : index
        %swap3A_292 = tpu.vector_load %arg12[%swap3A_290, %swap3A_291] {strides = array<i32>} : memref<80x128xf32, #tpu.memory_space<vmem>>, vector<1x16xf32>,
        %swap3A_293 = vector.shape_cast %swap3A_292 : vector<1x16xf32> to vector<16xf32>
        %swap3A_294 = vector.shape_cast %div3A_289 : vector<16xf32> to vector<1x16xf32>
        tpu.vector_store %arg12[%swap3A_290, %swap3A_291], %swap3A_294 {strides = array<i32>} : memref<80x128xf32, #tpu.memory_space<vmem>>, vector<1x16xf32>,
        %get3A_295 = arith.index_cast %scan3A_186 : i32 to index
        %get3A_296 = arith.constant 80 : index
        %get3A_297 = tpu.vector_load %arg12[%get3A_295, %get3A_296] {strides = array<i32>} : memref<80x128xf32, #tpu.memory_space<vmem>>, vector<1x16xf32>,
        %get3A_298 = vector.shape_cast %get3A_297 : vector<1x16xf32> to vector<16xf32>
        %get3A_299 = arith.index_cast %scan3A_186 : i32 to index
        %get3A_300 = arith.constant 80 : index
        %get3A_301 = tpu.vector_load %arg13[%get3A_299, %get3A_300] {strides = array<i32>} : memref<80x128xf32, #tpu.memory_space<vmem>>, vector<1x16xf32>,
        %get3A_302 = vector.shape_cast %get3A_301 : vector<1x16xf32> to vector<16xf32>
        %add3A_303 = arith.addf %get3A_298, %get3A_302 : vector<16xf32>
        %neg3A_304 = arith.constant 0.000000e+00 : f32
        %neg3A_305 = vector.broadcast %neg3A_304 : f32 to vector<16xf32>
        %neg3A_306 = arith.subf %neg3A_305, %add3A_303 : vector<16xf32>
        %exp3A_307 = math.exp %neg3A_306 : vector<16xf32>
        %add3A_308 = arith.constant 1.000000e+00 : f32
        %add3A_309 = vector.broadcast %add3A_308 : f32 to vector<16xf32>
        %add3A_310 = arith.addf %add3A_309, %exp3A_307 : vector<16xf32>
        %div3A_311 = arith.divf %add3A_303, %add3A_310 : vector<16xf32>
        %swap3A_312 = arith.index_cast %scan3A_186 : i32 to index
        %swap3A_313 = arith.constant 80 : index
        %swap3A_314 = tpu.vector_load %arg12[%swap3A_312, %swap3A_313] {strides = array<i32>} : memref<80x128xf32, #tpu.memory_space<vmem>>, vector<1x16xf32>,
        %swap3A_315 = vector.shape_cast %swap3A_314 : vector<1x16xf32> to vector<16xf32>
        %swap3A_316 = vector.shape_cast %div3A_311 : vector<16xf32> to vector<1x16xf32>
        tpu.vector_store %arg12[%swap3A_312, %swap3A_313], %swap3A_316 {strides = array<i32>} : memref<80x128xf32, #tpu.memory_space<vmem>>, vector<1x16xf32>,
        %get3A_317 = arith.index_cast %scan3A_186 : i32 to index
        %get3A_318 = arith.constant 96 : index
        %get3A_319 = tpu.vector_load %arg12[%get3A_317, %get3A_318] {strides = array<i32>} : memref<80x128xf32, #tpu.memory_space<vmem>>, vector<1x16xf32>,
        %get3A_320 = vector.shape_cast %get3A_319 : vector<1x16xf32> to vector<16xf32>
        %get3A_321 = arith.index_cast %scan3A_186 : i32 to index
        %get3A_322 = arith.constant 96 : index
        %get3A_323 = tpu.vector_load %arg13[%get3A_321, %get3A_322] {strides = array<i32>} : memref<80x128xf32, #tpu.memory_space<vmem>>, vector<1x16xf32>,
        %get3A_324 = vector.shape_cast %get3A_323 : vector<1x16xf32> to vector<16xf32>
        %add3A_325 = arith.addf %get3A_320, %get3A_324 : vector<16xf32>
        %neg3A_326 = arith.constant 0.000000e+00 : f32
        %neg3A_327 = vector.broadcast %neg3A_326 : f32 to vector<16xf32>
        %neg3A_328 = arith.subf %neg3A_327, %add3A_325 : vector<16xf32>
        %exp3A_329 = math.exp %neg3A_328 : vector<16xf32>
        %add3A_330 = arith.constant 1.000000e+00 : f32
        %add3A_331 = vector.broadcast %add3A_330 : f32 to vector<16xf32>
        %add3A_332 = arith.addf %add3A_331, %exp3A_329 : vector<16xf32>
        %div3A_333 = arith.divf %add3A_325, %add3A_332 : vector<16xf32>
        %swap3A_334 = arith.index_cast %scan3A_186 : i32 to index
        %swap3A_335 = arith.constant 96 : index
        %swap3A_336 = tpu.vector_load %arg12[%swap3A_334, %swap3A_335] {strides = array<i32>} : memref<80x128xf32, #tpu.memory_space<vmem>>, vector<1x16xf32>,
        %swap3A_337 = vector.shape_cast %swap3A_336 : vector<1x16xf32> to vector<16xf32>
        %swap3A_338 = vector.shape_cast %div3A_333 : vector<16xf32> to vector<1x16xf32>
        tpu.vector_store %arg12[%swap3A_334, %swap3A_335], %swap3A_338 {strides = array<i32>} : memref<80x128xf32, #tpu.memory_space<vmem>>, vector<1x16xf32>,
        %get3A_339 = arith.index_cast %scan3A_186 : i32 to index
        %get3A_340 = arith.constant 112 : index
        %get3A_341 = tpu.vector_load %arg12[%get3A_339, %get3A_340] {strides = array<i32>} : memref<80x128xf32, #tpu.memory_space<vmem>>, vector<1x16xf32>,
        %get3A_342 = vector.shape_cast %get3A_341 : vector<1x16xf32> to vector<16xf32>
        %get3A_343 = arith.index_cast %scan3A_186 : i32 to index
        %get3A_344 = arith.constant 112 : index
        %get3A_345 = tpu.vector_load %arg13[%get3A_343, %get3A_344] {strides = array<i32>} : memref<80x128xf32, #tpu.memory_space<vmem>>, vector<1x16xf32>,
        %get3A_346 = vector.shape_cast %get3A_345 : vector<1x16xf32> to vector<16xf32>
        %add3A_347 = arith.addf %get3A_342, %get3A_346 : vector<16xf32>
        %neg3A_348 = arith.constant 0.000000e+00 : f32
        %neg3A_349 = vector.broadcast %neg3A_348 : f32 to vector<16xf32>
        %neg3A_350 = arith.subf %neg3A_349, %add3A_347 : vector<16xf32>
        %exp3A_351 = math.exp %neg3A_350 : vector<16xf32>
        %add3A_352 = arith.constant 1.000000e+00 : f32
        %add3A_353 = vector.broadcast %add3A_352 : f32 to vector<16xf32>
        %add3A_354 = arith.addf %add3A_353, %exp3A_351 : vector<16xf32>
        %div3A_355 = arith.divf %add3A_347, %add3A_354 : vector<16xf32>
        %swap3A_356 = arith.index_cast %scan3A_186 : i32 to index
        %swap3A_357 = arith.constant 112 : index
        %swap3A_358 = tpu.vector_load %arg12[%swap3A_356, %swap3A_357] {strides = array<i32>} : memref<80x128xf32, #tpu.memory_space<vmem>>, vector<1x16xf32>,
        %swap3A_359 = vector.shape_cast %swap3A_358 : vector<1x16xf32> to vector<16xf32>
        %swap3A_360 = vector.shape_cast %div3A_355 : vector<16xf32> to vector<1x16xf32>
        tpu.vector_store %arg12[%swap3A_356, %swap3A_357], %swap3A_360 {strides = array<i32>} : memref<80x128xf32, #tpu.memory_space<vmem>>, vector<1x16xf32>,
        %scan3A_361 = arith.constant 0 : i32
        scf.yield %scan3A_361 : i32
      }
      %scan3A_184 = arith.constant 80 : i32
      "tpu.region"() ({
        %run_scoped3A = tpu.sem_alloc : memref<!tpu.dma_semaphore, #tpu.memory_space<semaphore_mem>>
        %dma_start3A_186 = arith.constant 0 : i32
        %dma_start3A_187 = arith.constant 0 : i32
        %dma_start3A_188 = tpu.memref_slice %arg19[%dma_start3A_186, %dma_start3A_187] : memref<5248x128xf32, #tpu.memory_space<vmem_shared>> -> memref<5248x128xf32, #tpu.memory_space<vmem_shared>>
        tpu.enqueue_indirect_dma source(%arg12 : memref<80x128xf32, #tpu.memory_space<vmem>>) target(%dma_start3A_188 : memref<5248x128xf32, #tpu.memory_space<vmem_shared>>) offsets(%arg11 : memref<80xi32, #tpu.memory_space<vmem>>) semaphore(%run_scoped3A : memref<!tpu.dma_semaphore, #tpu.memory_space<semaphore_mem>>) {add = true}
        %dma_wait3A_189 = arith.constant 0 : i32
        %dma_wait3A_190 = arith.constant 0 : i32
        %dma_wait3A_191 = tpu.memref_slice %arg19[%dma_wait3A_189, %dma_wait3A_190] : memref<5248x128xf32, #tpu.memory_space<vmem_shared>> -> memref<5248x128xf32, #tpu.memory_space<vmem_shared>>
        tpu.wait_indirect_dma semaphore(%run_scoped3A : memref<!tpu.dma_semaphore, #tpu.memory_space<semaphore_mem>>) src(%arg12 : memref<80x128xf32, #tpu.memory_space<vmem>>) dst(%dma_wait3A_191 : memref<5248x128xf32, #tpu.memory_space<vmem_shared>>)
        tpu.yield
      }) : () -> ()
      "tpu.region"() ({
        %run_scoped3A = tpu.sem_alloc : memref<!tpu.dma_semaphore, #tpu.memory_space<semaphore_mem>>
        %dma_start3A_186 = arith.constant 0 : i32
        %dma_start3A_187 = arith.constant 0 : i32
        %dma_start3A_188 = tpu.memref_slice %arg20[%dma_start3A_186, %dma_start3A_187] : memref<5248x16xf32, #tpu.memory_space<vmem_shared>> -> memref<5248x16xf32, #tpu.memory_space<vmem_shared>>
        tpu.enqueue_indirect_dma source(%arg14 : memref<80x16xf32, #tpu.memory_space<vmem>>) target(%dma_start3A_188 : memref<5248x16xf32, #tpu.memory_space<vmem_shared>>) offsets(%arg11 : memref<80xi32, #tpu.memory_space<vmem>>) semaphore(%run_scoped3A : memref<!tpu.dma_semaphore, #tpu.memory_space<semaphore_mem>>) {add = true}
        %dma_wait3A_189 = arith.constant 0 : i32
        %dma_wait3A_190 = arith.constant 0 : i32
        %dma_wait3A_191 = tpu.memref_slice %arg20[%dma_wait3A_189, %dma_wait3A_190] : memref<5248x16xf32, #tpu.memory_space<vmem_shared>> -> memref<5248x16xf32, #tpu.memory_space<vmem_shared>>
        tpu.wait_indirect_dma semaphore(%run_scoped3A : memref<!tpu.dma_semaphore, #tpu.memory_space<semaphore_mem>>) src(%arg14 : memref<80x16xf32, #tpu.memory_space<vmem>>) dst(%dma_wait3A_191 : memref<5248x16xf32, #tpu.memory_space<vmem_shared>>)
        tpu.yield
      }) : () -> ()
      %scan3A_185 = arith.constant 0 : i32
      scf.yield %scan3A_185 : i32
    }
    %scan3A_66 = arith.constant 125 : i32
    %barrier3A_67 = arith.constant 0 : index
    tpu.barrier barrier_id(%barrier3A_67)
    %mul3A_68 = arith.constant 320 : i32
    %mul3A_69 = arith.muli %arg1, %mul3A_68 : i32
    %mul3A_70 = arith.constant 320 : i32
    %mul3A_71 = arith.muli %arg1, %mul3A_70 : i32
    "tpu.region"() ({
      %run_scoped3A = tpu.sem_alloc : memref<!tpu.dma_semaphore, #tpu.memory_space<semaphore_mem>>
      %dma_start3A = arith.constant 0 : i32
      %dma_start3A_76 = tpu.memref_slice %arg7[%arg0, %mul3A_71, %dma_start3A] : memref<2x5120x128xf32, #tpu.memory_space<hbm>> -> memref<1x320x128xf32, #tpu.memory_space<hbm>>
      %dma_start3A_77 = tpu.memref_squeeze %dma_start3A_76 : memref<1x320x128xf32, #tpu.memory_space<hbm>> -> memref<320x128xf32, #tpu.memory_space<hbm>>
      %dma_start3A_78 = arith.constant 0 : i32
      %dma_start3A_79 = tpu.memref_slice %arg19[%mul3A_69, %dma_start3A_78] : memref<5248x128xf32, #tpu.memory_space<vmem_shared>> -> memref<320x128xf32, #tpu.memory_space<vmem_shared>>
      tpu.enqueue_dma source(%dma_start3A_79 : memref<320x128xf32, #tpu.memory_space<vmem_shared>>) target(%dma_start3A_77 : memref<320x128xf32, #tpu.memory_space<hbm>>) target_semaphore(%run_scoped3A : memref<!tpu.dma_semaphore, #tpu.memory_space<semaphore_mem>>)
      %dma_wait3A = arith.constant 0 : i32
      %dma_wait3A_80 = tpu.memref_slice %arg7[%arg0, %mul3A_71, %dma_wait3A] : memref<2x5120x128xf32, #tpu.memory_space<hbm>> -> memref<1x320x128xf32, #tpu.memory_space<hbm>>
      %dma_wait3A_81 = tpu.memref_squeeze %dma_wait3A_80 : memref<1x320x128xf32, #tpu.memory_space<hbm>> -> memref<320x128xf32, #tpu.memory_space<hbm>>
      %dma_wait3A_82 = arith.constant 0 : i32
      %dma_wait3A_83 = tpu.memref_slice %arg19[%mul3A_69, %dma_wait3A_82] : memref<5248x128xf32, #tpu.memory_space<vmem_shared>> -> memref<320x128xf32, #tpu.memory_space<vmem_shared>>
      tpu.wait_dma2 semaphore(%run_scoped3A : memref<!tpu.dma_semaphore, #tpu.memory_space<semaphore_mem>>) src(%dma_wait3A_83 : memref<320x128xf32, #tpu.memory_space<vmem_shared>>) dst(%dma_wait3A_81 : memref<320x128xf32, #tpu.memory_space<hbm>>)
      tpu.yield
    }) : () -> ()
    %mul3A_72 = arith.constant 320 : i32
    %mul3A_73 = arith.muli %arg1, %mul3A_72 : i32
    %mul3A_74 = arith.constant 320 : i32
    %mul3A_75 = arith.muli %arg1, %mul3A_74 : i32
    "tpu.region"() ({
      %run_scoped3A = tpu.sem_alloc : memref<!tpu.dma_semaphore, #tpu.memory_space<semaphore_mem>>
      %dma_start3A = arith.constant 0 : i32
      %dma_start3A_76 = tpu.memref_slice %arg8[%arg0, %mul3A_75, %dma_start3A] : memref<2x5120x16xf32, #tpu.memory_space<hbm>> -> memref<1x320x16xf32, #tpu.memory_space<hbm>>
      %dma_start3A_77 = tpu.memref_squeeze %dma_start3A_76 : memref<1x320x16xf32, #tpu.memory_space<hbm>> -> memref<320x16xf32, #tpu.memory_space<hbm>>
      %dma_start3A_78 = arith.constant 0 : i32
      %dma_start3A_79 = tpu.memref_slice %arg20[%mul3A_73, %dma_start3A_78] : memref<5248x16xf32, #tpu.memory_space<vmem_shared>> -> memref<320x16xf32, #tpu.memory_space<vmem_shared>>
      tpu.enqueue_dma source(%dma_start3A_79 : memref<320x16xf32, #tpu.memory_space<vmem_shared>>) target(%dma_start3A_77 : memref<320x16xf32, #tpu.memory_space<hbm>>) target_semaphore(%run_scoped3A : memref<!tpu.dma_semaphore, #tpu.memory_space<semaphore_mem>>)
      %dma_wait3A = arith.constant 0 : i32
      %dma_wait3A_80 = tpu.memref_slice %arg8[%arg0, %mul3A_75, %dma_wait3A] : memref<2x5120x16xf32, #tpu.memory_space<hbm>> -> memref<1x320x16xf32, #tpu.memory_space<hbm>>
      %dma_wait3A_81 = tpu.memref_squeeze %dma_wait3A_80 : memref<1x320x16xf32, #tpu.memory_space<hbm>> -> memref<320x16xf32, #tpu.memory_space<hbm>>
      %dma_wait3A_82 = arith.constant 0 : i32
      %dma_wait3A_83 = tpu.memref_slice %arg20[%mul3A_73, %dma_wait3A_82] : memref<5248x16xf32, #tpu.memory_space<vmem_shared>> -> memref<320x16xf32, #tpu.memory_space<vmem_shared>>
      tpu.wait_dma2 semaphore(%run_scoped3A : memref<!tpu.dma_semaphore, #tpu.memory_space<semaphore_mem>>) src(%dma_wait3A_83 : memref<320x16xf32, #tpu.memory_space<vmem_shared>>) dst(%dma_wait3A_81 : memref<320x16xf32, #tpu.memory_space<hbm>>)
      tpu.yield
    }) : () -> ()
    return
  }
}

#map = affine_map<(d0, d1) -> (0)>
#map1 = affine_map<(d0, d1) -> (0, 0)>
#map2 = affine_map<(d0, d1) -> (0, 0, 0)>
module attributes {stable_mosaic.version = 14 : i64} {
  func.func @_sc_edge_body(%arg0: i32, %arg1: i32, %arg2: memref<16xi32, #tpu.memory_space<hbm>>, %arg3: memref<320000xi32, #tpu.memory_space<hbm>>, %arg4: memref<320000xi32, #tpu.memory_space<hbm>>, %arg5: memref<10000x128xf32, #tpu.memory_space<hbm>>, %arg6: memref<10000x128xf32, #tpu.memory_space<hbm>>, %arg7: memref<2x5120x128xf32, #tpu.memory_space<hbm>>, %arg8: memref<2x5120x16xf32, #tpu.memory_space<hbm>>, %arg9: memref<80xi32, #tpu.memory_space<vmem>>, %arg10: memref<80xi32, #tpu.memory_space<vmem>>, %arg11: memref<80xi32, #tpu.memory_space<vmem>>, %arg12: memref<80x128xf32, #tpu.memory_space<vmem>>, %arg13: memref<80x128xf32, #tpu.memory_space<vmem>>, %arg14: memref<80x16xf32, #tpu.memory_space<vmem>>, %arg15: memref<82x16xf32, #tpu.memory_space<vmem>>, %arg16: memref<16xi32, #tpu.memory_space<vmem>>, %arg17: memref<!tpu.dma_semaphore, #tpu.memory_space<semaphore_mem>>, %arg18: memref<!tpu.dma_semaphore, #tpu.memory_space<semaphore_mem>>, %arg19: memref<5248x128xf32, #tpu.memory_space<vmem_shared>>, %arg20: memref<5248x16xf32, #tpu.memory_space<vmem_shared>>) attributes {dimension_semantics = [#tpu.dimension_semantics<core_parallel>, #tpu.dimension_semantics<subcore_parallel>], iteration_bounds = array<i64: 2, 16>, scalar_prefetch = 0 : i64, scratch_operands = 12 : i64, tpu.core_type = #tpu.core_type<sc_vector_subcore>, window_params = [{transform_indices = #map}, {transform_indices = #map}, {transform_indices = #map}, {transform_indices = #map1}, {transform_indices = #map1}, {transform_indices = #map2}, {transform_indices = #map2}]} {
    %mul3A = arith.constant 16 : i32
    %mul3A_0 = arith.muli %arg0, %mul3A : i32
    %add3A = arith.addi %mul3A_0, %arg1 : i32
    "tpu.region"() ({
      %run_scoped3A = tpu.sem_alloc : memref<!tpu.dma_semaphore, #tpu.memory_space<semaphore_mem>>
      tpu.enqueue_dma source(%arg2 : memref<16xi32, #tpu.memory_space<hbm>>) target(%arg16 : memref<16xi32, #tpu.memory_space<vmem>>) target_semaphore(%run_scoped3A : memref<!tpu.dma_semaphore, #tpu.memory_space<semaphore_mem>>)
      tpu.wait_dma2 semaphore(%run_scoped3A : memref<!tpu.dma_semaphore, #tpu.memory_space<semaphore_mem>>) src(%arg2 : memref<16xi32, #tpu.memory_space<hbm>>) dst(%arg16 : memref<16xi32, #tpu.memory_space<vmem>>)
      tpu.yield
    }) : () -> ()
    %broadcast_in_dim3A = arith.constant 0.000000e+00 : f32
    %broadcast_in_dim3A_1 = vector.broadcast %broadcast_in_dim3A : f32 to vector<16xf32>
    %scan3A = arith.constant 0 : i32
    %scan3A_2 = arith.constant 0 : i32
    %scan3A_3 = arith.constant 80 : i32
    %scan3A_4 = arith.addi %scan3A_2, %scan3A_3 : i32
    %scan3A_5 = arith.constant 1 : i32
    %scan3A_6 = scf.for %scan3A_76 = %scan3A_2 to %scan3A_4 step %scan3A_5 iter_args(%scan3A_77 = %scan3A) -> (i32)  : i32 {
      %swap3A = arith.index_cast %scan3A_76 : i32 to index
      %swap3A_78 = arith.constant 0 : index
      %swap3A_79 = tpu.vector_load %arg12[%swap3A, %swap3A_78] {strides = array<i32>} : memref<80x128xf32, #tpu.memory_space<vmem>>, vector<1x16xf32>,
      %swap3A_80 = vector.shape_cast %swap3A_79 : vector<1x16xf32> to vector<16xf32>
      %swap3A_81 = vector.shape_cast %broadcast_in_dim3A_1 : vector<16xf32> to vector<1x16xf32>
      tpu.vector_store %arg12[%swap3A, %swap3A_78], %swap3A_81 {strides = array<i32>} : memref<80x128xf32, #tpu.memory_space<vmem>>, vector<1x16xf32>,
      %swap3A_82 = arith.index_cast %scan3A_76 : i32 to index
      %swap3A_83 = arith.constant 16 : index
      %swap3A_84 = tpu.vector_load %arg12[%swap3A_82, %swap3A_83] {strides = array<i32>} : memref<80x128xf32, #tpu.memory_space<vmem>>, vector<1x16xf32>,
      %swap3A_85 = vector.shape_cast %swap3A_84 : vector<1x16xf32> to vector<16xf32>
      %swap3A_86 = vector.shape_cast %broadcast_in_dim3A_1 : vector<16xf32> to vector<1x16xf32>
      tpu.vector_store %arg12[%swap3A_82, %swap3A_83], %swap3A_86 {strides = array<i32>} : memref<80x128xf32, #tpu.memory_space<vmem>>, vector<1x16xf32>,
      %swap3A_87 = arith.index_cast %scan3A_76 : i32 to index
      %swap3A_88 = arith.constant 32 : index
      %swap3A_89 = tpu.vector_load %arg12[%swap3A_87, %swap3A_88] {strides = array<i32>} : memref<80x128xf32, #tpu.memory_space<vmem>>, vector<1x16xf32>,
      %swap3A_90 = vector.shape_cast %swap3A_89 : vector<1x16xf32> to vector<16xf32>
      %swap3A_91 = vector.shape_cast %broadcast_in_dim3A_1 : vector<16xf32> to vector<1x16xf32>
      tpu.vector_store %arg12[%swap3A_87, %swap3A_88], %swap3A_91 {strides = array<i32>} : memref<80x128xf32, #tpu.memory_space<vmem>>, vector<1x16xf32>,
      %swap3A_92 = arith.index_cast %scan3A_76 : i32 to index
      %swap3A_93 = arith.constant 48 : index
      %swap3A_94 = tpu.vector_load %arg12[%swap3A_92, %swap3A_93] {strides = array<i32>} : memref<80x128xf32, #tpu.memory_space<vmem>>, vector<1x16xf32>,
      %swap3A_95 = vector.shape_cast %swap3A_94 : vector<1x16xf32> to vector<16xf32>
      %swap3A_96 = vector.shape_cast %broadcast_in_dim3A_1 : vector<16xf32> to vector<1x16xf32>
      tpu.vector_store %arg12[%swap3A_92, %swap3A_93], %swap3A_96 {strides = array<i32>} : memref<80x128xf32, #tpu.memory_space<vmem>>, vector<1x16xf32>,
      %swap3A_97 = arith.index_cast %scan3A_76 : i32 to index
      %swap3A_98 = arith.constant 64 : index
      %swap3A_99 = tpu.vector_load %arg12[%swap3A_97, %swap3A_98] {strides = array<i32>} : memref<80x128xf32, #tpu.memory_space<vmem>>, vector<1x16xf32>,
      %swap3A_100 = vector.shape_cast %swap3A_99 : vector<1x16xf32> to vector<16xf32>
      %swap3A_101 = vector.shape_cast %broadcast_in_dim3A_1 : vector<16xf32> to vector<1x16xf32>
      tpu.vector_store %arg12[%swap3A_97, %swap3A_98], %swap3A_101 {strides = array<i32>} : memref<80x128xf32, #tpu.memory_space<vmem>>, vector<1x16xf32>,
      %swap3A_102 = arith.index_cast %scan3A_76 : i32 to index
      %swap3A_103 = arith.constant 80 : index
      %swap3A_104 = tpu.vector_load %arg12[%swap3A_102, %swap3A_103] {strides = array<i32>} : memref<80x128xf32, #tpu.memory_space<vmem>>, vector<1x16xf32>,
      %swap3A_105 = vector.shape_cast %swap3A_104 : vector<1x16xf32> to vector<16xf32>
      %swap3A_106 = vector.shape_cast %broadcast_in_dim3A_1 : vector<16xf32> to vector<1x16xf32>
      tpu.vector_store %arg12[%swap3A_102, %swap3A_103], %swap3A_106 {strides = array<i32>} : memref<80x128xf32, #tpu.memory_space<vmem>>, vector<1x16xf32>,
      %swap3A_107 = arith.index_cast %scan3A_76 : i32 to index
      %swap3A_108 = arith.constant 96 : index
      %swap3A_109 = tpu.vector_load %arg12[%swap3A_107, %swap3A_108] {strides = array<i32>} : memref<80x128xf32, #tpu.memory_space<vmem>>, vector<1x16xf32>,
      %swap3A_110 = vector.shape_cast %swap3A_109 : vector<1x16xf32> to vector<16xf32>
      %swap3A_111 = vector.shape_cast %broadcast_in_dim3A_1 : vector<16xf32> to vector<1x16xf32>
      tpu.vector_store %arg12[%swap3A_107, %swap3A_108], %swap3A_111 {strides = array<i32>} : memref<80x128xf32, #tpu.memory_space<vmem>>, vector<1x16xf32>,
      %swap3A_112 = arith.index_cast %scan3A_76 : i32 to index
      %swap3A_113 = arith.constant 112 : index
      %swap3A_114 = tpu.vector_load %arg12[%swap3A_112, %swap3A_113] {strides = array<i32>} : memref<80x128xf32, #tpu.memory_space<vmem>>, vector<1x16xf32>,
      %swap3A_115 = vector.shape_cast %swap3A_114 : vector<1x16xf32> to vector<16xf32>
      %swap3A_116 = vector.shape_cast %broadcast_in_dim3A_1 : vector<16xf32> to vector<1x16xf32>
      tpu.vector_store %arg12[%swap3A_112, %swap3A_113], %swap3A_116 {strides = array<i32>} : memref<80x128xf32, #tpu.memory_space<vmem>>, vector<1x16xf32>,
      %scan3A_117 = arith.constant 0 : i32
      scf.yield %scan3A_117 : i32
    }
    %scan3A_7 = arith.constant 80 : i32
    %mul3A_8 = arith.constant 328 : i32
    %mul3A_9 = arith.muli %arg1, %mul3A_8 : i32
    %add3A_10 = arith.constant 0 : i32
    %add3A_11 = arith.addi %mul3A_9, %add3A_10 : i32
    "tpu.region"() ({
      %run_scoped3A = tpu.sem_alloc : memref<!tpu.dma_semaphore, #tpu.memory_space<semaphore_mem>>
      %dma_start3A = arith.constant 0 : i32
      %dma_start3A_76 = tpu.memref_slice %arg19[%add3A_11, %dma_start3A] : memref<5248x128xf32, #tpu.memory_space<vmem_shared>> -> memref<80x128xf32, #tpu.memory_space<vmem_shared>>
      %dma_start3A_77 = arith.constant 0 : i32
      %dma_start3A_78 = tpu.memref_slice %arg19[%add3A_11, %dma_start3A_77] : memref<5248x128xf32, #tpu.memory_space<vmem_shared>> -> memref<80x128xf32, #tpu.memory_space<vmem_shared>>
      tpu.enqueue_dma source(%arg12 : memref<80x128xf32, #tpu.memory_space<vmem>>) target(%dma_start3A_78 : memref<80x128xf32, #tpu.memory_space<vmem_shared>>) target_semaphore(%run_scoped3A : memref<!tpu.dma_semaphore, #tpu.memory_space<semaphore_mem>>)
      %dma_wait3A = arith.constant 0 : i32
      %dma_wait3A_79 = tpu.memref_slice %arg19[%add3A_11, %dma_wait3A] : memref<5248x128xf32, #tpu.memory_space<vmem_shared>> -> memref<80x128xf32, #tpu.memory_space<vmem_shared>>
      %dma_wait3A_80 = arith.constant 0 : i32
      %dma_wait3A_81 = tpu.memref_slice %arg19[%add3A_11, %dma_wait3A_80] : memref<5248x128xf32, #tpu.memory_space<vmem_shared>> -> memref<80x128xf32, #tpu.memory_space<vmem_shared>>
      tpu.wait_dma2 semaphore(%run_scoped3A : memref<!tpu.dma_semaphore, #tpu.memory_space<semaphore_mem>>) src(%arg12 : memref<80x128xf32, #tpu.memory_space<vmem>>) dst(%dma_wait3A_81 : memref<80x128xf32, #tpu.memory_space<vmem_shared>>)
      tpu.yield
    }) : () -> ()
    %mul3A_12 = arith.constant 328 : i32
    %mul3A_13 = arith.muli %arg1, %mul3A_12 : i32
    %add3A_14 = arith.constant 80 : i32
    %add3A_15 = arith.addi %mul3A_13, %add3A_14 : i32
    "tpu.region"() ({
      %run_scoped3A = tpu.sem_alloc : memref<!tpu.dma_semaphore, #tpu.memory_space<semaphore_mem>>
      %dma_start3A = arith.constant 0 : i32
      %dma_start3A_76 = tpu.memref_slice %arg19[%add3A_15, %dma_start3A] : memref<5248x128xf32, #tpu.memory_space<vmem_shared>> -> memref<80x128xf32, #tpu.memory_space<vmem_shared>>
      %dma_start3A_77 = arith.constant 0 : i32
      %dma_start3A_78 = tpu.memref_slice %arg19[%add3A_15, %dma_start3A_77] : memref<5248x128xf32, #tpu.memory_space<vmem_shared>> -> memref<80x128xf32, #tpu.memory_space<vmem_shared>>
      tpu.enqueue_dma source(%arg12 : memref<80x128xf32, #tpu.memory_space<vmem>>) target(%dma_start3A_78 : memref<80x128xf32, #tpu.memory_space<vmem_shared>>) target_semaphore(%run_scoped3A : memref<!tpu.dma_semaphore, #tpu.memory_space<semaphore_mem>>)
      %dma_wait3A = arith.constant 0 : i32
      %dma_wait3A_79 = tpu.memref_slice %arg19[%add3A_15, %dma_wait3A] : memref<5248x128xf32, #tpu.memory_space<vmem_shared>> -> memref<80x128xf32, #tpu.memory_space<vmem_shared>>
      %dma_wait3A_80 = arith.constant 0 : i32
      %dma_wait3A_81 = tpu.memref_slice %arg19[%add3A_15, %dma_wait3A_80] : memref<5248x128xf32, #tpu.memory_space<vmem_shared>> -> memref<80x128xf32, #tpu.memory_space<vmem_shared>>
      tpu.wait_dma2 semaphore(%run_scoped3A : memref<!tpu.dma_semaphore, #tpu.memory_space<semaphore_mem>>) src(%arg12 : memref<80x128xf32, #tpu.memory_space<vmem>>) dst(%dma_wait3A_81 : memref<80x128xf32, #tpu.memory_space<vmem_shared>>)
      tpu.yield
    }) : () -> ()
    %mul3A_16 = arith.constant 328 : i32
    %mul3A_17 = arith.muli %arg1, %mul3A_16 : i32
    %add3A_18 = arith.constant 160 : i32
    %add3A_19 = arith.addi %mul3A_17, %add3A_18 : i32
    "tpu.region"() ({
      %run_scoped3A = tpu.sem_alloc : memref<!tpu.dma_semaphore, #tpu.memory_space<semaphore_mem>>
      %dma_start3A = arith.constant 0 : i32
      %dma_start3A_76 = tpu.memref_slice %arg19[%add3A_19, %dma_start3A] : memref<5248x128xf32, #tpu.memory_space<vmem_shared>> -> memref<80x128xf32, #tpu.memory_space<vmem_shared>>
      %dma_start3A_77 = arith.constant 0 : i32
      %dma_start3A_78 = tpu.memref_slice %arg19[%add3A_19, %dma_start3A_77] : memref<5248x128xf32, #tpu.memory_space<vmem_shared>> -> memref<80x128xf32, #tpu.memory_space<vmem_shared>>
      tpu.enqueue_dma source(%arg12 : memref<80x128xf32, #tpu.memory_space<vmem>>) target(%dma_start3A_78 : memref<80x128xf32, #tpu.memory_space<vmem_shared>>) target_semaphore(%run_scoped3A : memref<!tpu.dma_semaphore, #tpu.memory_space<semaphore_mem>>)
      %dma_wait3A = arith.constant 0 : i32
      %dma_wait3A_79 = tpu.memref_slice %arg19[%add3A_19, %dma_wait3A] : memref<5248x128xf32, #tpu.memory_space<vmem_shared>> -> memref<80x128xf32, #tpu.memory_space<vmem_shared>>
      %dma_wait3A_80 = arith.constant 0 : i32
      %dma_wait3A_81 = tpu.memref_slice %arg19[%add3A_19, %dma_wait3A_80] : memref<5248x128xf32, #tpu.memory_space<vmem_shared>> -> memref<80x128xf32, #tpu.memory_space<vmem_shared>>
      tpu.wait_dma2 semaphore(%run_scoped3A : memref<!tpu.dma_semaphore, #tpu.memory_space<semaphore_mem>>) src(%arg12 : memref<80x128xf32, #tpu.memory_space<vmem>>) dst(%dma_wait3A_81 : memref<80x128xf32, #tpu.memory_space<vmem_shared>>)
      tpu.yield
    }) : () -> ()
    %mul3A_20 = arith.constant 328 : i32
    %mul3A_21 = arith.muli %arg1, %mul3A_20 : i32
    %add3A_22 = arith.constant 240 : i32
    %add3A_23 = arith.addi %mul3A_21, %add3A_22 : i32
    "tpu.region"() ({
      %run_scoped3A = tpu.sem_alloc : memref<!tpu.dma_semaphore, #tpu.memory_space<semaphore_mem>>
      %dma_start3A = arith.constant 0 : i32
      %dma_start3A_76 = tpu.memref_slice %arg19[%add3A_23, %dma_start3A] : memref<5248x128xf32, #tpu.memory_space<vmem_shared>> -> memref<80x128xf32, #tpu.memory_space<vmem_shared>>
      %dma_start3A_77 = arith.constant 0 : i32
      %dma_start3A_78 = tpu.memref_slice %arg19[%add3A_23, %dma_start3A_77] : memref<5248x128xf32, #tpu.memory_space<vmem_shared>> -> memref<80x128xf32, #tpu.memory_space<vmem_shared>>
      tpu.enqueue_dma source(%arg12 : memref<80x128xf32, #tpu.memory_space<vmem>>) target(%dma_start3A_78 : memref<80x128xf32, #tpu.memory_space<vmem_shared>>) target_semaphore(%run_scoped3A : memref<!tpu.dma_semaphore, #tpu.memory_space<semaphore_mem>>)
      %dma_wait3A = arith.constant 0 : i32
      %dma_wait3A_79 = tpu.memref_slice %arg19[%add3A_23, %dma_wait3A] : memref<5248x128xf32, #tpu.memory_space<vmem_shared>> -> memref<80x128xf32, #tpu.memory_space<vmem_shared>>
      %dma_wait3A_80 = arith.constant 0 : i32
      %dma_wait3A_81 = tpu.memref_slice %arg19[%add3A_23, %dma_wait3A_80] : memref<5248x128xf32, #tpu.memory_space<vmem_shared>> -> memref<80x128xf32, #tpu.memory_space<vmem_shared>>
      tpu.wait_dma2 semaphore(%run_scoped3A : memref<!tpu.dma_semaphore, #tpu.memory_space<semaphore_mem>>) src(%arg12 : memref<80x128xf32, #tpu.memory_space<vmem>>) dst(%dma_wait3A_81 : memref<80x128xf32, #tpu.memory_space<vmem_shared>>)
      tpu.yield
    }) : () -> ()
    %mul3A_24 = arith.constant 328 : i32
    %mul3A_25 = arith.muli %arg1, %mul3A_24 : i32
    %add3A_26 = arith.constant 320 : i32
    %add3A_27 = arith.addi %mul3A_25, %add3A_26 : i32
    "tpu.region"() ({
      %run_scoped3A = tpu.sem_alloc : memref<!tpu.dma_semaphore, #tpu.memory_space<semaphore_mem>>
      %dma_start3A = arith.constant 0 : i32
      %dma_start3A_76 = arith.constant 0 : i32
      %dma_start3A_77 = tpu.memref_slice %arg12[%dma_start3A, %dma_start3A_76] : memref<80x128xf32, #tpu.memory_space<vmem>> -> memref<8x128xf32, #tpu.memory_space<vmem>>
      %dma_start3A_78 = arith.constant 0 : i32
      %dma_start3A_79 = tpu.memref_slice %arg19[%add3A_27, %dma_start3A_78] : memref<5248x128xf32, #tpu.memory_space<vmem_shared>> -> memref<8x128xf32, #tpu.memory_space<vmem_shared>>
      %dma_start3A_80 = arith.constant 0 : i32
      %dma_start3A_81 = tpu.memref_slice %arg19[%add3A_27, %dma_start3A_80] : memref<5248x128xf32, #tpu.memory_space<vmem_shared>> -> memref<8x128xf32, #tpu.memory_space<vmem_shared>>
      %dma_start3A_82 = arith.constant 0 : i32
      %dma_start3A_83 = arith.constant 0 : i32
      %dma_start3A_84 = tpu.memref_slice %arg12[%dma_start3A_82, %dma_start3A_83] : memref<80x128xf32, #tpu.memory_space<vmem>> -> memref<8x128xf32, #tpu.memory_space<vmem>>
      tpu.enqueue_dma source(%dma_start3A_84 : memref<8x128xf32, #tpu.memory_space<vmem>>) target(%dma_start3A_81 : memref<8x128xf32, #tpu.memory_space<vmem_shared>>) target_semaphore(%run_scoped3A : memref<!tpu.dma_semaphore, #tpu.memory_space<semaphore_mem>>)
      %dma_wait3A = arith.constant 0 : i32
      %dma_wait3A_85 = arith.constant 0 : i32
      %dma_wait3A_86 = tpu.memref_slice %arg12[%dma_wait3A, %dma_wait3A_85] : memref<80x128xf32, #tpu.memory_space<vmem>> -> memref<8x128xf32, #tpu.memory_space<vmem>>
      %dma_wait3A_87 = arith.constant 0 : i32
      %dma_wait3A_88 = tpu.memref_slice %arg19[%add3A_27, %dma_wait3A_87] : memref<5248x128xf32, #tpu.memory_space<vmem_shared>> -> memref<8x128xf32, #tpu.memory_space<vmem_shared>>
      %dma_wait3A_89 = arith.constant 0 : i32
      %dma_wait3A_90 = tpu.memref_slice %arg19[%add3A_27, %dma_wait3A_89] : memref<5248x128xf32, #tpu.memory_space<vmem_shared>> -> memref<8x128xf32, #tpu.memory_space<vmem_shared>>
      %dma_wait3A_91 = arith.constant 0 : i32
      %dma_wait3A_92 = arith.constant 0 : i32
      %dma_wait3A_93 = tpu.memref_slice %arg12[%dma_wait3A_91, %dma_wait3A_92] : memref<80x128xf32, #tpu.memory_space<vmem>> -> memref<8x128xf32, #tpu.memory_space<vmem>>
      tpu.wait_dma2 semaphore(%run_scoped3A : memref<!tpu.dma_semaphore, #tpu.memory_space<semaphore_mem>>) src(%dma_wait3A_93 : memref<8x128xf32, #tpu.memory_space<vmem>>) dst(%dma_wait3A_90 : memref<8x128xf32, #tpu.memory_space<vmem_shared>>)
      tpu.yield
    }) : () -> ()
    %scan3A_28 = arith.constant 0 : i32
    %scan3A_29 = arith.constant 0 : i32
    %scan3A_30 = arith.constant 82 : i32
    %scan3A_31 = arith.addi %scan3A_29, %scan3A_30 : i32
    %scan3A_32 = arith.constant 1 : i32
    %scan3A_33 = scf.for %scan3A_76 = %scan3A_29 to %scan3A_31 step %scan3A_32 iter_args(%scan3A_77 = %scan3A_28) -> (i32)  : i32 {
      %swap3A = arith.index_cast %scan3A_76 : i32 to index
      %swap3A_78 = arith.constant 0 : index
      %swap3A_79 = tpu.vector_load %arg15[%swap3A, %swap3A_78] {strides = array<i32>} : memref<82x16xf32, #tpu.memory_space<vmem>>, vector<1x16xf32>,
      %swap3A_80 = vector.shape_cast %swap3A_79 : vector<1x16xf32> to vector<16xf32>
      %swap3A_81 = vector.shape_cast %broadcast_in_dim3A_1 : vector<16xf32> to vector<1x16xf32>
      tpu.vector_store %arg15[%swap3A, %swap3A_78], %swap3A_81 {strides = array<i32>} : memref<82x16xf32, #tpu.memory_space<vmem>>, vector<1x16xf32>,
      %scan3A_82 = arith.constant 0 : i32
      scf.yield %scan3A_82 : i32
    }
    %scan3A_34 = arith.constant 82 : i32
    %mul3A_35 = arith.constant 328 : i32
    %mul3A_36 = arith.muli %arg1, %mul3A_35 : i32
    %add3A_37 = arith.constant 0 : i32
    %add3A_38 = arith.addi %mul3A_36, %add3A_37 : i32
    "tpu.region"() ({
      %run_scoped3A = tpu.sem_alloc : memref<!tpu.dma_semaphore, #tpu.memory_space<semaphore_mem>>
      %dma_start3A = arith.constant 0 : i32
      %dma_start3A_76 = tpu.memref_slice %arg20[%add3A_38, %dma_start3A] : memref<5248x16xf32, #tpu.memory_space<vmem_shared>> -> memref<82x16xf32, #tpu.memory_space<vmem_shared>>
      %dma_start3A_77 = arith.constant 0 : i32
      %dma_start3A_78 = tpu.memref_slice %arg20[%add3A_38, %dma_start3A_77] : memref<5248x16xf32, #tpu.memory_space<vmem_shared>> -> memref<82x16xf32, #tpu.memory_space<vmem_shared>>
      tpu.enqueue_dma source(%arg15 : memref<82x16xf32, #tpu.memory_space<vmem>>) target(%dma_start3A_78 : memref<82x16xf32, #tpu.memory_space<vmem_shared>>) target_semaphore(%run_scoped3A : memref<!tpu.dma_semaphore, #tpu.memory_space<semaphore_mem>>)
      %dma_wait3A = arith.constant 0 : i32
      %dma_wait3A_79 = tpu.memref_slice %arg20[%add3A_38, %dma_wait3A] : memref<5248x16xf32, #tpu.memory_space<vmem_shared>> -> memref<82x16xf32, #tpu.memory_space<vmem_shared>>
      %dma_wait3A_80 = arith.constant 0 : i32
      %dma_wait3A_81 = tpu.memref_slice %arg20[%add3A_38, %dma_wait3A_80] : memref<5248x16xf32, #tpu.memory_space<vmem_shared>> -> memref<82x16xf32, #tpu.memory_space<vmem_shared>>
      tpu.wait_dma2 semaphore(%run_scoped3A : memref<!tpu.dma_semaphore, #tpu.memory_space<semaphore_mem>>) src(%arg15 : memref<82x16xf32, #tpu.memory_space<vmem>>) dst(%dma_wait3A_81 : memref<82x16xf32, #tpu.memory_space<vmem_shared>>)
      tpu.yield
    }) : () -> ()
    %mul3A_39 = arith.constant 328 : i32
    %mul3A_40 = arith.muli %arg1, %mul3A_39 : i32
    %add3A_41 = arith.constant 82 : i32
    %add3A_42 = arith.addi %mul3A_40, %add3A_41 : i32
    "tpu.region"() ({
      %run_scoped3A = tpu.sem_alloc : memref<!tpu.dma_semaphore, #tpu.memory_space<semaphore_mem>>
      %dma_start3A = arith.constant 0 : i32
      %dma_start3A_76 = tpu.memref_slice %arg20[%add3A_42, %dma_start3A] : memref<5248x16xf32, #tpu.memory_space<vmem_shared>> -> memref<82x16xf32, #tpu.memory_space<vmem_shared>>
      %dma_start3A_77 = arith.constant 0 : i32
      %dma_start3A_78 = tpu.memref_slice %arg20[%add3A_42, %dma_start3A_77] : memref<5248x16xf32, #tpu.memory_space<vmem_shared>> -> memref<82x16xf32, #tpu.memory_space<vmem_shared>>
      tpu.enqueue_dma source(%arg15 : memref<82x16xf32, #tpu.memory_space<vmem>>) target(%dma_start3A_78 : memref<82x16xf32, #tpu.memory_space<vmem_shared>>) target_semaphore(%run_scoped3A : memref<!tpu.dma_semaphore, #tpu.memory_space<semaphore_mem>>)
      %dma_wait3A = arith.constant 0 : i32
      %dma_wait3A_79 = tpu.memref_slice %arg20[%add3A_42, %dma_wait3A] : memref<5248x16xf32, #tpu.memory_space<vmem_shared>> -> memref<82x16xf32, #tpu.memory_space<vmem_shared>>
      %dma_wait3A_80 = arith.constant 0 : i32
      %dma_wait3A_81 = tpu.memref_slice %arg20[%add3A_42, %dma_wait3A_80] : memref<5248x16xf32, #tpu.memory_space<vmem_shared>> -> memref<82x16xf32, #tpu.memory_space<vmem_shared>>
      tpu.wait_dma2 semaphore(%run_scoped3A : memref<!tpu.dma_semaphore, #tpu.memory_space<semaphore_mem>>) src(%arg15 : memref<82x16xf32, #tpu.memory_space<vmem>>) dst(%dma_wait3A_81 : memref<82x16xf32, #tpu.memory_space<vmem_shared>>)
      tpu.yield
    }) : () -> ()
    %mul3A_43 = arith.constant 328 : i32
    %mul3A_44 = arith.muli %arg1, %mul3A_43 : i32
    %add3A_45 = arith.constant 164 : i32
    %add3A_46 = arith.addi %mul3A_44, %add3A_45 : i32
    "tpu.region"() ({
      %run_scoped3A = tpu.sem_alloc : memref<!tpu.dma_semaphore, #tpu.memory_space<semaphore_mem>>
      %dma_start3A = arith.constant 0 : i32
      %dma_start3A_76 = tpu.memref_slice %arg20[%add3A_46, %dma_start3A] : memref<5248x16xf32, #tpu.memory_space<vmem_shared>> -> memref<82x16xf32, #tpu.memory_space<vmem_shared>>
      %dma_start3A_77 = arith.constant 0 : i32
      %dma_start3A_78 = tpu.memref_slice %arg20[%add3A_46, %dma_start3A_77] : memref<5248x16xf32, #tpu.memory_space<vmem_shared>> -> memref<82x16xf32, #tpu.memory_space<vmem_shared>>
      tpu.enqueue_dma source(%arg15 : memref<82x16xf32, #tpu.memory_space<vmem>>) target(%dma_start3A_78 : memref<82x16xf32, #tpu.memory_space<vmem_shared>>) target_semaphore(%run_scoped3A : memref<!tpu.dma_semaphore, #tpu.memory_space<semaphore_mem>>)
      %dma_wait3A = arith.constant 0 : i32
      %dma_wait3A_79 = tpu.memref_slice %arg20[%add3A_46, %dma_wait3A] : memref<5248x16xf32, #tpu.memory_space<vmem_shared>> -> memref<82x16xf32, #tpu.memory_space<vmem_shared>>
      %dma_wait3A_80 = arith.constant 0 : i32
      %dma_wait3A_81 = tpu.memref_slice %arg20[%add3A_46, %dma_wait3A_80] : memref<5248x16xf32, #tpu.memory_space<vmem_shared>> -> memref<82x16xf32, #tpu.memory_space<vmem_shared>>
      tpu.wait_dma2 semaphore(%run_scoped3A : memref<!tpu.dma_semaphore, #tpu.memory_space<semaphore_mem>>) src(%arg15 : memref<82x16xf32, #tpu.memory_space<vmem>>) dst(%dma_wait3A_81 : memref<82x16xf32, #tpu.memory_space<vmem_shared>>)
      tpu.yield
    }) : () -> ()
    %mul3A_47 = arith.constant 328 : i32
    %mul3A_48 = arith.muli %arg1, %mul3A_47 : i32
    %add3A_49 = arith.constant 246 : i32
    %add3A_50 = arith.addi %mul3A_48, %add3A_49 : i32
    "tpu.region"() ({
      %run_scoped3A = tpu.sem_alloc : memref<!tpu.dma_semaphore, #tpu.memory_space<semaphore_mem>>
      %dma_start3A = arith.constant 0 : i32
      %dma_start3A_76 = tpu.memref_slice %arg20[%add3A_50, %dma_start3A] : memref<5248x16xf32, #tpu.memory_space<vmem_shared>> -> memref<82x16xf32, #tpu.memory_space<vmem_shared>>
      %dma_start3A_77 = arith.constant 0 : i32
      %dma_start3A_78 = tpu.memref_slice %arg20[%add3A_50, %dma_start3A_77] : memref<5248x16xf32, #tpu.memory_space<vmem_shared>> -> memref<82x16xf32, #tpu.memory_space<vmem_shared>>
      tpu.enqueue_dma source(%arg15 : memref<82x16xf32, #tpu.memory_space<vmem>>) target(%dma_start3A_78 : memref<82x16xf32, #tpu.memory_space<vmem_shared>>) target_semaphore(%run_scoped3A : memref<!tpu.dma_semaphore, #tpu.memory_space<semaphore_mem>>)
      %dma_wait3A = arith.constant 0 : i32
      %dma_wait3A_79 = tpu.memref_slice %arg20[%add3A_50, %dma_wait3A] : memref<5248x16xf32, #tpu.memory_space<vmem_shared>> -> memref<82x16xf32, #tpu.memory_space<vmem_shared>>
      %dma_wait3A_80 = arith.constant 0 : i32
      %dma_wait3A_81 = tpu.memref_slice %arg20[%add3A_50, %dma_wait3A_80] : memref<5248x16xf32, #tpu.memory_space<vmem_shared>> -> memref<82x16xf32, #tpu.memory_space<vmem_shared>>
      tpu.wait_dma2 semaphore(%run_scoped3A : memref<!tpu.dma_semaphore, #tpu.memory_space<semaphore_mem>>) src(%arg15 : memref<82x16xf32, #tpu.memory_space<vmem>>) dst(%dma_wait3A_81 : memref<82x16xf32, #tpu.memory_space<vmem_shared>>)
      tpu.yield
    }) : () -> ()
    %broadcast_in_dim3A_51 = arith.constant 1.000000e+00 : f32
    %broadcast_in_dim3A_52 = vector.broadcast %broadcast_in_dim3A_51 : f32 to vector<16xf32>
    %scan3A_53 = arith.constant 0 : i32
    %scan3A_54 = arith.constant 0 : i32
    %scan3A_55 = arith.constant 80 : i32
    %scan3A_56 = arith.addi %scan3A_54, %scan3A_55 : i32
    %scan3A_57 = arith.constant 1 : i32
    %scan3A_58 = scf.for %scan3A_76 = %scan3A_54 to %scan3A_56 step %scan3A_57 iter_args(%scan3A_77 = %scan3A_53) -> (i32)  : i32 {
      %swap3A = arith.index_cast %scan3A_76 : i32 to index
      %swap3A_78 = arith.constant 0 : index
      %swap3A_79 = tpu.vector_load %arg14[%swap3A, %swap3A_78] {strides = array<i32>} : memref<80x16xf32, #tpu.memory_space<vmem>>, vector<1x16xf32>,
      %swap3A_80 = vector.shape_cast %swap3A_79 : vector<1x16xf32> to vector<16xf32>
      %swap3A_81 = vector.shape_cast %broadcast_in_dim3A_52 : vector<16xf32> to vector<1x16xf32>
      tpu.vector_store %arg14[%swap3A, %swap3A_78], %swap3A_81 {strides = array<i32>} : memref<80x16xf32, #tpu.memory_space<vmem>>, vector<1x16xf32>,
      %scan3A_82 = arith.constant 0 : i32
      scf.yield %scan3A_82 : i32
    }
    %scan3A_59 = arith.constant 80 : i32
    %barrier3A = arith.constant 0 : index
    tpu.barrier barrier_id(%barrier3A)
    %scan3A_60 = arith.constant 0 : i32
    %scan3A_61 = arith.constant 0 : i32
    %scan3A_62 = arith.constant 125 : i32
    %scan3A_63 = arith.addi %scan3A_61, %scan3A_62 : i32
    %scan3A_64 = arith.constant 1 : i32
    %scan3A_65 = scf.for %scan3A_76 = %scan3A_61 to %scan3A_63 step %scan3A_64 iter_args(%scan3A_77 = %scan3A_60) -> (i32)  : i32 {
      %mul3A_78 = arith.constant 10000 : i32
      %mul3A_79 = arith.muli %add3A, %mul3A_78 : i32
      %mul3A_80 = arith.constant 80 : i32
      %mul3A_81 = arith.muli %scan3A_76, %mul3A_80 : i32
      %add3A_82 = arith.addi %mul3A_79, %mul3A_81 : i32
      "tpu.region"() ({
        %run_scoped3A = tpu.sem_alloc : memref<!tpu.dma_semaphore, #tpu.memory_space<semaphore_mem>>
        %dma_start3A_186 = tpu.memref_slice %arg3[%add3A_82] : memref<320000xi32, #tpu.memory_space<hbm>> -> memref<80xi32, #tpu.memory_space<hbm>>
        %dma_start3A_187 = tpu.memref_slice %arg3[%add3A_82] : memref<320000xi32, #tpu.memory_space<hbm>> -> memref<80xi32, #tpu.memory_space<hbm>>
        tpu.enqueue_dma source(%dma_start3A_187 : memref<80xi32, #tpu.memory_space<hbm>>) target(%arg9 : memref<80xi32, #tpu.memory_space<vmem>>) target_semaphore(%run_scoped3A : memref<!tpu.dma_semaphore, #tpu.memory_space<semaphore_mem>>)
        %dma_wait3A_188 = tpu.memref_slice %arg3[%add3A_82] : memref<320000xi32, #tpu.memory_space<hbm>> -> memref<80xi32, #tpu.memory_space<hbm>>
        %dma_wait3A_189 = tpu.memref_slice %arg3[%add3A_82] : memref<320000xi32, #tpu.memory_space<hbm>> -> memref<80xi32, #tpu.memory_space<hbm>>
        tpu.wait_dma2 semaphore(%run_scoped3A : memref<!tpu.dma_semaphore, #tpu.memory_space<semaphore_mem>>) src(%dma_wait3A_189 : memref<80xi32, #tpu.memory_space<hbm>>) dst(%arg9 : memref<80xi32, #tpu.memory_space<vmem>>)
        tpu.yield
      }) : () -> ()
      "tpu.region"() ({
        %run_scoped3A = tpu.sem_alloc : memref<!tpu.dma_semaphore, #tpu.memory_space<semaphore_mem>>
        %dma_start3A_186 = tpu.memref_slice %arg4[%add3A_82] : memref<320000xi32, #tpu.memory_space<hbm>> -> memref<80xi32, #tpu.memory_space<hbm>>
        %dma_start3A_187 = tpu.memref_slice %arg4[%add3A_82] : memref<320000xi32, #tpu.memory_space<hbm>> -> memref<80xi32, #tpu.memory_space<hbm>>
        tpu.enqueue_dma source(%dma_start3A_187 : memref<80xi32, #tpu.memory_space<hbm>>) target(%arg10 : memref<80xi32, #tpu.memory_space<vmem>>) target_semaphore(%run_scoped3A : memref<!tpu.dma_semaphore, #tpu.memory_space<semaphore_mem>>)
        %dma_wait3A_188 = tpu.memref_slice %arg4[%add3A_82] : memref<320000xi32, #tpu.memory_space<hbm>> -> memref<80xi32, #tpu.memory_space<hbm>>
        %dma_wait3A_189 = tpu.memref_slice %arg4[%add3A_82] : memref<320000xi32, #tpu.memory_space<hbm>> -> memref<80xi32, #tpu.memory_space<hbm>>
        tpu.wait_dma2 semaphore(%run_scoped3A : memref<!tpu.dma_semaphore, #tpu.memory_space<semaphore_mem>>) src(%dma_wait3A_189 : memref<80xi32, #tpu.memory_space<hbm>>) dst(%arg10 : memref<80xi32, #tpu.memory_space<vmem>>)
        tpu.yield
      }) : () -> ()
      %dma_start3A = arith.constant 0 : i32
      %dma_start3A_83 = arith.constant 0 : i32
      %dma_start3A_84 = tpu.memref_slice %arg5[%dma_start3A, %dma_start3A_83] : memref<10000x128xf32, #tpu.memory_space<hbm>> -> memref<10000x128xf32, #tpu.memory_space<hbm>>
      tpu.enqueue_indirect_dma source(%dma_start3A_84 : memref<10000x128xf32, #tpu.memory_space<hbm>>) target(%arg12 : memref<80x128xf32, #tpu.memory_space<vmem>>) offsets(%arg9 : memref<80xi32, #tpu.memory_space<vmem>>) semaphore(%arg17 : memref<!tpu.dma_semaphore, #tpu.memory_space<semaphore_mem>>)
      %dma_start3A_85 = arith.constant 0 : i32
      %dma_start3A_86 = arith.constant 0 : i32
      %dma_start3A_87 = tpu.memref_slice %arg6[%dma_start3A_85, %dma_start3A_86] : memref<10000x128xf32, #tpu.memory_space<hbm>> -> memref<10000x128xf32, #tpu.memory_space<hbm>>
      tpu.enqueue_indirect_dma source(%dma_start3A_87 : memref<10000x128xf32, #tpu.memory_space<hbm>>) target(%arg13 : memref<80x128xf32, #tpu.memory_space<vmem>>) offsets(%arg10 : memref<80xi32, #tpu.memory_space<vmem>>) semaphore(%arg18 : memref<!tpu.dma_semaphore, #tpu.memory_space<semaphore_mem>>)
      %get3A = arith.constant 0 : index
      %get3A_88 = tpu.vector_load %arg16[%get3A] {strides = array<i32>} : memref<16xi32, #tpu.memory_space<vmem>>, vector<16xi32>,
      %get3A_89 = vector.shape_cast %get3A_88 : vector<16xi32> to vector<16xi32>
      %get3A_90 = arith.constant 0 : index
      %get3A_91 = tpu.vector_load %arg9[%get3A_90] {strides = array<i32>} : memref<80xi32, #tpu.memory_space<vmem>>, vector<16xi32>,
      %get3A_92 = vector.shape_cast %get3A_91 : vector<16xi32> to vector<16xi32>
      %sub3A = arith.subi %get3A_92, %get3A_89 : vector<16xi32>
      %lt3A = arith.constant 0 : i32
      %lt3A_93 = vector.broadcast %lt3A : i32 to vector<16xi32>
      %lt3A_94 = arith.cmpi slt, %sub3A, %lt3A_93 : vector<16xi32>
      %ge3A = arith.constant 5120 : i32
      %ge3A_95 = vector.broadcast %ge3A : i32 to vector<16xi32>
      %ge3A_96 = arith.cmpi sge, %sub3A, %ge3A_95 : vector<16xi32>
      %or3A = arith.ori %lt3A_94, %ge3A_96 : vector<16xi1>
      %jit3A = arith.constant 5120 : i32
      %broadcast_in_dim3A_97 = vector.broadcast %jit3A : i32 to vector<16xi32>
      %select_n3A = arith.select %or3A, %broadcast_in_dim3A_97, %sub3A : vector<16xi1>, vector<16xi32>
      %swap3A = arith.constant 0 : index
      %swap3A_98 = tpu.vector_load %arg11[%swap3A] {strides = array<i32>} : memref<80xi32, #tpu.memory_space<vmem>>, vector<16xi32>,
      %swap3A_99 = vector.shape_cast %swap3A_98 : vector<16xi32> to vector<16xi32>
      %swap3A_100 = vector.shape_cast %select_n3A : vector<16xi32> to vector<16xi32>
      tpu.vector_store %arg11[%swap3A], %swap3A_100 {strides = array<i32>} : memref<80xi32, #tpu.memory_space<vmem>>, vector<16xi32>,
      %get3A_101 = arith.constant 16 : index
      %get3A_102 = tpu.vector_load %arg9[%get3A_101] {strides = array<i32>} : memref<80xi32, #tpu.memory_space<vmem>>, vector<16xi32>,
      %get3A_103 = vector.shape_cast %get3A_102 : vector<16xi32> to vector<16xi32>
      %sub3A_104 = arith.subi %get3A_103, %get3A_89 : vector<16xi32>
      %lt3A_105 = arith.constant 0 : i32
      %lt3A_106 = vector.broadcast %lt3A_105 : i32 to vector<16xi32>
      %lt3A_107 = arith.cmpi slt, %sub3A_104, %lt3A_106 : vector<16xi32>
      %ge3A_108 = arith.constant 5120 : i32
      %ge3A_109 = vector.broadcast %ge3A_108 : i32 to vector<16xi32>
      %ge3A_110 = arith.cmpi sge, %sub3A_104, %ge3A_109 : vector<16xi32>
      %or3A_111 = arith.ori %lt3A_107, %ge3A_110 : vector<16xi1>
      %jit3A_112 = arith.constant 5120 : i32
      %broadcast_in_dim3A_113 = vector.broadcast %jit3A_112 : i32 to vector<16xi32>
      %select_n3A_114 = arith.select %or3A_111, %broadcast_in_dim3A_113, %sub3A_104 : vector<16xi1>, vector<16xi32>
      %swap3A_115 = arith.constant 16 : index
      %swap3A_116 = tpu.vector_load %arg11[%swap3A_115] {strides = array<i32>} : memref<80xi32, #tpu.memory_space<vmem>>, vector<16xi32>,
      %swap3A_117 = vector.shape_cast %swap3A_116 : vector<16xi32> to vector<16xi32>
      %swap3A_118 = vector.shape_cast %select_n3A_114 : vector<16xi32> to vector<16xi32>
      tpu.vector_store %arg11[%swap3A_115], %swap3A_118 {strides = array<i32>} : memref<80xi32, #tpu.memory_space<vmem>>, vector<16xi32>,
      %get3A_119 = arith.constant 32 : index
      %get3A_120 = tpu.vector_load %arg9[%get3A_119] {strides = array<i32>} : memref<80xi32, #tpu.memory_space<vmem>>, vector<16xi32>,
      %get3A_121 = vector.shape_cast %get3A_120 : vector<16xi32> to vector<16xi32>
      %sub3A_122 = arith.subi %get3A_121, %get3A_89 : vector<16xi32>
      %lt3A_123 = arith.constant 0 : i32
      %lt3A_124 = vector.broadcast %lt3A_123 : i32 to vector<16xi32>
      %lt3A_125 = arith.cmpi slt, %sub3A_122, %lt3A_124 : vector<16xi32>
      %ge3A_126 = arith.constant 5120 : i32
      %ge3A_127 = vector.broadcast %ge3A_126 : i32 to vector<16xi32>
      %ge3A_128 = arith.cmpi sge, %sub3A_122, %ge3A_127 : vector<16xi32>
      %or3A_129 = arith.ori %lt3A_125, %ge3A_128 : vector<16xi1>
      %jit3A_130 = arith.constant 5120 : i32
      %broadcast_in_dim3A_131 = vector.broadcast %jit3A_130 : i32 to vector<16xi32>
      %select_n3A_132 = arith.select %or3A_129, %broadcast_in_dim3A_131, %sub3A_122 : vector<16xi1>, vector<16xi32>
      %swap3A_133 = arith.constant 32 : index
      %swap3A_134 = tpu.vector_load %arg11[%swap3A_133] {strides = array<i32>} : memref<80xi32, #tpu.memory_space<vmem>>, vector<16xi32>,
      %swap3A_135 = vector.shape_cast %swap3A_134 : vector<16xi32> to vector<16xi32>
      %swap3A_136 = vector.shape_cast %select_n3A_132 : vector<16xi32> to vector<16xi32>
      tpu.vector_store %arg11[%swap3A_133], %swap3A_136 {strides = array<i32>} : memref<80xi32, #tpu.memory_space<vmem>>, vector<16xi32>,
      %get3A_137 = arith.constant 48 : index
      %get3A_138 = tpu.vector_load %arg9[%get3A_137] {strides = array<i32>} : memref<80xi32, #tpu.memory_space<vmem>>, vector<16xi32>,
      %get3A_139 = vector.shape_cast %get3A_138 : vector<16xi32> to vector<16xi32>
      %sub3A_140 = arith.subi %get3A_139, %get3A_89 : vector<16xi32>
      %lt3A_141 = arith.constant 0 : i32
      %lt3A_142 = vector.broadcast %lt3A_141 : i32 to vector<16xi32>
      %lt3A_143 = arith.cmpi slt, %sub3A_140, %lt3A_142 : vector<16xi32>
      %ge3A_144 = arith.constant 5120 : i32
      %ge3A_145 = vector.broadcast %ge3A_144 : i32 to vector<16xi32>
      %ge3A_146 = arith.cmpi sge, %sub3A_140, %ge3A_145 : vector<16xi32>
      %or3A_147 = arith.ori %lt3A_143, %ge3A_146 : vector<16xi1>
      %jit3A_148 = arith.constant 5120 : i32
      %broadcast_in_dim3A_149 = vector.broadcast %jit3A_148 : i32 to vector<16xi32>
      %select_n3A_150 = arith.select %or3A_147, %broadcast_in_dim3A_149, %sub3A_140 : vector<16xi1>, vector<16xi32>
      %swap3A_151 = arith.constant 48 : index
      %swap3A_152 = tpu.vector_load %arg11[%swap3A_151] {strides = array<i32>} : memref<80xi32, #tpu.memory_space<vmem>>, vector<16xi32>,
      %swap3A_153 = vector.shape_cast %swap3A_152 : vector<16xi32> to vector<16xi32>
      %swap3A_154 = vector.shape_cast %select_n3A_150 : vector<16xi32> to vector<16xi32>
      tpu.vector_store %arg11[%swap3A_151], %swap3A_154 {strides = array<i32>} : memref<80xi32, #tpu.memory_space<vmem>>, vector<16xi32>,
      %get3A_155 = arith.constant 64 : index
      %get3A_156 = tpu.vector_load %arg9[%get3A_155] {strides = array<i32>} : memref<80xi32, #tpu.memory_space<vmem>>, vector<16xi32>,
      %get3A_157 = vector.shape_cast %get3A_156 : vector<16xi32> to vector<16xi32>
      %sub3A_158 = arith.subi %get3A_157, %get3A_89 : vector<16xi32>
      %lt3A_159 = arith.constant 0 : i32
      %lt3A_160 = vector.broadcast %lt3A_159 : i32 to vector<16xi32>
      %lt3A_161 = arith.cmpi slt, %sub3A_158, %lt3A_160 : vector<16xi32>
      %ge3A_162 = arith.constant 5120 : i32
      %ge3A_163 = vector.broadcast %ge3A_162 : i32 to vector<16xi32>
      %ge3A_164 = arith.cmpi sge, %sub3A_158, %ge3A_163 : vector<16xi32>
      %or3A_165 = arith.ori %lt3A_161, %ge3A_164 : vector<16xi1>
      %jit3A_166 = arith.constant 5120 : i32
      %broadcast_in_dim3A_167 = vector.broadcast %jit3A_166 : i32 to vector<16xi32>
      %select_n3A_168 = arith.select %or3A_165, %broadcast_in_dim3A_167, %sub3A_158 : vector<16xi1>, vector<16xi32>
      %swap3A_169 = arith.constant 64 : index
      %swap3A_170 = tpu.vector_load %arg11[%swap3A_169] {strides = array<i32>} : memref<80xi32, #tpu.memory_space<vmem>>, vector<16xi32>,
      %swap3A_171 = vector.shape_cast %swap3A_170 : vector<16xi32> to vector<16xi32>
      %swap3A_172 = vector.shape_cast %select_n3A_168 : vector<16xi32> to vector<16xi32>
      tpu.vector_store %arg11[%swap3A_169], %swap3A_172 {strides = array<i32>} : memref<80xi32, #tpu.memory_space<vmem>>, vector<16xi32>,
      %dma_wait3A = arith.constant 0 : i32
      %dma_wait3A_173 = arith.constant 0 : i32
      %dma_wait3A_174 = tpu.memref_slice %arg5[%dma_wait3A, %dma_wait3A_173] : memref<10000x128xf32, #tpu.memory_space<hbm>> -> memref<10000x128xf32, #tpu.memory_space<hbm>>
      tpu.wait_indirect_dma semaphore(%arg17 : memref<!tpu.dma_semaphore, #tpu.memory_space<semaphore_mem>>) src(%dma_wait3A_174 : memref<10000x128xf32, #tpu.memory_space<hbm>>) dst(%arg12 : memref<80x128xf32, #tpu.memory_space<vmem>>)
      %dma_wait3A_175 = arith.constant 0 : i32
      %dma_wait3A_176 = arith.constant 0 : i32
      %dma_wait3A_177 = tpu.memref_slice %arg6[%dma_wait3A_175, %dma_wait3A_176] : memref<10000x128xf32, #tpu.memory_space<hbm>> -> memref<10000x128xf32, #tpu.memory_space<hbm>>
      tpu.wait_indirect_dma semaphore(%arg18 : memref<!tpu.dma_semaphore, #tpu.memory_space<semaphore_mem>>) src(%dma_wait3A_177 : memref<10000x128xf32, #tpu.memory_space<hbm>>) dst(%arg13 : memref<80x128xf32, #tpu.memory_space<vmem>>)
      %scan3A_178 = arith.constant 0 : i32
      %scan3A_179 = arith.constant 0 : i32
      %scan3A_180 = arith.constant 80 : i32
      %scan3A_181 = arith.addi %scan3A_179, %scan3A_180 : i32
      %scan3A_182 = arith.constant 1 : i32
      %scan3A_183 = scf.for %scan3A_186 = %scan3A_179 to %scan3A_181 step %scan3A_182 iter_args(%scan3A_187 = %scan3A_178) -> (i32)  : i32 {
        %get3A_188 = arith.index_cast %scan3A_186 : i32 to index
        %get3A_189 = arith.constant 0 : index
        %get3A_190 = tpu.vector_load %arg12[%get3A_188, %get3A_189] {strides = array<i32>} : memref<80x128xf32, #tpu.memory_space<vmem>>, vector<1x16xf32>,
        %get3A_191 = vector.shape_cast %get3A_190 : vector<1x16xf32> to vector<16xf32>
        %get3A_192 = arith.index_cast %scan3A_186 : i32 to index
        %get3A_193 = arith.constant 0 : index
        %get3A_194 = tpu.vector_load %arg13[%get3A_192, %get3A_193] {strides = array<i32>} : memref<80x128xf32, #tpu.memory_space<vmem>>, vector<1x16xf32>,
        %get3A_195 = vector.shape_cast %get3A_194 : vector<1x16xf32> to vector<16xf32>
        %add3A_196 = arith.addf %get3A_191, %get3A_195 : vector<16xf32>
        %neg3A = arith.constant 0.000000e+00 : f32
        %neg3A_197 = vector.broadcast %neg3A : f32 to vector<16xf32>
        %neg3A_198 = arith.subf %neg3A_197, %add3A_196 : vector<16xf32>
        %exp3A = math.exp %neg3A_198 : vector<16xf32>
        %add3A_199 = arith.constant 1.000000e+00 : f32
        %add3A_200 = vector.broadcast %add3A_199 : f32 to vector<16xf32>
        %add3A_201 = arith.addf %add3A_200, %exp3A : vector<16xf32>
        %div3A = arith.divf %add3A_196, %add3A_201 : vector<16xf32>
        %swap3A_202 = arith.index_cast %scan3A_186 : i32 to index
        %swap3A_203 = arith.constant 0 : index
        %swap3A_204 = tpu.vector_load %arg12[%swap3A_202, %swap3A_203] {strides = array<i32>} : memref<80x128xf32, #tpu.memory_space<vmem>>, vector<1x16xf32>,
        %swap3A_205 = vector.shape_cast %swap3A_204 : vector<1x16xf32> to vector<16xf32>
        %swap3A_206 = vector.shape_cast %div3A : vector<16xf32> to vector<1x16xf32>
        tpu.vector_store %arg12[%swap3A_202, %swap3A_203], %swap3A_206 {strides = array<i32>} : memref<80x128xf32, #tpu.memory_space<vmem>>, vector<1x16xf32>,
        %get3A_207 = arith.index_cast %scan3A_186 : i32 to index
        %get3A_208 = arith.constant 16 : index
        %get3A_209 = tpu.vector_load %arg12[%get3A_207, %get3A_208] {strides = array<i32>} : memref<80x128xf32, #tpu.memory_space<vmem>>, vector<1x16xf32>,
        %get3A_210 = vector.shape_cast %get3A_209 : vector<1x16xf32> to vector<16xf32>
        %get3A_211 = arith.index_cast %scan3A_186 : i32 to index
        %get3A_212 = arith.constant 16 : index
        %get3A_213 = tpu.vector_load %arg13[%get3A_211, %get3A_212] {strides = array<i32>} : memref<80x128xf32, #tpu.memory_space<vmem>>, vector<1x16xf32>,
        %get3A_214 = vector.shape_cast %get3A_213 : vector<1x16xf32> to vector<16xf32>
        %add3A_215 = arith.addf %get3A_210, %get3A_214 : vector<16xf32>
        %neg3A_216 = arith.constant 0.000000e+00 : f32
        %neg3A_217 = vector.broadcast %neg3A_216 : f32 to vector<16xf32>
        %neg3A_218 = arith.subf %neg3A_217, %add3A_215 : vector<16xf32>
        %exp3A_219 = math.exp %neg3A_218 : vector<16xf32>
        %add3A_220 = arith.constant 1.000000e+00 : f32
        %add3A_221 = vector.broadcast %add3A_220 : f32 to vector<16xf32>
        %add3A_222 = arith.addf %add3A_221, %exp3A_219 : vector<16xf32>
        %div3A_223 = arith.divf %add3A_215, %add3A_222 : vector<16xf32>
        %swap3A_224 = arith.index_cast %scan3A_186 : i32 to index
        %swap3A_225 = arith.constant 16 : index
        %swap3A_226 = tpu.vector_load %arg12[%swap3A_224, %swap3A_225] {strides = array<i32>} : memref<80x128xf32, #tpu.memory_space<vmem>>, vector<1x16xf32>,
        %swap3A_227 = vector.shape_cast %swap3A_226 : vector<1x16xf32> to vector<16xf32>
        %swap3A_228 = vector.shape_cast %div3A_223 : vector<16xf32> to vector<1x16xf32>
        tpu.vector_store %arg12[%swap3A_224, %swap3A_225], %swap3A_228 {strides = array<i32>} : memref<80x128xf32, #tpu.memory_space<vmem>>, vector<1x16xf32>,
        %get3A_229 = arith.index_cast %scan3A_186 : i32 to index
        %get3A_230 = arith.constant 32 : index
        %get3A_231 = tpu.vector_load %arg12[%get3A_229, %get3A_230] {strides = array<i32>} : memref<80x128xf32, #tpu.memory_space<vmem>>, vector<1x16xf32>,
        %get3A_232 = vector.shape_cast %get3A_231 : vector<1x16xf32> to vector<16xf32>
        %get3A_233 = arith.index_cast %scan3A_186 : i32 to index
        %get3A_234 = arith.constant 32 : index
        %get3A_235 = tpu.vector_load %arg13[%get3A_233, %get3A_234] {strides = array<i32>} : memref<80x128xf32, #tpu.memory_space<vmem>>, vector<1x16xf32>,
        %get3A_236 = vector.shape_cast %get3A_235 : vector<1x16xf32> to vector<16xf32>
        %add3A_237 = arith.addf %get3A_232, %get3A_236 : vector<16xf32>
        %neg3A_238 = arith.constant 0.000000e+00 : f32
        %neg3A_239 = vector.broadcast %neg3A_238 : f32 to vector<16xf32>
        %neg3A_240 = arith.subf %neg3A_239, %add3A_237 : vector<16xf32>
        %exp3A_241 = math.exp %neg3A_240 : vector<16xf32>
        %add3A_242 = arith.constant 1.000000e+00 : f32
        %add3A_243 = vector.broadcast %add3A_242 : f32 to vector<16xf32>
        %add3A_244 = arith.addf %add3A_243, %exp3A_241 : vector<16xf32>
        %div3A_245 = arith.divf %add3A_237, %add3A_244 : vector<16xf32>
        %swap3A_246 = arith.index_cast %scan3A_186 : i32 to index
        %swap3A_247 = arith.constant 32 : index
        %swap3A_248 = tpu.vector_load %arg12[%swap3A_246, %swap3A_247] {strides = array<i32>} : memref<80x128xf32, #tpu.memory_space<vmem>>, vector<1x16xf32>,
        %swap3A_249 = vector.shape_cast %swap3A_248 : vector<1x16xf32> to vector<16xf32>
        %swap3A_250 = vector.shape_cast %div3A_245 : vector<16xf32> to vector<1x16xf32>
        tpu.vector_store %arg12[%swap3A_246, %swap3A_247], %swap3A_250 {strides = array<i32>} : memref<80x128xf32, #tpu.memory_space<vmem>>, vector<1x16xf32>,
        %get3A_251 = arith.index_cast %scan3A_186 : i32 to index
        %get3A_252 = arith.constant 48 : index
        %get3A_253 = tpu.vector_load %arg12[%get3A_251, %get3A_252] {strides = array<i32>} : memref<80x128xf32, #tpu.memory_space<vmem>>, vector<1x16xf32>,
        %get3A_254 = vector.shape_cast %get3A_253 : vector<1x16xf32> to vector<16xf32>
        %get3A_255 = arith.index_cast %scan3A_186 : i32 to index
        %get3A_256 = arith.constant 48 : index
        %get3A_257 = tpu.vector_load %arg13[%get3A_255, %get3A_256] {strides = array<i32>} : memref<80x128xf32, #tpu.memory_space<vmem>>, vector<1x16xf32>,
        %get3A_258 = vector.shape_cast %get3A_257 : vector<1x16xf32> to vector<16xf32>
        %add3A_259 = arith.addf %get3A_254, %get3A_258 : vector<16xf32>
        %neg3A_260 = arith.constant 0.000000e+00 : f32
        %neg3A_261 = vector.broadcast %neg3A_260 : f32 to vector<16xf32>
        %neg3A_262 = arith.subf %neg3A_261, %add3A_259 : vector<16xf32>
        %exp3A_263 = math.exp %neg3A_262 : vector<16xf32>
        %add3A_264 = arith.constant 1.000000e+00 : f32
        %add3A_265 = vector.broadcast %add3A_264 : f32 to vector<16xf32>
        %add3A_266 = arith.addf %add3A_265, %exp3A_263 : vector<16xf32>
        %div3A_267 = arith.divf %add3A_259, %add3A_266 : vector<16xf32>
        %swap3A_268 = arith.index_cast %scan3A_186 : i32 to index
        %swap3A_269 = arith.constant 48 : index
        %swap3A_270 = tpu.vector_load %arg12[%swap3A_268, %swap3A_269] {strides = array<i32>} : memref<80x128xf32, #tpu.memory_space<vmem>>, vector<1x16xf32>,
        %swap3A_271 = vector.shape_cast %swap3A_270 : vector<1x16xf32> to vector<16xf32>
        %swap3A_272 = vector.shape_cast %div3A_267 : vector<16xf32> to vector<1x16xf32>
        tpu.vector_store %arg12[%swap3A_268, %swap3A_269], %swap3A_272 {strides = array<i32>} : memref<80x128xf32, #tpu.memory_space<vmem>>, vector<1x16xf32>,
        %get3A_273 = arith.index_cast %scan3A_186 : i32 to index
        %get3A_274 = arith.constant 64 : index
        %get3A_275 = tpu.vector_load %arg12[%get3A_273, %get3A_274] {strides = array<i32>} : memref<80x128xf32, #tpu.memory_space<vmem>>, vector<1x16xf32>,
        %get3A_276 = vector.shape_cast %get3A_275 : vector<1x16xf32> to vector<16xf32>
        %get3A_277 = arith.index_cast %scan3A_186 : i32 to index
        %get3A_278 = arith.constant 64 : index
        %get3A_279 = tpu.vector_load %arg13[%get3A_277, %get3A_278] {strides = array<i32>} : memref<80x128xf32, #tpu.memory_space<vmem>>, vector<1x16xf32>,
        %get3A_280 = vector.shape_cast %get3A_279 : vector<1x16xf32> to vector<16xf32>
        %add3A_281 = arith.addf %get3A_276, %get3A_280 : vector<16xf32>
        %neg3A_282 = arith.constant 0.000000e+00 : f32
        %neg3A_283 = vector.broadcast %neg3A_282 : f32 to vector<16xf32>
        %neg3A_284 = arith.subf %neg3A_283, %add3A_281 : vector<16xf32>
        %exp3A_285 = math.exp %neg3A_284 : vector<16xf32>
        %add3A_286 = arith.constant 1.000000e+00 : f32
        %add3A_287 = vector.broadcast %add3A_286 : f32 to vector<16xf32>
        %add3A_288 = arith.addf %add3A_287, %exp3A_285 : vector<16xf32>
        %div3A_289 = arith.divf %add3A_281, %add3A_288 : vector<16xf32>
        %swap3A_290 = arith.index_cast %scan3A_186 : i32 to index
        %swap3A_291 = arith.constant 64 : index
        %swap3A_292 = tpu.vector_load %arg12[%swap3A_290, %swap3A_291] {strides = array<i32>} : memref<80x128xf32, #tpu.memory_space<vmem>>, vector<1x16xf32>,
        %swap3A_293 = vector.shape_cast %swap3A_292 : vector<1x16xf32> to vector<16xf32>
        %swap3A_294 = vector.shape_cast %div3A_289 : vector<16xf32> to vector<1x16xf32>
        tpu.vector_store %arg12[%swap3A_290, %swap3A_291], %swap3A_294 {strides = array<i32>} : memref<80x128xf32, #tpu.memory_space<vmem>>, vector<1x16xf32>,
        %get3A_295 = arith.index_cast %scan3A_186 : i32 to index
        %get3A_296 = arith.constant 80 : index
        %get3A_297 = tpu.vector_load %arg12[%get3A_295, %get3A_296] {strides = array<i32>} : memref<80x128xf32, #tpu.memory_space<vmem>>, vector<1x16xf32>,
        %get3A_298 = vector.shape_cast %get3A_297 : vector<1x16xf32> to vector<16xf32>
        %get3A_299 = arith.index_cast %scan3A_186 : i32 to index
        %get3A_300 = arith.constant 80 : index
        %get3A_301 = tpu.vector_load %arg13[%get3A_299, %get3A_300] {strides = array<i32>} : memref<80x128xf32, #tpu.memory_space<vmem>>, vector<1x16xf32>,
        %get3A_302 = vector.shape_cast %get3A_301 : vector<1x16xf32> to vector<16xf32>
        %add3A_303 = arith.addf %get3A_298, %get3A_302 : vector<16xf32>
        %neg3A_304 = arith.constant 0.000000e+00 : f32
        %neg3A_305 = vector.broadcast %neg3A_304 : f32 to vector<16xf32>
        %neg3A_306 = arith.subf %neg3A_305, %add3A_303 : vector<16xf32>
        %exp3A_307 = math.exp %neg3A_306 : vector<16xf32>
        %add3A_308 = arith.constant 1.000000e+00 : f32
        %add3A_309 = vector.broadcast %add3A_308 : f32 to vector<16xf32>
        %add3A_310 = arith.addf %add3A_309, %exp3A_307 : vector<16xf32>
        %div3A_311 = arith.divf %add3A_303, %add3A_310 : vector<16xf32>
        %swap3A_312 = arith.index_cast %scan3A_186 : i32 to index
        %swap3A_313 = arith.constant 80 : index
        %swap3A_314 = tpu.vector_load %arg12[%swap3A_312, %swap3A_313] {strides = array<i32>} : memref<80x128xf32, #tpu.memory_space<vmem>>, vector<1x16xf32>,
        %swap3A_315 = vector.shape_cast %swap3A_314 : vector<1x16xf32> to vector<16xf32>
        %swap3A_316 = vector.shape_cast %div3A_311 : vector<16xf32> to vector<1x16xf32>
        tpu.vector_store %arg12[%swap3A_312, %swap3A_313], %swap3A_316 {strides = array<i32>} : memref<80x128xf32, #tpu.memory_space<vmem>>, vector<1x16xf32>,
        %get3A_317 = arith.index_cast %scan3A_186 : i32 to index
        %get3A_318 = arith.constant 96 : index
        %get3A_319 = tpu.vector_load %arg12[%get3A_317, %get3A_318] {strides = array<i32>} : memref<80x128xf32, #tpu.memory_space<vmem>>, vector<1x16xf32>,
        %get3A_320 = vector.shape_cast %get3A_319 : vector<1x16xf32> to vector<16xf32>
        %get3A_321 = arith.index_cast %scan3A_186 : i32 to index
        %get3A_322 = arith.constant 96 : index
        %get3A_323 = tpu.vector_load %arg13[%get3A_321, %get3A_322] {strides = array<i32>} : memref<80x128xf32, #tpu.memory_space<vmem>>, vector<1x16xf32>,
        %get3A_324 = vector.shape_cast %get3A_323 : vector<1x16xf32> to vector<16xf32>
        %add3A_325 = arith.addf %get3A_320, %get3A_324 : vector<16xf32>
        %neg3A_326 = arith.constant 0.000000e+00 : f32
        %neg3A_327 = vector.broadcast %neg3A_326 : f32 to vector<16xf32>
        %neg3A_328 = arith.subf %neg3A_327, %add3A_325 : vector<16xf32>
        %exp3A_329 = math.exp %neg3A_328 : vector<16xf32>
        %add3A_330 = arith.constant 1.000000e+00 : f32
        %add3A_331 = vector.broadcast %add3A_330 : f32 to vector<16xf32>
        %add3A_332 = arith.addf %add3A_331, %exp3A_329 : vector<16xf32>
        %div3A_333 = arith.divf %add3A_325, %add3A_332 : vector<16xf32>
        %swap3A_334 = arith.index_cast %scan3A_186 : i32 to index
        %swap3A_335 = arith.constant 96 : index
        %swap3A_336 = tpu.vector_load %arg12[%swap3A_334, %swap3A_335] {strides = array<i32>} : memref<80x128xf32, #tpu.memory_space<vmem>>, vector<1x16xf32>,
        %swap3A_337 = vector.shape_cast %swap3A_336 : vector<1x16xf32> to vector<16xf32>
        %swap3A_338 = vector.shape_cast %div3A_333 : vector<16xf32> to vector<1x16xf32>
        tpu.vector_store %arg12[%swap3A_334, %swap3A_335], %swap3A_338 {strides = array<i32>} : memref<80x128xf32, #tpu.memory_space<vmem>>, vector<1x16xf32>,
        %get3A_339 = arith.index_cast %scan3A_186 : i32 to index
        %get3A_340 = arith.constant 112 : index
        %get3A_341 = tpu.vector_load %arg12[%get3A_339, %get3A_340] {strides = array<i32>} : memref<80x128xf32, #tpu.memory_space<vmem>>, vector<1x16xf32>,
        %get3A_342 = vector.shape_cast %get3A_341 : vector<1x16xf32> to vector<16xf32>
        %get3A_343 = arith.index_cast %scan3A_186 : i32 to index
        %get3A_344 = arith.constant 112 : index
        %get3A_345 = tpu.vector_load %arg13[%get3A_343, %get3A_344] {strides = array<i32>} : memref<80x128xf32, #tpu.memory_space<vmem>>, vector<1x16xf32>,
        %get3A_346 = vector.shape_cast %get3A_345 : vector<1x16xf32> to vector<16xf32>
        %add3A_347 = arith.addf %get3A_342, %get3A_346 : vector<16xf32>
        %neg3A_348 = arith.constant 0.000000e+00 : f32
        %neg3A_349 = vector.broadcast %neg3A_348 : f32 to vector<16xf32>
        %neg3A_350 = arith.subf %neg3A_349, %add3A_347 : vector<16xf32>
        %exp3A_351 = math.exp %neg3A_350 : vector<16xf32>
        %add3A_352 = arith.constant 1.000000e+00 : f32
        %add3A_353 = vector.broadcast %add3A_352 : f32 to vector<16xf32>
        %add3A_354 = arith.addf %add3A_353, %exp3A_351 : vector<16xf32>
        %div3A_355 = arith.divf %add3A_347, %add3A_354 : vector<16xf32>
        %swap3A_356 = arith.index_cast %scan3A_186 : i32 to index
        %swap3A_357 = arith.constant 112 : index
        %swap3A_358 = tpu.vector_load %arg12[%swap3A_356, %swap3A_357] {strides = array<i32>} : memref<80x128xf32, #tpu.memory_space<vmem>>, vector<1x16xf32>,
        %swap3A_359 = vector.shape_cast %swap3A_358 : vector<1x16xf32> to vector<16xf32>
        %swap3A_360 = vector.shape_cast %div3A_355 : vector<16xf32> to vector<1x16xf32>
        tpu.vector_store %arg12[%swap3A_356, %swap3A_357], %swap3A_360 {strides = array<i32>} : memref<80x128xf32, #tpu.memory_space<vmem>>, vector<1x16xf32>,
        %scan3A_361 = arith.constant 0 : i32
        scf.yield %scan3A_361 : i32
      }
      %scan3A_184 = arith.constant 80 : i32
      "tpu.region"() ({
        %run_scoped3A = tpu.sem_alloc : memref<!tpu.dma_semaphore, #tpu.memory_space<semaphore_mem>>
        %dma_start3A_186 = arith.constant 0 : i32
        %dma_start3A_187 = arith.constant 0 : i32
        %dma_start3A_188 = tpu.memref_slice %arg19[%dma_start3A_186, %dma_start3A_187] : memref<5248x128xf32, #tpu.memory_space<vmem_shared>> -> memref<5248x128xf32, #tpu.memory_space<vmem_shared>>
        tpu.enqueue_indirect_dma source(%arg12 : memref<80x128xf32, #tpu.memory_space<vmem>>) target(%dma_start3A_188 : memref<5248x128xf32, #tpu.memory_space<vmem_shared>>) offsets(%arg11 : memref<80xi32, #tpu.memory_space<vmem>>) semaphore(%run_scoped3A : memref<!tpu.dma_semaphore, #tpu.memory_space<semaphore_mem>>) {add = true}
        %dma_wait3A_189 = arith.constant 0 : i32
        %dma_wait3A_190 = arith.constant 0 : i32
        %dma_wait3A_191 = tpu.memref_slice %arg19[%dma_wait3A_189, %dma_wait3A_190] : memref<5248x128xf32, #tpu.memory_space<vmem_shared>> -> memref<5248x128xf32, #tpu.memory_space<vmem_shared>>
        tpu.wait_indirect_dma semaphore(%run_scoped3A : memref<!tpu.dma_semaphore, #tpu.memory_space<semaphore_mem>>) src(%arg12 : memref<80x128xf32, #tpu.memory_space<vmem>>) dst(%dma_wait3A_191 : memref<5248x128xf32, #tpu.memory_space<vmem_shared>>)
        tpu.yield
      }) : () -> ()
      "tpu.region"() ({
        %run_scoped3A = tpu.sem_alloc : memref<!tpu.dma_semaphore, #tpu.memory_space<semaphore_mem>>
        %dma_start3A_186 = arith.constant 0 : i32
        %dma_start3A_187 = arith.constant 0 : i32
        %dma_start3A_188 = tpu.memref_slice %arg20[%dma_start3A_186, %dma_start3A_187] : memref<5248x16xf32, #tpu.memory_space<vmem_shared>> -> memref<5248x16xf32, #tpu.memory_space<vmem_shared>>
        tpu.enqueue_indirect_dma source(%arg14 : memref<80x16xf32, #tpu.memory_space<vmem>>) target(%dma_start3A_188 : memref<5248x16xf32, #tpu.memory_space<vmem_shared>>) offsets(%arg11 : memref<80xi32, #tpu.memory_space<vmem>>) semaphore(%run_scoped3A : memref<!tpu.dma_semaphore, #tpu.memory_space<semaphore_mem>>) {add = true}
        %dma_wait3A_189 = arith.constant 0 : i32
        %dma_wait3A_190 = arith.constant 0 : i32
        %dma_wait3A_191 = tpu.memref_slice %arg20[%dma_wait3A_189, %dma_wait3A_190] : memref<5248x16xf32, #tpu.memory_space<vmem_shared>> -> memref<5248x16xf32, #tpu.memory_space<vmem_shared>>
        tpu.wait_indirect_dma semaphore(%run_scoped3A : memref<!tpu.dma_semaphore, #tpu.memory_space<semaphore_mem>>) src(%arg14 : memref<80x16xf32, #tpu.memory_space<vmem>>) dst(%dma_wait3A_191 : memref<5248x16xf32, #tpu.memory_space<vmem_shared>>)
        tpu.yield
      }) : () -> ()
      %scan3A_185 = arith.constant 0 : i32
      scf.yield %scan3A_185 : i32
    }
    %scan3A_66 = arith.constant 125 : i32
    %barrier3A_67 = arith.constant 0 : index
    tpu.barrier barrier_id(%barrier3A_67)
    %mul3A_68 = arith.constant 320 : i32
    %mul3A_69 = arith.muli %arg1, %mul3A_68 : i32
    %mul3A_70 = arith.constant 320 : i32
    %mul3A_71 = arith.muli %arg1, %mul3A_70 : i32
    "tpu.region"() ({
      %run_scoped3A = tpu.sem_alloc : memref<!tpu.dma_semaphore, #tpu.memory_space<semaphore_mem>>
      %dma_start3A = arith.constant 0 : i32
      %dma_start3A_76 = tpu.memref_slice %arg7[%arg0, %mul3A_71, %dma_start3A] : memref<2x5120x128xf32, #tpu.memory_space<hbm>> -> memref<1x320x128xf32, #tpu.memory_space<hbm>>
      %dma_start3A_77 = tpu.memref_squeeze %dma_start3A_76 : memref<1x320x128xf32, #tpu.memory_space<hbm>> -> memref<320x128xf32, #tpu.memory_space<hbm>>
      %dma_start3A_78 = arith.constant 0 : i32
      %dma_start3A_79 = tpu.memref_slice %arg19[%mul3A_69, %dma_start3A_78] : memref<5248x128xf32, #tpu.memory_space<vmem_shared>> -> memref<320x128xf32, #tpu.memory_space<vmem_shared>>
      tpu.enqueue_dma source(%dma_start3A_79 : memref<320x128xf32, #tpu.memory_space<vmem_shared>>) target(%dma_start3A_77 : memref<320x128xf32, #tpu.memory_space<hbm>>) target_semaphore(%run_scoped3A : memref<!tpu.dma_semaphore, #tpu.memory_space<semaphore_mem>>)
      %dma_wait3A = arith.constant 0 : i32
      %dma_wait3A_80 = tpu.memref_slice %arg7[%arg0, %mul3A_71, %dma_wait3A] : memref<2x5120x128xf32, #tpu.memory_space<hbm>> -> memref<1x320x128xf32, #tpu.memory_space<hbm>>
      %dma_wait3A_81 = tpu.memref_squeeze %dma_wait3A_80 : memref<1x320x128xf32, #tpu.memory_space<hbm>> -> memref<320x128xf32, #tpu.memory_space<hbm>>
      %dma_wait3A_82 = arith.constant 0 : i32
      %dma_wait3A_83 = tpu.memref_slice %arg19[%mul3A_69, %dma_wait3A_82] : memref<5248x128xf32, #tpu.memory_space<vmem_shared>> -> memref<320x128xf32, #tpu.memory_space<vmem_shared>>
      tpu.wait_dma2 semaphore(%run_scoped3A : memref<!tpu.dma_semaphore, #tpu.memory_space<semaphore_mem>>) src(%dma_wait3A_83 : memref<320x128xf32, #tpu.memory_space<vmem_shared>>) dst(%dma_wait3A_81 : memref<320x128xf32, #tpu.memory_space<hbm>>)
      tpu.yield
    }) : () -> ()
    %mul3A_72 = arith.constant 320 : i32
    %mul3A_73 = arith.muli %arg1, %mul3A_72 : i32
    %mul3A_74 = arith.constant 320 : i32
    %mul3A_75 = arith.muli %arg1, %mul3A_74 : i32
    "tpu.region"() ({
      %run_scoped3A = tpu.sem_alloc : memref<!tpu.dma_semaphore, #tpu.memory_space<semaphore_mem>>
      %dma_start3A = arith.constant 0 : i32
      %dma_start3A_76 = tpu.memref_slice %arg8[%arg0, %mul3A_75, %dma_start3A] : memref<2x5120x16xf32, #tpu.memory_space<hbm>> -> memref<1x320x16xf32, #tpu.memory_space<hbm>>
      %dma_start3A_77 = tpu.memref_squeeze %dma_start3A_76 : memref<1x320x16xf32, #tpu.memory_space<hbm>> -> memref<320x16xf32, #tpu.memory_space<hbm>>
      %dma_start3A_78 = arith.constant 0 : i32
      %dma_start3A_79 = tpu.memref_slice %arg20[%mul3A_73, %dma_start3A_78] : memref<5248x16xf32, #tpu.memory_space<vmem_shared>> -> memref<320x16xf32, #tpu.memory_space<vmem_shared>>
      tpu.enqueue_dma source(%dma_start3A_79 : memref<320x16xf32, #tpu.memory_space<vmem_shared>>) target(%dma_start3A_77 : memref<320x16xf32, #tpu.memory_space<hbm>>) target_semaphore(%run_scoped3A : memref<!tpu.dma_semaphore, #tpu.memory_space<semaphore_mem>>)
      %dma_wait3A = arith.constant 0 : i32
      %dma_wait3A_80 = tpu.memref_slice %arg8[%arg0, %mul3A_75, %dma_wait3A] : memref<2x5120x16xf32, #tpu.memory_space<hbm>> -> memref<1x320x16xf32, #tpu.memory_space<hbm>>
      %dma_wait3A_81 = tpu.memref_squeeze %dma_wait3A_80 : memref<1x320x16xf32, #tpu.memory_space<hbm>> -> memref<320x16xf32, #tpu.memory_space<hbm>>
      %dma_wait3A_82 = arith.constant 0 : i32
      %dma_wait3A_83 = tpu.memref_slice %arg20[%mul3A_73, %dma_wait3A_82] : memref<5248x16xf32, #tpu.memory_space<vmem_shared>> -> memref<320x16xf32, #tpu.memory_space<vmem_shared>>
      tpu.wait_dma2 semaphore(%run_scoped3A : memref<!tpu.dma_semaphore, #tpu.memory_space<semaphore_mem>>) src(%dma_wait3A_83 : memref<320x16xf32, #tpu.memory_space<vmem_shared>>) dst(%dma_wait3A_81 : memref<320x16xf32, #tpu.memory_space<hbm>>)
      tpu.yield
    }) : () -> ()
    return
  }
}

module attributes {stable_mosaic.version = 14 : i64} {
  func.func @_tc0_body(%arg0: i32, %arg1: memref<2000x128xf32, #tpu.memory_space<vmem>>, %arg2: memref<2000x3xf32, #tpu.memory_space<vmem>>, %arg3: memref<128x128xf32, #tpu.memory_space<vmem>>, %arg4: memref<1x128xf32, #tpu.memory_space<vmem>>, %arg5: memref<2000x128xf32, #tpu.memory_space<vmem>>, %arg6: memref<2000x3xf32, #tpu.memory_space<vmem>>) attributes {dimension_semantics = [#tpu.dimension_semantics<arbitrary>], iteration_bounds = array<i64: 5>, scalar_prefetch = 0 : i64, scratch_operands = 0 : i64, tpu.core_type = #tpu.core_type<tc>, window_params = [{transform_indices = @transform_0, window_bounds = array<i64: 2000, 128>}, {transform_indices = @transform_1, window_bounds = array<i64: 2000, 3>}, {pipeline_mode = #tpu.pipeline_mode<synchronous>, transform_indices = @transform_2, window_bounds = array<i64: 128, 128>}, {pipeline_mode = #tpu.pipeline_mode<synchronous>, transform_indices = @transform_3, window_bounds = array<i64: 1, 128>}, {transform_indices = @transform_4, window_bounds = array<i64: 2000, 128>}, {transform_indices = @transform_5, window_bounds = array<i64: 2000, 3>}]} {
    %get3A = arith.constant 0 : index
    %get3A_0 = arith.constant 0 : index
    %get3A_1 = vector.load %arg1[%get3A, %get3A_0] : memref<2000x128xf32, #tpu.memory_space<vmem>>, vector<2000x128xf32>
    %ne3A = arith.cmpf one, %get3A_1, %get3A_1 : vector<2000x128xf32>
    %jit3A = arith.constant 0.000000e+00 : f32
    %broadcast_in_dim3A = vector.broadcast %jit3A : f32 to vector<2000x128xf32>
    %select_n3A = arith.select %ne3A, %broadcast_in_dim3A, %get3A_1 : vector<2000x128xi1>, vector<2000x128xf32>
    %eq3A = arith.constant 0x7F800000 : f32
    %eq3A_2 = vector.broadcast %eq3A : f32 to vector<2000x128xf32>
    %eq3A_3 = arith.cmpf oeq, %select_n3A, %eq3A_2 : vector<2000x128xf32>
    %jit3A_4 = arith.constant 3.40282347E+38 : f32
    %broadcast_in_dim3A_5 = vector.broadcast %jit3A_4 : f32 to vector<2000x128xf32>
    %select_n3A_6 = arith.select %eq3A_3, %broadcast_in_dim3A_5, %select_n3A : vector<2000x128xi1>, vector<2000x128xf32>
    %eq3A_7 = arith.constant 0xFF800000 : f32
    %eq3A_8 = vector.broadcast %eq3A_7 : f32 to vector<2000x128xf32>
    %eq3A_9 = arith.cmpf oeq, %select_n3A_6, %eq3A_8 : vector<2000x128xf32>
    %jit3A_10 = arith.constant -3.40282347E+38 : f32
    %broadcast_in_dim3A_11 = vector.broadcast %jit3A_10 : f32 to vector<2000x128xf32>
    %select_n3A_12 = arith.select %eq3A_9, %broadcast_in_dim3A_11, %select_n3A_6 : vector<2000x128xi1>, vector<2000x128xf32>
    %get3A_13 = arith.constant 0 : index
    %get3A_14 = arith.constant 0 : index
    %get3A_15 = vector.load %arg3[%get3A_13, %get3A_14] : memref<128x128xf32, #tpu.memory_space<vmem>>, vector<128x128xf32>
    %dot_general3A = arith.constant dense<0.000000e+00> : vector<2000x128xf32>
    %dot_general3A_16 = tpu.matmul %select_n3A_12, %get3A_15, %dot_general3A {dimension_numbers = #tpu.dot_dimension_numbers<[1], [0], [0], [1], [0, 0, 1, 1], [], []>, transpose_lhs_hint = false} : vector<2000x128xf32>, vector<128x128xf32>, vector<2000x128xf32> -> vector<2000x128xf32>
    %get3A_17 = arith.constant 0 : index
    %get3A_18 = arith.constant 0 : index
    %get3A_19 = vector.load %arg4[%get3A_17, %get3A_18] : memref<1x128xf32, #tpu.memory_space<vmem>>, vector<1x128xf32>
    %add3A = vector.broadcast %get3A_19 : vector<1x128xf32> to vector<2000x128xf32>
    %add3A_20 = arith.addf %dot_general3A_16, %add3A : vector<2000x128xf32>
    %jit3A_21 = arith.constant 0.000000e+00 : f32
    %ne3A_22 = arith.cmpf one, %add3A_20, %add3A_20 : vector<2000x128xf32>
    %broadcast_in_dim3A_23 = vector.broadcast %jit3A_21 : f32 to vector<2000x128xf32>
    %select_n3A_24 = arith.select %ne3A_22, %broadcast_in_dim3A_23, %add3A_20 : vector<2000x128xi1>, vector<2000x128xf32>
    %eq3A_25 = arith.constant 0x7F800000 : f32
    %eq3A_26 = vector.broadcast %eq3A_25 : f32 to vector<2000x128xf32>
    %eq3A_27 = arith.cmpf oeq, %select_n3A_24, %eq3A_26 : vector<2000x128xf32>
    %jit3A_28 = arith.constant 3.40282347E+38 : f32
    %broadcast_in_dim3A_29 = vector.broadcast %jit3A_28 : f32 to vector<2000x128xf32>
    %select_n3A_30 = arith.select %eq3A_27, %broadcast_in_dim3A_29, %select_n3A_24 : vector<2000x128xi1>, vector<2000x128xf32>
    %eq3A_31 = arith.constant 0xFF800000 : f32
    %eq3A_32 = vector.broadcast %eq3A_31 : f32 to vector<2000x128xf32>
    %eq3A_33 = arith.cmpf oeq, %select_n3A_30, %eq3A_32 : vector<2000x128xf32>
    %jit3A_34 = arith.constant -3.40282347E+38 : f32
    %broadcast_in_dim3A_35 = vector.broadcast %jit3A_34 : f32 to vector<2000x128xf32>
    %select_n3A_36 = arith.select %eq3A_33, %broadcast_in_dim3A_35, %select_n3A_30 : vector<2000x128xi1>, vector<2000x128xf32>
    %swap3A = arith.constant 0 : index
    %swap3A_37 = arith.constant 0 : index
    %swap3A_38 = vector.load %arg5[%swap3A, %swap3A_37] : memref<2000x128xf32, #tpu.memory_space<vmem>>, vector<2000x128xf32>
    tpu.vector_store %arg5[%swap3A, %swap3A_37], %select_n3A_36 {strides = array<i32>} : memref<2000x128xf32, #tpu.memory_space<vmem>>, vector<2000x128xf32>,
    %get3A_39 = arith.constant 0 : index
    %get3A_40 = arith.constant 0 : index
    %get3A_41 = vector.load %arg2[%get3A_39, %get3A_40] : memref<2000x3xf32, #tpu.memory_space<vmem>>, vector<2000x3xf32>
    %ne3A_42 = arith.cmpf one, %get3A_41, %get3A_41 : vector<2000x3xf32>
    %jit3A_43 = arith.constant 0.000000e+00 : f32
    %broadcast_in_dim3A_44 = vector.broadcast %jit3A_43 : f32 to vector<2000x3xf32>
    %select_n3A_45 = arith.select %ne3A_42, %broadcast_in_dim3A_44, %get3A_41 : vector<2000x3xi1>, vector<2000x3xf32>
    %eq3A_46 = arith.constant 0x7F800000 : f32
    %eq3A_47 = vector.broadcast %eq3A_46 : f32 to vector<2000x3xf32>
    %eq3A_48 = arith.cmpf oeq, %select_n3A_45, %eq3A_47 : vector<2000x3xf32>
    %jit3A_49 = arith.constant 3.40282347E+38 : f32
    %broadcast_in_dim3A_50 = vector.broadcast %jit3A_49 : f32 to vector<2000x3xf32>
    %select_n3A_51 = arith.select %eq3A_48, %broadcast_in_dim3A_50, %select_n3A_45 : vector<2000x3xi1>, vector<2000x3xf32>
    %eq3A_52 = arith.constant 0xFF800000 : f32
    %eq3A_53 = vector.broadcast %eq3A_52 : f32 to vector<2000x3xf32>
    %eq3A_54 = arith.cmpf oeq, %select_n3A_51, %eq3A_53 : vector<2000x3xf32>
    %jit3A_55 = arith.constant -3.40282347E+38 : f32
    %broadcast_in_dim3A_56 = vector.broadcast %jit3A_55 : f32 to vector<2000x3xf32>
    %select_n3A_57 = arith.select %eq3A_54, %broadcast_in_dim3A_56, %select_n3A_51 : vector<2000x3xi1>, vector<2000x3xf32>
    %jit3A_58 = arith.constant -2.000000e+01 : f32
    %jit3A_59 = arith.constant 2.000000e+01 : f32
    %max3A = vector.broadcast %jit3A_58 : f32 to vector<2000x3xf32>
    %max3A_60 = arith.maximumf %max3A, %select_n3A_57 : vector<2000x3xf32>
    %min3A = vector.broadcast %jit3A_59 : f32 to vector<2000x3xf32>
    %min3A_61 = arith.minimumf %min3A, %max3A_60 : vector<2000x3xf32>
    %swap3A_62 = arith.constant 0 : index
    %swap3A_63 = arith.constant 0 : index
    %swap3A_64 = vector.load %arg6[%swap3A_62, %swap3A_63] : memref<2000x3xf32, #tpu.memory_space<vmem>>, vector<2000x3xf32>
    tpu.vector_store %arg6[%swap3A_62, %swap3A_63], %min3A_61 {strides = array<i32>} : memref<2000x3xf32, #tpu.memory_space<vmem>>, vector<2000x3xf32>,
    return
  }
  func.func @transform_0(%arg0: i32) -> (i32, i32) {
    %c0_i32 = arith.constant 0 : i32
    %c0_i32_0 = arith.constant 0 : i32
    return %arg0, %c0_i32 : i32, i32
  }
  func.func @transform_1(%arg0: i32) -> (i32, i32) {
    %c0_i32 = arith.constant 0 : i32
    %c0_i32_0 = arith.constant 0 : i32
    return %arg0, %c0_i32 : i32, i32
  }
  func.func @transform_2(%arg0: i32) -> (i32, i32) {
    %c0_i32 = arith.constant 0 : i32
    %c0_i32_0 = arith.constant 0 : i32
    %c0_i32_1 = arith.constant 0 : i32
    return %c0_i32, %c0_i32_0 : i32, i32
  }
  func.func @transform_3(%arg0: i32) -> (i32, i32) {
    %c0_i32 = arith.constant 0 : i32
    %c0_i32_0 = arith.constant 0 : i32
    %c0_i32_1 = arith.constant 0 : i32
    return %c0_i32, %c0_i32_0 : i32, i32
  }
  func.func @transform_4(%arg0: i32) -> (i32, i32) {
    %c0_i32 = arith.constant 0 : i32
    %c0_i32_0 = arith.constant 0 : i32
    return %arg0, %c0_i32 : i32, i32
  }
  func.func @transform_5(%arg0: i32) -> (i32, i32) {
    %c0_i32 = arith.constant 0 : i32
    %c0_i32_0 = arith.constant 0 : i32
    return %arg0, %c0_i32 : i32, i32
  }
}

module attributes {stable_mosaic.version = 14 : i64} {
  func.func @_tc_ab_body(%arg0: i32, %arg1: memref<2000x128xf32, #tpu.memory_space<vmem>>, %arg2: memref<128x128xf32, #tpu.memory_space<vmem>>, %arg3: memref<128x128xf32, #tpu.memory_space<vmem>>, %arg4: memref<1x128xf32, #tpu.memory_space<vmem>>, %arg5: memref<2000x128xf32, #tpu.memory_space<vmem>>, %arg6: memref<2000x128xf32, #tpu.memory_space<vmem>>) attributes {dimension_semantics = [#tpu.dimension_semantics<arbitrary>], iteration_bounds = array<i64: 5>, scalar_prefetch = 0 : i64, scratch_operands = 0 : i64, tpu.core_type = #tpu.core_type<tc>, window_params = [{transform_indices = @transform_0, window_bounds = array<i64: 2000, 128>}, {pipeline_mode = #tpu.pipeline_mode<synchronous>, transform_indices = @transform_1, window_bounds = array<i64: 128, 128>}, {pipeline_mode = #tpu.pipeline_mode<synchronous>, transform_indices = @transform_2, window_bounds = array<i64: 128, 128>}, {pipeline_mode = #tpu.pipeline_mode<synchronous>, transform_indices = @transform_3, window_bounds = array<i64: 1, 128>}, {transform_indices = @transform_4, window_bounds = array<i64: 2000, 128>}, {transform_indices = @transform_5, window_bounds = array<i64: 2000, 128>}]} {
    %get3A = arith.constant 0 : index
    %get3A_0 = arith.constant 0 : index
    %get3A_1 = vector.load %arg1[%get3A, %get3A_0] : memref<2000x128xf32, #tpu.memory_space<vmem>>, vector<2000x128xf32>
    %get3A_2 = arith.constant 0 : index
    %get3A_3 = arith.constant 0 : index
    %get3A_4 = vector.load %arg2[%get3A_2, %get3A_3] : memref<128x128xf32, #tpu.memory_space<vmem>>, vector<128x128xf32>
    %dot_general3A = arith.constant dense<0.000000e+00> : vector<2000x128xf32>
    %dot_general3A_5 = tpu.matmul %get3A_1, %get3A_4, %dot_general3A {dimension_numbers = #tpu.dot_dimension_numbers<[1], [0], [0], [1], [0, 0, 1, 1], [], []>, transpose_lhs_hint = false} : vector<2000x128xf32>, vector<128x128xf32>, vector<2000x128xf32> -> vector<2000x128xf32>
    %get3A_6 = arith.constant 0 : index
    %get3A_7 = arith.constant 0 : index
    %get3A_8 = vector.load %arg4[%get3A_6, %get3A_7] : memref<1x128xf32, #tpu.memory_space<vmem>>, vector<1x128xf32>
    %add3A = vector.broadcast %get3A_8 : vector<1x128xf32> to vector<2000x128xf32>
    %add3A_9 = arith.addf %dot_general3A_5, %add3A : vector<2000x128xf32>
    %swap3A = arith.constant 0 : index
    %swap3A_10 = arith.constant 0 : index
    %swap3A_11 = vector.load %arg5[%swap3A, %swap3A_10] : memref<2000x128xf32, #tpu.memory_space<vmem>>, vector<2000x128xf32>
    tpu.vector_store %arg5[%swap3A, %swap3A_10], %add3A_9 {strides = array<i32>} : memref<2000x128xf32, #tpu.memory_space<vmem>>, vector<2000x128xf32>,
    %get3A_12 = arith.constant 0 : index
    %get3A_13 = arith.constant 0 : index
    %get3A_14 = vector.load %arg3[%get3A_12, %get3A_13] : memref<128x128xf32, #tpu.memory_space<vmem>>, vector<128x128xf32>
    %dot_general3A_15 = arith.constant dense<0.000000e+00> : vector<2000x128xf32>
    %dot_general3A_16 = tpu.matmul %get3A_1, %get3A_14, %dot_general3A_15 {dimension_numbers = #tpu.dot_dimension_numbers<[1], [0], [0], [1], [0, 0, 1, 1], [], []>, transpose_lhs_hint = false} : vector<2000x128xf32>, vector<128x128xf32>, vector<2000x128xf32> -> vector<2000x128xf32>
    %swap3A_17 = arith.constant 0 : index
    %swap3A_18 = arith.constant 0 : index
    %swap3A_19 = vector.load %arg6[%swap3A_17, %swap3A_18] : memref<2000x128xf32, #tpu.memory_space<vmem>>, vector<2000x128xf32>
    tpu.vector_store %arg6[%swap3A_17, %swap3A_18], %dot_general3A_16 {strides = array<i32>} : memref<2000x128xf32, #tpu.memory_space<vmem>>, vector<2000x128xf32>,
    return
  }
  func.func @transform_0(%arg0: i32) -> (i32, i32) {
    %c0_i32 = arith.constant 0 : i32
    %c0_i32_0 = arith.constant 0 : i32
    return %arg0, %c0_i32 : i32, i32
  }
  func.func @transform_1(%arg0: i32) -> (i32, i32) {
    %c0_i32 = arith.constant 0 : i32
    %c0_i32_0 = arith.constant 0 : i32
    %c0_i32_1 = arith.constant 0 : i32
    return %c0_i32, %c0_i32_0 : i32, i32
  }
  func.func @transform_2(%arg0: i32) -> (i32, i32) {
    %c0_i32 = arith.constant 0 : i32
    %c0_i32_0 = arith.constant 0 : i32
    %c0_i32_1 = arith.constant 0 : i32
    return %c0_i32, %c0_i32_0 : i32, i32
  }
  func.func @transform_3(%arg0: i32) -> (i32, i32) {
    %c0_i32 = arith.constant 0 : i32
    %c0_i32_0 = arith.constant 0 : i32
    %c0_i32_1 = arith.constant 0 : i32
    return %c0_i32, %c0_i32_0 : i32, i32
  }
  func.func @transform_4(%arg0: i32) -> (i32, i32) {
    %c0_i32 = arith.constant 0 : i32
    %c0_i32_0 = arith.constant 0 : i32
    return %arg0, %c0_i32 : i32, i32
  }
  func.func @transform_5(%arg0: i32) -> (i32, i32) {
    %c0_i32 = arith.constant 0 : i32
    %c0_i32_0 = arith.constant 0 : i32
    return %arg0, %c0_i32 : i32, i32
  }
}

module attributes {stable_mosaic.version = 14 : i64} {
  func.func @_tc_upd_body(%arg0: i32, %arg1: memref<2000x128xf32, #tpu.memory_space<vmem>>, %arg2: memref<2x2000x128xf32, #tpu.memory_space<vmem>>, %arg3: memref<2x2000x16xf32, #tpu.memory_space<vmem>>, %arg4: memref<128x128xf32, #tpu.memory_space<vmem>>, %arg5: memref<1x128xf32, #tpu.memory_space<vmem>>, %arg6: memref<2000x128xf32, #tpu.memory_space<vmem>>) attributes {dimension_semantics = [#tpu.dimension_semantics<arbitrary>], iteration_bounds = array<i64: 5>, scalar_prefetch = 0 : i64, scratch_operands = 0 : i64, tpu.core_type = #tpu.core_type<tc>, window_params = [{transform_indices = @transform_0, window_bounds = array<i64: 2000, 128>}, {transform_indices = @transform_1, window_bounds = array<i64: 2, 2000, 128>}, {transform_indices = @transform_2, window_bounds = array<i64: 2, 2000, 16>}, {pipeline_mode = #tpu.pipeline_mode<synchronous>, transform_indices = @transform_3, window_bounds = array<i64: 128, 128>}, {pipeline_mode = #tpu.pipeline_mode<synchronous>, transform_indices = @transform_4, window_bounds = array<i64: 1, 128>}, {transform_indices = @transform_5, window_bounds = array<i64: 2000, 128>}]} {
    %get3A = arith.constant 0 : index
    %get3A_0 = arith.constant 0 : index
    %get3A_1 = arith.constant 0 : index
    %get3A_2 = vector.load %arg2[%get3A, %get3A_0, %get3A_1] : memref<2x2000x128xf32, #tpu.memory_space<vmem>>, vector<1x2000x128xf32>
    %get3A_3 = vector.shape_cast %get3A_2 : vector<1x2000x128xf32> to vector<2000x128xf32>
    %get3A_4 = arith.constant 1 : index
    %get3A_5 = arith.constant 0 : index
    %get3A_6 = arith.constant 0 : index
    %get3A_7 = vector.load %arg2[%get3A_4, %get3A_5, %get3A_6] : memref<2x2000x128xf32, #tpu.memory_space<vmem>>, vector<1x2000x128xf32>
    %get3A_8 = vector.shape_cast %get3A_7 : vector<1x2000x128xf32> to vector<2000x128xf32>
    %add3A = arith.addf %get3A_3, %get3A_8 : vector<2000x128xf32>
    %get3A_9 = arith.constant 0 : index
    %get3A_10 = arith.constant 0 : index
    %get3A_11 = arith.constant 0 : index
    %get3A_12 = vector.load %arg3[%get3A_9, %get3A_10, %get3A_11] : memref<2x2000x16xf32, #tpu.memory_space<vmem>>, vector<1x2000x16xf32>
    %get3A_13 = vector.shape_cast %get3A_12 : vector<1x2000x16xf32> to vector<2000x16xf32>
    %get3A_14 = arith.constant 1 : index
    %get3A_15 = arith.constant 0 : index
    %get3A_16 = arith.constant 0 : index
    %get3A_17 = vector.load %arg3[%get3A_14, %get3A_15, %get3A_16] : memref<2x2000x16xf32, #tpu.memory_space<vmem>>, vector<1x2000x16xf32>
    %get3A_18 = vector.shape_cast %get3A_17 : vector<1x2000x16xf32> to vector<2000x16xf32>
    %add3A_19 = arith.addf %get3A_13, %get3A_18 : vector<2000x16xf32>
    %slice3A = vector.extract_strided_slice %add3A_19 {offsets = [0, 0], sizes = [2000, 1], strides = [1, 1]} : vector<2000x16xf32> to vector<2000x1xf32>
    %get3A_20 = arith.constant 0 : index
    %get3A_21 = arith.constant 0 : index
    %get3A_22 = vector.load %arg4[%get3A_20, %get3A_21] : memref<128x128xf32, #tpu.memory_space<vmem>>, vector<128x128xf32>
    %dot_general3A = arith.constant dense<0.000000e+00> : vector<2000x128xf32>
    %dot_general3A_23 = tpu.matmul %add3A, %get3A_22, %dot_general3A {dimension_numbers = #tpu.dot_dimension_numbers<[1], [0], [0], [1], [0, 0, 1, 1], [], []>, transpose_lhs_hint = false} : vector<2000x128xf32>, vector<128x128xf32>, vector<2000x128xf32> -> vector<2000x128xf32>
    %get3A_24 = arith.constant 0 : index
    %get3A_25 = arith.constant 0 : index
    %get3A_26 = vector.load %arg5[%get3A_24, %get3A_25] : memref<1x128xf32, #tpu.memory_space<vmem>>, vector<1x128xf32>
    %mul3A = vector.broadcast %slice3A : vector<2000x1xf32> to vector<2000x128xf32>
    %mul3A_27 = vector.broadcast %get3A_26 : vector<1x128xf32> to vector<2000x128xf32>
    %mul3A_28 = arith.mulf %mul3A, %mul3A_27 : vector<2000x128xf32>
    %add3A_29 = arith.addf %dot_general3A_23, %mul3A_28 : vector<2000x128xf32>
    %get3A_30 = arith.constant 0 : index
    %get3A_31 = arith.constant 0 : index
    %get3A_32 = vector.load %arg1[%get3A_30, %get3A_31] : memref<2000x128xf32, #tpu.memory_space<vmem>>, vector<2000x128xf32>
    %add3A_33 = arith.addf %get3A_32, %add3A_29 : vector<2000x128xf32>
    %logistic3A = arith.negf %add3A_33 : vector<2000x128xf32>
    %logistic3A_34 = math.exp %logistic3A : vector<2000x128xf32>
    %logistic3A_35 = arith.constant 1.000000e+00 : f32
    %logistic3A_36 = vector.broadcast %logistic3A_35 : f32 to vector<2000x128xf32>
    %logistic3A_37 = arith.addf %logistic3A_36, %logistic3A_34 : vector<2000x128xf32>
    %logistic3A_38 = arith.divf %logistic3A_36, %logistic3A_37 : vector<2000x128xf32>
    %mul3A_39 = arith.mulf %add3A_33, %logistic3A_38 : vector<2000x128xf32>
    %swap3A = arith.constant 0 : index
    %swap3A_40 = arith.constant 0 : index
    %swap3A_41 = vector.load %arg6[%swap3A, %swap3A_40] : memref<2000x128xf32, #tpu.memory_space<vmem>>, vector<2000x128xf32>
    tpu.vector_store %arg6[%swap3A, %swap3A_40], %mul3A_39 {strides = array<i32>} : memref<2000x128xf32, #tpu.memory_space<vmem>>, vector<2000x128xf32>,
    return
  }
  func.func @transform_0(%arg0: i32) -> (i32, i32) {
    %c0_i32 = arith.constant 0 : i32
    %c0_i32_0 = arith.constant 0 : i32
    return %arg0, %c0_i32 : i32, i32
  }
  func.func @transform_1(%arg0: i32) -> (i32, i32, i32) {
    %c0_i32 = arith.constant 0 : i32
    %c0_i32_0 = arith.constant 0 : i32
    %c0_i32_1 = arith.constant 0 : i32
    return %c0_i32, %arg0, %c0_i32_0 : i32, i32, i32
  }
  func.func @transform_2(%arg0: i32) -> (i32, i32, i32) {
    %c0_i32 = arith.constant 0 : i32
    %c0_i32_0 = arith.constant 0 : i32
    %c0_i32_1 = arith.constant 0 : i32
    return %c0_i32, %arg0, %c0_i32_0 : i32, i32, i32
  }
  func.func @transform_3(%arg0: i32) -> (i32, i32) {
    %c0_i32 = arith.constant 0 : i32
    %c0_i32_0 = arith.constant 0 : i32
    %c0_i32_1 = arith.constant 0 : i32
    return %c0_i32, %c0_i32_0 : i32, i32
  }
  func.func @transform_4(%arg0: i32) -> (i32, i32) {
    %c0_i32 = arith.constant 0 : i32
    %c0_i32_0 = arith.constant 0 : i32
    %c0_i32_1 = arith.constant 0 : i32
    return %c0_i32, %c0_i32_0 : i32, i32
  }
  func.func @transform_5(%arg0: i32) -> (i32, i32) {
    %c0_i32 = arith.constant 0 : i32
    %c0_i32_0 = arith.constant 0 : i32
    return %arg0, %c0_i32 : i32, i32
  }
}

</mosaic_0001>

<sc_bundles>
// kernel: closed_call.15.cloned.1.call-start
scs
__scs_entry_jumppad:
0x0: {  	(pc) =	sbr.rel $0x88, $3  }
0x1: {  	(tag) =	ssettag $0x0;
	lr =	simm.s32 $0x1  }
0x2: {  	[smem:$0x3F94] =	sst lr;
	_ =	strace $0xD0000000  }
0x3: {  	_ = 	snop  }
0x4: {  	_ = 	snop  }
0x5: {  	_ = 	snop  }
0x6: {  	_ = 	snop  }
0x7: {  	_ = 	snop  }
__scs_overlays_trampoline_lowered:
0x8: {  	[smem:$0x3FA3] =	sst s0  }
0x9: {  	[smem:$0x3FA4] =	sst s1  }
0xa: {  	[smem:$0x3FA5] =	sst s2  }
0xb: {  	[smem:$0x3FA6] =	sst s3  }
0xc: {  	[smem:$0x3FA7] =	sst s4  }
0xd: {  	[smem:$0x3FA8] =	sst s5  }
0xe: {  	[smem:$0x3FA9] =	sst s6  }
0xf: {  	[smem:$0x3FAA] =	sst s7  }
0x10: {  	[smem:$0x3FAB] =	sst s8  }
0x11: {  	[smem:$0x3FAC] =	sst s9;
	s0 =	simm.s32 @!p0 $0x0  }
0x12: {  	s1 =	sld [smem:$0x3F92];
	s0 =	simm.s32 @p0 $0x1  }
0x13: {  	[smem:$0x3FAD] =	sst s0;
	s0 =	simm.s32 @!p1 $0x0  }
0x14: {  	s2 =	sld [smem:$0x3F91];
	s0 =	simm.s32 @p1 $0x1  }
0x15: {  	[smem:$0x3FAE] =	sst s0;
	s0 =	simm.s32 @!p2 $0x0  }
0x16: {  	s3 =	sld [smem:$0x3FDB];
	s0 =	simm.s32 @p2 $0x1  }
0x17: {  	s4 =	simm.s32 $0x1BF5;
	[smem:$0x3FB0] =	sst s0  }
0x18: {  	s0 =	sld [smem:$0x3F93];
	_ =	swait.ge [sflag:s4], $0x0  }
0x19: {  	s7 =	sld [smem:$0x3F94]  }
0x1a: {  	s8 =	sadd.s32 $0xFFFFE003, lr  }
0x1b: {  	s9 =	sadd.s32 $0xFFFFFEF7, lr;
	s5 =	simm.s32 $0xFFFFFFFF;
	p2 =	slt.u32 s8, $0xFFFFF086  }
0x1c: {  	p1 =	slt.u32 s9, $0xF7A;
	s5 =	simm.s32 @!p2 $0x0  }
0x1d: {  	s5 =	simm.s32 @p1 $0x1;
	p0 =	seq.s32 s7, s2  }
0x1e: {  	s7 =	smul.u32 @!p0 $0xF7A, s2;
	p2 =	seq.s32 @!p0 s5, $0x0  }
0x1f: {  	s9 =	smul.u32 $0xF7A, s1;
	s8 =	simm.s32 @!p0 $0x1BF5;
	p2 =	por !p2, p0  }
0x20: {  	[sflag:s8] =	ssyncset.s32 @!p0 $0xFFFFF086;
	s6 =	sadd.s32 @!p0 s3, s7;
	s7 =	simm.s32 @!p0 $0x108  }
0x21: {  	s3 =	sadd.s32 s3, s9;
	s6 =	sadd.s32 @!p0 $0x88, s6;
	s7 =	simm.s32 @p2 $0x1082  }
0x22: {  	[simem:s7], [sflag:s8] =	dma.local @!p0 [hbm:s6], $0xF7A  }
0x23: {  	s9 =	sor.u32 $0xD0000000, s2;
	s6 =	simm.s32 $0x108;
	_ =	swait.ge @!p0 [sflag:s8], $0x0  }
0x24: {  	s3 =	sadd.s32 $0x88, s3;
	s6 =	simm.s32 @!p1 $0x1082;
	[sflag:s4] =	ssyncset.s32 $0xFFFFF086  }
0x25: {  	[simem:s6], [sflag:s4] =	dma.local [hbm:s3], $0xF7A  }
0x26: {  	[smem:$0x3F94] =	sst s1;
	(tag) =	ssettag s2;
	_ =	strace s9  }
0x27: {  	s1 =	sld [smem:$0x3FA4]  }
0x28: {  	s2 =	sld [smem:$0x3FA5]  }
0x29: {  	s4 =	sld [smem:$0x3FA7]  }
0x2a: {  	p0 =	seq.s32 s5, $0x0;
	s5 =	sld [smem:$0x3FA8]  }
0x2b: {  	s6 =	sld [smem:$0x3FA9]  }
0x2c: {  	s7 =	sld [smem:$0x3FAA]  }
0x2d: {  	s3 =	simm.s32 $0x108;
	s8 =	sld [smem:$0x3FAB]  }
0x2e: {  	s3 =	simm.s32 @!p0 $0x1082;
	s9 =	sld [smem:$0x3FAC]  }
0x2f: {  	lr =	sadd.s32 s0, s3;
	s0 =	sld [smem:$0x3FA3]  }
0x30: {  	s3 =	sld [smem:$0x3FA6]  }
0x31: {  	[smem:$0x3FAF] =	sst s10  }
0x32: {  	s10 =	sld [smem:$0x3FAD];
	_ =	sdelay $0x3  }
0x33: {  	p0 =	seq.s32 s10, $0x1;
	s10 =	sld [smem:$0x3FAF];
	_ =	sdelay $0x3  }
0x34: {  	[smem:$0x3FAF] =	sst s10  }
0x35: {  	s10 =	sld [smem:$0x3FAE];
	_ =	sdelay $0x3  }
0x36: {  	p1 =	seq.s32 s10, $0x1;
	s10 =	sld [smem:$0x3FAF];
	_ =	sdelay $0x3  }
0x37: {  	[smem:$0x3FAF] =	sst s10  }
0x38: {  	s10 =	sld [smem:$0x3FB0]  }
0x39: {  	_ = 	snop;
	(pc) =	sbr.ind lr, $3  }
0x3a: {  	_ = 	snop  }
0x3b: {  	_ = 	snop  }
0x3c: {  	p2 =	seq.s32 s10, $0x1;
	s10 =	sld [smem:$0x3FAF]  }
0x3d: {  	_ =	shalt  }
0x3e: {  	_ =	shalt  }
0x3f: {  	_ =	shalt  }
0x40: {  	_ =	shalt  }
0x41: {  	_ =	shalt  }
0x42: {  	_ =	shalt  }
0x43: {  	_ =	shalt  }
0x44: {  	_ =	shalt  }
0x45: {  	_ =	shalt  }
0x46: {  	_ =	shalt  }
0x47: {  	_ =	shalt  }
0x48: {  	_ =	shalt  }
0x49: {  	_ =	shalt  }
0x4a: {  	_ =	shalt  }
0x4b: {  	_ =	shalt  }
0x4c: {  	_ =	shalt  }
0x4d: {  	_ =	shalt  }
0x4e: {  	_ =	shalt  }
0x4f: {  	_ =	shalt  }
0x50: {  	_ =	shalt  }
0x51: {  	_ =	shalt  }
0x52: {  	_ =	shalt  }
0x53: {  	_ =	shalt  }
0x54: {  	_ =	shalt  }
0x55: {  	_ =	shalt  }
0x56: {  	_ =	shalt  }
0x57: {  	_ =	shalt  }
0x58: {  	_ =	shalt  }
0x59: {  	_ =	shalt  }
0x5a: {  	_ =	shalt  }
0x5b: {  	_ =	shalt  }
0x5c: {  	_ =	shalt  }
0x5d: {  	_ =	shalt  }
0x5e: {  	_ =	shalt  }
0x5f: {  	_ =	shalt  }
0x60: {  	_ =	shalt  }
0x61: {  	_ =	shalt  }
0x62: {  	_ =	shalt  }
0x63: {  	_ =	shalt  }
0x64: {  	_ =	shalt  }
0x65: {  	_ =	shalt  }
0x66: {  	_ =	shalt  }
0x67: {  	_ =	shalt  }
0x68: {  	_ =	shalt  }
0x69: {  	_ =	shalt  }
0x6a: {  	_ =	shalt  }
0x6b: {  	_ =	shalt  }
0x6c: {  	_ =	shalt  }
0x6d: {  	_ =	shalt  }
0x6e: {  	_ =	shalt  }
0x6f: {  	_ =	shalt  }
0x70: {  	_ =	shalt  }
0x71: {  	_ =	shalt  }
0x72: {  	_ =	shalt  }
0x73: {  	_ =	shalt  }
0x74: {  	_ =	shalt  }
0x75: {  	_ =	shalt  }
0x76: {  	_ =	shalt  }
0x77: {  	_ =	shalt  }
0x78: {  	_ =	shalt  }
0x79: {  	_ =	shalt  }
0x7a: {  	_ =	shalt  }
0x7b: {  	_ =	shalt  }
0x7c: {  	_ =	shalt  }
0x7d: {  	_ =	shalt  }
0x7e: {  	_ =	shalt  }
0x7f: {  	_ =	shalt  }
0x80: {  	_ =	shalt  }
0x81: {  	_ =	shalt  }
0x82: {  	_ =	shalt  }
0x83: {  	_ =	shalt  }
0x84: {  	_ =	shalt  }
0x85: {  	_ =	shalt  }
0x86: {  	_ =	shalt  }
0x87: {  	_ =	shalt  }
.Lfunc_end0:
.L_simem_size_0:
called_computation_lowered:
.L_overlay_start_0:
0x88: {  	s2 =	sld [smem:$0x3FD9]  }
0x89: {  	s3 =	sld [smem:$0x3FFE];
	_ =	sdelay $0x1  }
0x8a: {  	s1 =	srdreg.scid  }
0x8b: {  	s0 =	sand.u32 $0x1, s1  }
0x8c: {  	s15 =	sshll.u32 s0, $0xA;
	s2 =	sadd.s32 s3, s2  }
0x8d: {  	s2 =	sadd.s32 s2, s15  }
0x8e: {  	[smem:$0x3FBB] =	sst s2  }
0x8f: {  	_ = 	snop  }
0x90: {  	s2 =	sld [smem:$0x3FD0];
	_ =	sdelay $0x2  }
0x91: {  	s16 =	simm.s32 $0xB;
	s4 =	simm.s32 $0x10  }
0x92: {  	[smem:s4], [sflag:s16] =	dma.local [hbm:s2], $0x1  }
0x93: {  	_ =	swait.eq [sflag:s16], $0x1  }
0x94: {  	[sflag:s16] =	ssyncset.done $0x0  }
0x95: {  	[sflag:s16] =	ssyncadd.s32 $0xFFFFFFFF  }
0x96: {  	s17 =	sld [smem:$0x10];
	(tm) =	ssettm $0x1  }
0x97: {  	s18 =	sld [smem:$0x3FFB];
	_ =	sdelay $0x3  }
0x98: {  	_ =	strace s18  }
0x99: {  	s2 =	sld [smem:$0x3FFC];
	_ =	sdelay $0x3  }
0x9a: {  	_ =	strace s2  }
0x9b: {  	s2 =	sld [smem:$0x3FFD];
	_ =	sdelay $0x3  }
0x9c: {  	_ =	strace s2  }
0x9d: {  	_ =	strace $0x8FFFFFFF  }
0x9e: {  	s19 =	sld [smem:$0x3FDB];
	_ =	sdelay $0x1  }
0x9f: {  	s20 =	simm.s32 $_scs_section_size  }
0xa0: {  	s5 =	simm.s32 $_size__tile_overlayer_lowered;
	s6 =	simm.s32 $_tile_overlayer_lowered  }
0xa1: {  	s7 =	simm.s32 $0x1BFF;
	s21 =	sshll.u32 s6, $0x1;
	s4 =	sadd.s32 s20, s19  }
0xa2: {  	s22 =	simm.s32 $0x0;
	s5 =	sshll.u32 s5, $0x1;
	s6 =	sadd.s32 s21, s4  }
0xa3: {  	[timem:s22], [sflag:s7] =	dma.local [hbm:s6], s5  }
0xa4: {  	_ =	swait.ge [sflag:s7], s5  }
0xa5: {  	s5 =	ssub.s32 $0x0, s5;
	[sflag:s7] =	ssyncset.done $0x0  }
0xa6: {  	[sflag:s7] =	ssyncadd.s32 s5;
	_ =	sdelay $0x1  }
0xa7: {  	s23 =	simm.s32 $0x1B8B  }
0xa8: {  	_ =	swait.ge [sflag:s23], $0x1  }
0xa9: {  	[sflag:s23] =	ssyncset.done $0x0  }
0xaa: {  	[sflag:s23] =	ssyncadd.s32 $0xFFFFFFFF  }
0xab: {  	s5 =	sld [smem:$0x0]  }
0xac: {  	s6 =	sand.u32 $0xFFFFFFFE, s1  }
0xad: {  	p0 =	sne.s32 s1, s6  }
0xae: {  	s6 =	sshll.u32 @p0 s6, $0xE  }
0xaf: {  	s6 =	sadd.s32 @p0 $0x11B8D, s6;
	s7 =	sshll.u32 @p0 s5, $0x11  }
0xb0: {  	s6 =	sor.u32 @p0 s7, s6  }
0xb1: {  	[sflag:s6] =	ssyncadd.remote.s32 @p0 $0x1;
	_ =	sdelay $0x1  }
0xb2: {  	s6 =	simm.s32 @p0 $0x1B8D  }
0xb3: {  	_ =	swait.eq @p0 [sflag:s6], $0x1  }
0xb4: {  	[sflag:s6] =	ssyncadd.s32 @p0 $0xFFFFFFFF  }
0xb5: {  	s7 =	sshll.u32 @!p0 s1, $0xE  }
0xb6: {  	s7 =	sor.u32 @!p0 $0x4000, s7;
	s6 =	simm.s32 @!p0 $0x1B8D  }
0xb7: {  	s5 =	sshll.u32 @!p0 s5, $0x11;
	s7 =	sadd.s32 @!p0 $0x11B8D, s7;
	_ =	swait.eq @!p0 [sflag:s6], $0x1  }
0xb8: {  	s5 =	sor.u32 @!p0 s5, s7;
	[sflag:s6] =	ssyncadd.s32 @!p0 $0xFFFFFFFF  }
0xb9: {  	s25 =	simm.s32 $0x1B8E;
	s24 =	sld [smem:$0x3FFE];
	[sflag:s5] =	ssyncadd.remote.s32 @!p0 $0x1  }
0xba: {  	s26 =	simm.s32 $execute0_lowered;
	[smem:$0x3FD2] =	sst s25  }
0xbb: {  	s6 =	sshll.u32 s26, $0x1;
	_ =	strace $0x80000046;
	[dreg:$0x1] =	wrdreg $0xFFFFFFFF  }
0xbc: {  	s28 =	simm.s32 $_size_execute0_lowered;
	s4 =	sadd.s32 s4, s6;
	[dreg:$0x0] =	wrdreg $0x0  }
0xbd: {  	s6 =	sshll.u32 s28, $0x1;
	[dreg:$0x2] =	wrdreg s4  }
0xbe: {  	[dreg:$0x3] =	wrdreg s6  }
0xbf: {  	[dreg:$0x4] =	wrdreg $0xC0  }
0xc0: {  	_ =	task [dreg:s22], $0x5FFFF  }
0xc1: {  	[dreg:$0x1] =	wrdreg $0xFFFFFFFF  }
0xc2: {  	[dreg:$0x0] =	wrdreg $0x60  }
0xc3: {  	[dreg:$0x2] =	wrdreg s24  }
0xc4: {  	[dreg:$0x3] =	wrdreg s17  }
0xc5: {  	[dreg:$0x4] =	wrdreg $0xA6000  }
0xc6: {  	[dreg:$0x5] =	wrdreg $0x14A000  }
0xc7: {  	[dreg:$0x6] =	wrdreg $0x9  }
0xc8: {  	_ =	task.clear_ibuf [dreg:s22], $0x7FFFF;
	_ =	strace $0x90000046  }
0xc9: {  	s29 =	simm.s32 $0x9;
	_ =	strace $0x80000048  }
0xca: {  	_ =	swait.ge [sflag:s29], $0x1  }
0xcb: {  	[sflag:s29] =	ssyncadd.s32 $0xFFFFFFFF  }
0xcc: {  	_ =	strace $0x90000048  }
0xcd: {  	_ =	sfence  }
0xce: {  	s30 =	sld [smem:$0x0];
	_ =	sdelay $0x2  }
0xcf: {  	s31 =	sshll.u32 s1, $0xD;
	s1 =	sshrl.u32 s1, $0x2  }
0xd0: {  	s4 =	sand.u32 $0x4000, s31;
	s1 =	sadd.s32 s1, s30  }
0xd1: {  	s0 =	sor.u32 s4, s0;
	s1 =	sshll.u32 s1, $0x11  }
0xd2: {  	s0 =	sor.u32 s1, s0  }
0xd3: {  	s0 =	sadd.s32 $0x8F2B, s0  }
0xd4: {  	[sflag:s0] =	ssyncadd.remote.s32 $0x1  }
0xd5: {  	_ =	sfence.sel $0xFFFF  }
0xd6: {  	[dreg:$0x0] =	wrdreg $0xFFFFFFFF;
	(pc) =	sbr.abs _section_cstart, $3  }
0xd7: {  	[dreg:$0x1] =	wrdreg $0xFFFFFFFF  }
0xd8: {  	_ =	task.clear_ibuf [dreg:s22], $0x2FFFF;
	_ =	strace $0x9FFFFFFF  }
0xd9: {  	(tm) =	ssettm $0x7FFFFFFF  }
tec
execute0_lowered:
.L_overlay_start_1:
0x0: {  	(tag) =	ssettag $0x1  }
0x1: {  	s0 =	rddreg [dreg:$0x0]  }
0x2: {  	s1 =	rddreg [dreg:$0x1]  }
0x3: {  	s2 =	rddreg [dreg:$0x2]  }
0x4: {  	s3 =	rddreg [dreg:$0x3];
	s4 =	srdreg.scid  }
0x5: {  	s6 =	simm.s32 $0x0;
	s13 =	stileid.u32;
	s28 =	simm.s32 $0x180  }
0x6: {  	s29 =	simm.s32 $0x7980;
	s30 =	simm.s32 $0x80;
	s31 =	simm.s32 $0x50  }
0x7: {  	s4 =	sand.u32 $0x1, s4;
	[smem:$0x7FF] =	sst s6;
	s15 =	smul.u32 $0xA000, s13  }
0x8: {  	s7 =	sadd.s32 $0xB6A00, s0;
	s8 =	sadd.s32 $0x2BA00, s0;
	s11 =	smul.u32 $0x29000, s13  }
0x9: {  	s9 =	sadd.s32 $0x3F600, s0;
	s12 =	smul.u32 $0xA400, s13;
	s6 =	simm.s32 $0x5180  }
0xa: {  	s5 =	smul.u32 $0xA0000, s4;
	_ =	strace $0x80000047;
	[dreg:$0x5] =	wrdreg s7  }
0xb: {  	s7 =	sadd.s32 $0x35800, s0;
	s10 =	ssub.s32 $0x2, s4;
	s4 =	sshll.u32 s4, $0x4  }
0xc: {  	s16 =	sshrl.u32 s10, $0x1;
	s11 =	sshrl.u32 s11, $0x2;
	s4 =	sor.u32 s13, s4  }
0xd: {  	s18 =	sadd.s32 s12, s2;
	s23 =	sadd.s32 s12, s3;
	s25 =	sadd.s32 s15, s2  }
0xe: {  	s26 =	sadd.s32 s15, s3;
	s5 =	sadd.s32 s15, s5;
	[dreg:$0x6] =	wrdreg s18  }
0xf: {  	s17 =	sadd.s32 s11, s2;
	s22 =	sadd.s32 s11, s3;
	[dreg:$0xb] =	wrdreg s23  }
0x10: {  	s23 =	simm.s32 $0x2;
	s5 =	sshrl.u32 s5, $0x3;
	s19 =	sadd.s32 $0x2800, s17  }
0x11: {  	s20 =	sadd.s32 $0x5000, s17;
	s21 =	sadd.s32 $0x7800, s17;
	[dreg:$0x7] =	wrdreg s19  }
0x12: {  	s24 =	sadd.s32 $0x2900, s22;
	s18 =	sadd.s32 $0x7B00, s22;
	[dreg:$0x8] =	wrdreg s20  }
0x13: {  	s0 =	sadd.s32 s5, s0;
	s5 =	ssub.s32 s10, s16;
	[dreg:$0x9] =	wrdreg s21  }
0x14: {  	s10 =	sadd.s32 $0xA000, s17;
	[dreg:$0xc] =	wrdreg s24;
	s17 =	sadd.s32 $0x5200, s22  }
0x15: {  	s19 =	smul.u32 $0x2710, s4;
	s24 =	sshrl.u32 s25, $0x3;
	s25 =	sshrl.u32 s26, $0x3  }
0x16: {  	s26 =	simm.s32 $0x3;
	s4 =	simm.s32 $0x100;
	[dreg:$0xa] =	wrdreg s10  }
0x17: {  	s20 =	sadd.s32 $0xDEC00, s0;
	s21 =	sadd.s32 $0xB6C00, s0;
	s22 =	smax.u32 s5, $0x1  }
0x18: {  	v0 =	vimm.f32 $0.0e+00;
	v1 =	vimm.f32 $1.000000000e+00;
	s0 =	simm.s32 $0x2980;
	s5 =	simm.s32 $0x1;
	s10 =	simm.s32 $0x0  }
.LBB2_1:
0x19: {  	s11 =	simm.s32 $0x0;
	s12 =	rddreg [dreg:$0x5];
	s13 =	simm.s32 $0xA580  }
0x1a: {  	[tilespmem:s13], [sflag:$0x3] =	stream.linear.gather [hbm4b:s12+s11], $0x80, $0x38;
	[tilespmem:$0x15E80] =	vst v63  }
0x1b: {  	_ =	swait.ge [sflag:s26], $0x80  }
0x1c: {  	[sflag:s26] =	ssyncset.done $0x0  }
0x1d: {  	s11 =	simm.s32 $0x0;
	s12 =	simm.s32 $0x200;
	[sflag:s26] =	ssyncadd.s32 $0xFFFFFF80  }
.LBB2_2:
0x1e: {  	p0 =	sne.s32 s12, $0x9E00;
	[tilespmem:s11+$0x1F0] =	vst v0  }
0x1f: {  	[tilespmem:s11+$0x180] =	vst v0  }
0x20: {  	[tilespmem:s11+$0x190] =	vst v0  }
.Ltmp0:
0x21: {  	[tilespmem:s11+$0x1A0] =	vst v0;
	(pc) =	sbr.rel @p0 .LBB2_2-.Ltmp0, $4  }
0x22: {  	[tilespmem:s11+$0x1B0] =	vst v0  }
0x23: {  	[tilespmem:s11+$0x1C0] =	vst v0  }
0x24: {  	[tilespmem:s11+$0x1D0] =	vst v0  }
0x25: {  	[tilespmem:s11+$0x1E0] =	vst v0;
	s11 =	sshra.s32 s12, $0x2;
	s12 =	sadd.s32 $0x200, s12  }
0x26: {  	[tilespmem:s11+$0x1F0] =	vst v0  }
0x27: {  	[tilespmem:s11+$0x180] =	vst v0  }
0x28: {  	[tilespmem:s11+$0x190] =	vst v0  }
0x29: {  	[tilespmem:s11+$0x1A0] =	vst v0  }
0x2a: {  	[tilespmem:s11+$0x1B0] =	vst v0  }
0x2b: {  	[tilespmem:s11+$0x1C0] =	vst v0  }
0x2c: {  	[tilespmem:s11+$0x1D0] =	vst v0  }
0x2d: {  	[tilespmem:s11+$0x1E0] =	vst v0;
	s12 =	rddreg [dreg:$0x6]  }
0x2e: {  	[spmem:s12] =	stream.linear.scatter [tilespmem:s28], [sflag:$0x3], $0x2800, $0x38;
	[tilespmem:$0x15E80] =	vst v63  }
0x2f: {  	_ =	swait.ge [sflag:s26], $0x2800  }
0x30: {  	[sflag:s26] =	ssyncset.done $0x0  }
0x31: {  	s13 =	rddreg [dreg:$0x7];
	[sflag:s26] =	ssyncadd.s32 $0xFFFFD800  }
0x32: {  	[spmem:s13] =	stream.linear.scatter [tilespmem:s28], [sflag:$0x3], $0x2800, $0x38;
	[tilespmem:$0x15E80] =	vst v63  }
0x33: {  	_ =	swait.ge [sflag:s26], $0x2800  }
0x34: {  	[sflag:s26] =	ssyncset.done $0x0  }
0x35: {  	s14 =	rddreg [dreg:$0x8];
	[sflag:s26] =	ssyncadd.s32 $0xFFFFD800  }
0x36: {  	[spmem:s14] =	stream.linear.scatter [tilespmem:s28], [sflag:$0x3], $0x2800, $0x38;
	[tilespmem:$0x15E80] =	vst v63  }
0x37: {  	_ =	swait.ge [sflag:s26], $0x2800  }
0x38: {  	[sflag:s26] =	ssyncset.done $0x0  }
0x39: {  	s15 =	rddreg [dreg:$0x9];
	[sflag:s26] =	ssyncadd.s32 $0xFFFFD800  }
0x3a: {  	[spmem:s15] =	stream.linear.scatter [tilespmem:s28], [sflag:$0x3], $0x2800, $0x38;
	[tilespmem:$0x15E80] =	vst v63  }
0x3b: {  	_ =	swait.ge [sflag:s26], $0x2800  }
0x3c: {  	[sflag:s26] =	ssyncset.done $0x0  }
0x3d: {  	s16 =	rddreg [dreg:$0xa];
	[sflag:s26] =	ssyncadd.s32 $0xFFFFD800  }
0x3e: {  	[spmem:s16] =	stream.linear.scatter [tilespmem:s28], [sflag:$0x3], $0x400, $0x38;
	[tilespmem:$0x15E80] =	vst v63  }
0x3f: {  	_ =	swait.ge [sflag:s26], $0x400  }
0x40: {  	[sflag:s26] =	ssyncset.done $0x0  }
0x41: {  	s11 =	simm.s32 $0x200;
	s12 =	simm.s32 $0x0;
	[sflag:s26] =	ssyncadd.s32 $0xFFFFFC00  }
.LBB2_4:
0x42: {  	p0 =	sne.s32 s11, $0xA200;
	[tilespmem:s12+$0x7980] =	vst v0;
	s12 =	smov.u32 s11;
	s11 =	sadd.s32 $0x200, s11  }
.Ltmp1:
0x43: {  	(pc) =	sbr.rel @p0 .LBB2_4-.Ltmp1, $2  }
0x44: {  	_ =	sdelay $0x2  }
0x45: {  	s12 =	sshra.s32 s12, $0x2  }
0x46: {  	[tilespmem:s12+$0x7980] =	vst v0;
	s11 =	rddreg [dreg:$0xb]  }
0x47: {  	[spmem:s11] =	stream.linear.scatter [tilespmem:s29], [sflag:$0x3], $0x2900, $0x38;
	[tilespmem:$0x15E80] =	vst v63  }
0x48: {  	_ =	swait.ge [sflag:s26], $0x2900  }
0x49: {  	[sflag:s26] =	ssyncset.done $0x0  }
0x4a: {  	s16 =	rddreg [dreg:$0xc];
	[sflag:s26] =	ssyncadd.s32 $0xFFFFD700  }
0x4b: {  	[spmem:s16] =	stream.linear.scatter [tilespmem:s29], [sflag:$0x3], $0x2900, $0x38;
	[tilespmem:$0x15E80] =	vst v63  }
0x4c: {  	_ =	swait.ge [sflag:s26], $0x2900  }
0x4d: {  	[sflag:s26] =	ssyncset.done $0x0  }
0x4e: {  	[sflag:s26] =	ssyncadd.s32 $0xFFFFD700  }
0x4f: {  	[spmem:s17] =	stream.linear.scatter [tilespmem:s29], [sflag:$0x3], $0x2900, $0x38;
	[tilespmem:$0x15E80] =	vst v63  }
0x50: {  	_ =	swait.ge [sflag:s26], $0x2900  }
0x51: {  	[sflag:s26] =	ssyncset.done $0x0  }
0x52: {  	[sflag:s26] =	ssyncadd.s32 $0xFFFFD700  }
0x53: {  	[spmem:s18] =	stream.linear.scatter [tilespmem:s29], [sflag:$0x3], $0x2900, $0x38;
	[tilespmem:$0x15E80] =	vst v63  }
0x54: {  	_ =	swait.ge [sflag:s26], $0x2900  }
0x55: {  	[sflag:s26] =	ssyncset.done $0x0  }
0x56: {  	s12 =	simm.s32 $0x0;
	s11 =	simm.s32 $0x200;
	[sflag:s26] =	ssyncadd.s32 $0xFFFFD700  }
.LBB2_6:
0x57: {  	p0 =	sne.s32 s11, $0x9E00;
	[tilespmem:s12+$0x5180] =	vst v1;
	s12 =	smov.u32 s11;
	s11 =	sadd.s32 $0x200, s11  }
.Ltmp2:
0x58: {  	(pc) =	sbr.rel @p0 .LBB2_6-.Ltmp2, $2  }
0x59: {  	_ =	sdelay $0x2  }
0x5a: {  	s12 =	sshra.s32 s12, $0x2  }
0x5b: {  	[tilespmem:s12+$0x5180] =	vst v1  }
0x5c: {  	s11 =	simm.s32 $0x0;
	s12 =	simm.s32 $0x0;
	[bflag:$0x0] =	sbarrier.arrive $0xFFFF  }
.LBB2_8:
0x5d: {  	s13 =	smul.u32 $0x50, s12;
	_ =	sdelay $0x1  }
0x5e: {  	s13 =	sadd.s32 s19, s13  }
0x5f: {  	s13 =	sshrl.u32 s13, $0x3  }
0x60: {  	s14 =	sadd.s32 s7, s13  }
0x61: {  	[tilespmem:s11], [sflag:$0x3] =	stream.linear.gather [hbm4b:s14+s11], $0x50, $0x38;
	[tilespmem:$0x15E80] =	vst v63  }
0x62: {  	_ =	swait.ge [sflag:s26], $0x50  }
0x63: {  	[sflag:s26] =	ssyncset.done $0x0  }
0x64: {  	s13 =	sadd.s32 s8, s13;
	[sflag:s26] =	ssyncadd.s32 $0xFFFFFFB0  }
0x65: {  	[tilespmem:s30], [sflag:$0x3] =	stream.linear.gather [hbm4b:s13+s11], $0x50, $0x38;
	[tilespmem:$0x15E80] =	vst v63  }
0x66: {  	_ =	swait.ge [sflag:s26], $0x50  }
0x67: {  	[sflag:s26] =	ssyncset.done $0x0  }
0x68: {  	[sflag:s26] =	ssyncadd.s32 $0xFFFFFFB0  }
0x69: {  	[tilespmem:s28], [sflag:$0x1] =	stream.indirect.gather [hbm4b:s1+s31], $0x80, s11, s31, $0xb8;
	[tilespmem:$0x15E80] =	vst v63  }
0x6a: {  	_ = 	snop  }
0x6b: {  	[tilespmem:s0], [sflag:$0x2] =	stream.indirect.gather [hbm4b:s9+s31], $0x80, s30, s31, $0xb8;
	[tilespmem:$0x15E80] =	vst v63  }
0x6c: {  	v2 =	vld [tilespmem:$0xA580]  }
0x6d: {  	v3 =	vld [tilespmem:$0x0]  }
0x6e: {  	v4 =	vld [tilespmem:$0x10]  }
0x6f: {  	v5 =	vld [tilespmem:$0x20]  }
0x70: {  	v6 =	vld [tilespmem:$0x30]  }
0x71: {  	v7 =	vld [tilespmem:$0x40]  }
0x72: {  	v3 =	vsub.s32 v3, v2  }
0x73: {  	v4 =	vsub.s32 v4, v2;
	v3 =	vmin.u32 v3, $0x1400  }
0x74: {  	[tilespmem:$0x100] =	vst v3;
	v3 =	vmin.u32 v4, $0x1400;
	v4 =	vsub.s32 v5, v2  }
0x75: {  	[tilespmem:$0x110] =	vst v3;
	v3 =	vmin.u32 v4, $0x1400;
	v4 =	vsub.s32 v6, v2  }
0x76: {  	v2 =	vsub.s32 v7, v2;
	[tilespmem:$0x120] =	vst v3;
	v3 =	vmin.u32 v4, $0x1400  }
0x77: {  	v2 =	vmin.u32 v2, $0x1400;
	[tilespmem:$0x130] =	vst v3  }
0x78: {  	[tilespmem:$0x140] =	vst v2  }
0x79: {  	_ =	swait.ge [sflag:s5], $0x2800  }
0x7a: {  	[sflag:s5] =	ssyncset.done $0x0  }
0x7b: {  	[sflag:s5] =	ssyncadd.s32 $0xFFFFD800  }
0x7c: {  	_ =	swait.ge [sflag:s23], $0x2800  }
0x7d: {  	[sflag:s23] =	ssyncset.done $0x0  }
0x7e: {  	s13 =	simm.s32 $0x0;
	[sflag:s23] =	ssyncadd.s32 $0xFFFFD800  }
0x7f: {  	v2 =	vld [tilespmem:s13+$0x29A0]  }
0x80: {  	v3 =	vld [tilespmem:s13+$0x29C0]  }
0x81: {  	v6 =	vld [tilespmem:s13+$0x29E0]  }
0x82: {  	v7 =	vld [tilespmem:s13+$0x29F0]  }
0x83: {  	v4 =	vld [tilespmem:s13+$0x29D0]  }
0x84: {  	v5 =	vld [tilespmem:s13+$0x1D0]  }
0x85: {  	v8 =	vld [tilespmem:s13+$0x1C0]  }
0x86: {  	v9 =	vld [tilespmem:s13+$0x1F0]  }
0x87: {  	v10 =	vld [tilespmem:s13+$0x1E0]  }
0x88: {  	v11 =	vld [tilespmem:s13+$0x1A0]  }
0x89: {  	v4 =	vadd.f32 v4, v5  }
0x8a: {  	v5 =	vadd.f32 v3, v8  }
0x8b: {  	v8 =	vadd.f32 v7, v9;
	v9 =	vld [tilespmem:s13+$0x29B0];
	v3 =	vsub.f32 $0.0e+00, v4  }
0x8c: {  	v7 =	vadd.f32 v6, v10;
	v6 =	vld [tilespmem:s13+$0x1B0];
	v14 =	vsub.f32 $0.0e+00, v5  }
0x8d: {  	v12 =	vld [tilespmem:s13+$0x2990];
	v10 =	vmul.f32 $1.442695020e+00, v3;
	v3 =	vadd.f32 v2, v11;
	v2 =	vsub.f32 $0.0e+00, v8  }
0x8e: {  	v13 =	vld [tilespmem:s13+$0x2980];
	v15 =	vsub.f32 $0.0e+00, v7;
	v14 =	vmul.f32 $1.442695020e+00, v14  }
0x8f: {  	v11 =	vld [tilespmem:s13+$0x190];
	(erf) = vpow2.f32 v10;
	v10 =	vsub.f32 $0.0e+00, v3;
	v2 =	vmul.f32 $1.442695020e+00, v2  }
0x90: {  	v16 =	vld [tilespmem:s13+$0x180];
	(erf) = vpow2.f32 v14;
	v14 =	vmul.f32 $1.442695020e+00, v15  }
0x91: {  	v9 =	vadd.f32 v9, v6;
	v10 =	vmul.f32 $1.442695020e+00, v10;
	(erf) = vpow2.f32 v2  }
0x92: {  	(erf) = vpow2.f32 v14  }
0x93: {  	(erf) = vpow2.f32 v10;
	v10 =	vsub.f32 $0.0e+00, v9  }
0x94: {  	v6 =	vadd.f32 v12, v11  }
0x95: {  	v2 =	vadd.f32 v13, v16;
	v10 =	vmul.f32 $1.442695020e+00, v10  }
0x96: {  	v11 =	vsub.f32 $0.0e+00, v6  }
0x97: {  	v12 =	vsub.f32 $0.0e+00, v2  }
0x98: {  	v11 =	vmul.f32 $1.442695020e+00, v11  }
0x99: {  	v12 =	vmul.f32 $1.442695020e+00, v12;
	(erf) = vpow2.f32 v10;
	v10 =	vpop (erf)  }
0x9a: {  	(erf) = vpow2.f32 v11;
	v10 =	vadd.f32 $1.000000000e+00, v10  }
0x9b: {  	(erf) = vpow2.f32 v12  }
0x9c: {  	v11 =	vpop (erf);
	(erf) = vrcp.f32 v10  }
0x9d: {  	v11 =	vadd.f32 $1.000000000e+00, v11  }
0x9e: {  	v12 =	vpop (erf)  }
0x9f: {  	(erf) = vrcp.f32 v11;
	v10 =	vpop (erf)  }
0xa0: {  	s15 =	simm.s32 $0x200;
	s14 =	simm.s32 $0x400;
	v11 =	vadd.f32 $1.000000000e+00, v12;
	v10 =	vadd.f32 $1.000000000e+00, v10;
	v12 =	vpop (erf)  }
.LBB2_9:
0xa1: {  	p0 =	sne.s32 s14, $0x9E00  }
0xa2: {  	s16 =	sshra.s32 s15, $0x2;
	v12 =	vadd.f32 $1.000000000e+00, v12;
	v13 =	vpop (erf);
	(erf) = vrcp.f32 v11;
	s15 =	smov.u32 s14;
	s14 =	sadd.s32 $0x200, s14  }
0xa3: {  	v11 =	vld [tilespmem:s16+$0x29A0];
	v16 =	vadd.f32 $1.000000000e+00, v13;
	v14 =	vpop (erf);
	(erf) = vrcp.f32 v10  }
0xa4: {  	v10 =	vld [tilespmem:s16+$0x29C0];
	v14 =	vadd.f32 $1.000000000e+00, v14;
	v15 =	vpop (erf);
	(erf) = vrcp.f32 v12  }
0xa5: {  	v12 =	vld [tilespmem:s16+$0x29E0];
	v15 =	vadd.f32 $1.000000000e+00, v15;
	(erf) = vrcp.f32 v16;
	v13 =	vpop (erf)  }
0xa6: {  	v16 =	vld [tilespmem:s16+$0x29F0];
	v17 =	vmul.f32 v13, v4;
	(erf) = vrcp.f32 v14  }
0xa7: {  	v13 =	vld [tilespmem:s16+$0x29D0];
	(erf) = vrcp.f32 v15  }
0xa8: {  	v14 =	vld [tilespmem:s16+$0x2990];
	[tilespmem:s13+$0x1D0] =	vst v17;
	v4 =	vpop (erf)  }
0xa9: {  	v15 =	vld [tilespmem:s16+$0x1D0];
	v5 =	vmul.f32 v4, v5;
	_ =	sdelay $0x1  }
0xaa: {  	[tilespmem:s13+$0x1C0] =	vst v5;
	v4 =	vpop (erf)  }
0xab: {  	v5 =	vld [tilespmem:s16+$0x1C0];
	v20 =	vmul.f32 v4, v8;
	v4 =	vpop (erf)  }
0xac: {  	v17 =	vld [tilespmem:s16+$0x2980];
	v21 =	vmul.f32 v4, v7;
	v18 =	vpop (erf)  }
0xad: {  	v19 =	vld [tilespmem:s16+$0x29B0];
	v4 =	vadd.f32 v13, v15;
	v18 =	vmul.f32 v18, v3;
	[tilespmem:s13+$0x1F0] =	vst v20;
	v8 =	vpop (erf)  }
0xae: {  	v13 =	vld [tilespmem:s16+$0x1F0];
	v8 =	vmul.f32 v8, v9;
	[tilespmem:s13+$0x1E0] =	vst v21;
	v7 =	vpop (erf)  }
0xaf: {  	v9 =	vsub.f32 $0.0e+00, v4;
	v15 =	vld [tilespmem:s16+$0x1E0];
	v6 =	vmul.f32 v7, v6;
	[tilespmem:s13+$0x1A0] =	vst v18;
	v3 =	vpop (erf)  }
0xb0: {  	v18 =	vld [tilespmem:s16+$0x1A0];
	v5 =	vadd.f32 v10, v5;
	v2 =	vmul.f32 v3, v2;
	[tilespmem:s13+$0x1B0] =	vst v8  }
0xb1: {  	v10 =	vld [tilespmem:s16+$0x1B0];
	v3 =	vmul.f32 $1.442695020e+00, v9;
	[tilespmem:s13+$0x190] =	vst v6  }
0xb2: {  	v6 =	vld [tilespmem:s16+$0x190];
	v7 =	vsub.f32 $0.0e+00, v5;
	[tilespmem:s13+$0x180] =	vst v2;
	s13 =	smov.u32 s16  }
0xb3: {  	v2 =	vld [tilespmem:s13+$0x180];
	v8 =	vadd.f32 v16, v13;
	(erf) = vpow2.f32 v3  }
0xb4: {  	v13 =	vmul.f32 $1.442695020e+00, v7;
	v7 =	vadd.f32 v12, v15  }
0xb5: {  	v3 =	vadd.f32 v11, v18;
	v11 =	vsub.f32 $0.0e+00, v8  }
0xb6: {  	v9 =	vadd.f32 v19, v10;
	v10 =	vsub.f32 $0.0e+00, v7;
	(erf) = vpow2.f32 v13  }
0xb7: {  	v6 =	vadd.f32 v14, v6;
	v12 =	vsub.f32 $0.0e+00, v3;
	v11 =	vmul.f32 $1.442695020e+00, v11  }
0xb8: {  	v2 =	vadd.f32 v17, v2;
	v13 =	vsub.f32 $0.0e+00, v9;
	v10 =	vmul.f32 $1.442695020e+00, v10  }
0xb9: {  	v14 =	vsub.f32 $0.0e+00, v6;
	v15 =	vmul.f32 $1.442695020e+00, v12;
	(erf) = vpow2.f32 v11  }
0xba: {  	v11 =	vsub.f32 $0.0e+00, v2;
	v13 =	vmul.f32 $1.442695020e+00, v13;
	(erf) = vpow2.f32 v10  }
0xbb: {  	v10 =	vmul.f32 $1.442695020e+00, v14;
	(erf) = vpow2.f32 v15  }
0xbc: {  	v11 =	vmul.f32 $1.442695020e+00, v11;
	(erf) = vpow2.f32 v13;
	v12 =	vpop (erf)  }
0xbd: {  	v12 =	vadd.f32 $1.000000000e+00, v12;
	(erf) = vpow2.f32 v10  }
0xbe: {  	(erf) = vpow2.f32 v11  }
0xbf: {  	v10 =	vpop (erf);
	(erf) = vrcp.f32 v12  }
.Ltmp3:
0xc0: {  	v11 =	vadd.f32 $1.000000000e+00, v10;
	(pc) =	sbr.rel @p0 .LBB2_9-.Ltmp3, $4  }
0xc1: {  	_ = 	snop  }
0xc2: {  	(erf) = vrcp.f32 v11;
	v10 =	vpop (erf)  }
0xc3: {  	v11 =	vadd.f32 $1.000000000e+00, v10;
	v10 =	vpop (erf)  }
0xc4: {  	v10 =	vadd.f32 $1.000000000e+00, v10;
	v12 =	vpop (erf)  }
0xc5: {  	v13 =	vpop (erf);
	(erf) = vrcp.f32 v11;
	v12 =	vadd.f32 $1.000000000e+00, v12  }
0xc6: {  	v14 =	vpop (erf);
	(erf) = vrcp.f32 v10  }
0xc7: {  	v60 =	vpop (erf);
	(erf) = vrcp.f32 v12;
	_ =	sdelay $0x1  }
0xc8: {  	s14 =	sshra.s32 s15, $0x2;
	v13 =	vadd.f32 $1.000000000e+00, v13  }
0xc9: {  	v59 =	vld [tilespmem:s14+$0x29A0];
	v63 =	vadd.f32 $1.000000000e+00, v14  }
0xca: {  	v15 =	vld [tilespmem:s14+$0x29C0];
	(erf) = vrcp.f32 v13  }
0xcb: {  	v16 =	vld [tilespmem:s14+$0x29E0];
	v17 =	vpop (erf);
	v10 =	vadd.f32 $1.000000000e+00, v60;
	(erf) = vrcp.f32 v63  }
0xcc: {  	v18 =	vld [tilespmem:s14+$0x29F0];
	v4 =	vmul.f32 v17, v4;
	v19 =	vpop (erf)  }
0xcd: {  	v61 =	vld [tilespmem:s14+$0x29D0];
	v20 =	vmul.f32 v19, v5;
	v22 =	vpop (erf);
	(erf) = vrcp.f32 v10  }
0xce: {  	v62 =	vld [tilespmem:s14+$0x2990];
	[tilespmem:s13+$0x1D0] =	vst v4;
	v25 =	vpop (erf)  }
0xcf: {  	v21 =	vld [tilespmem:s14+$0x1D0];
	[tilespmem:s13+$0x1C0] =	vst v20;
	v27 =	vpop (erf)  }
0xd0: {  	v23 =	vld [tilespmem:s14+$0x1C0];
	v4 =	vmul.f32 v22, v8;
	v3 =	vmul.f32 v27, v3  }
0xd1: {  	v24 =	vld [tilespmem:s14+$0x2980];
	v7 =	vmul.f32 v25, v7  }
0xd2: {  	v26 =	vld [tilespmem:s14+$0x29B0];
	[tilespmem:s13+$0x1F0] =	vst v4  }
0xd3: {  	v29 =	vpop (erf);
	v28 =	vld [tilespmem:s14+$0x1F0];
	[tilespmem:s13+$0x1E0] =	vst v7  }
0xd4: {  	v4 =	vmul.f32 v29, v9;
	v7 =	vld [tilespmem:s14+$0x1E0];
	[tilespmem:s13+$0x1A0] =	vst v3;
	v3 =	vpop (erf)  }
0xd5: {  	v31 =	vadd.f32 v61, v21;
	v3 =	vmul.f32 v3, v6  }
0xd6: {  	v30 =	vld [tilespmem:s14+$0x1A0];
	[tilespmem:s13+$0x1B0] =	vst v4;
	v32 =	vpop (erf)  }
0xd7: {  	v33 =	vld [tilespmem:s14+$0x1B0];
	v2 =	vmul.f32 v32, v2;
	[tilespmem:s13+$0x190] =	vst v3;
	v3 =	vsub.f32 $0.0e+00, v31  }
0xd8: {  	v34 =	vadd.f32 v15, v23  }
0xd9: {  	v10 =	vadd.f32 v18, v28;
	v35 =	vld [tilespmem:s14+$0x190];
	[tilespmem:s13+$0x180] =	vst v2;
	v2 =	vmul.f32 $1.442695020e+00, v3  }
0xda: {  	v13 =	vsub.f32 $0.0e+00, v34;
	v7 =	vadd.f32 v16, v7  }
0xdb: {  	v36 =	vsub.f32 $0.0e+00, v10;
	v3 =	vld [tilespmem:s14+$0x180];
	(erf) = vpow2.f32 v2;
	v2 =	vadd.f32 v59, v30  }
0xdc: {  	v13 =	vmul.f32 $1.442695020e+00, v13;
	v37 =	vsub.f32 $0.0e+00, v7  }
0xdd: {  	v9 =	vmul.f32 $1.442695020e+00, v36;
	v38 =	vsub.f32 $0.0e+00, v2  }
0xde: {  	v6 =	vadd.f32 v26, v33;
	v11 =	vmul.f32 $1.442695020e+00, v37;
	(erf) = vpow2.f32 v13  }
0xdf: {  	v5 =	vadd.f32 v62, v35;
	(erf) = vpow2.f32 v9;
	v13 =	vmul.f32 $1.442695020e+00, v38  }
0xe0: {  	v39 =	vsub.f32 $0.0e+00, v6;
	(erf) = vpow2.f32 v11;
	v3 =	vadd.f32 v24, v3  }
0xe1: {  	v40 =	vsub.f32 $0.0e+00, v5;
	(erf) = vpow2.f32 v13  }
0xe2: {  	v8 =	vmul.f32 $1.442695020e+00, v39;
	v41 =	vsub.f32 $0.0e+00, v3  }
0xe3: {  	v42 =	vmul.f32 $1.442695020e+00, v40  }
0xe4: {  	(erf) = vpow2.f32 v8;
	v9 =	vmul.f32 $1.442695020e+00, v41  }
0xe5: {  	(erf) = vpow2.f32 v42  }
0xe6: {  	v43 =	vpop (erf);
	(erf) = vpow2.f32 v9  }
0xe7: {  	v8 =	vadd.f32 $1.000000000e+00, v43;
	v44 =	vpop (erf)  }
0xe8: {  	v9 =	vadd.f32 $1.000000000e+00, v44;
	v45 =	vpop (erf)  }
0xe9: {  	(erf) = vrcp.f32 v8;
	v46 =	vadd.f32 $1.000000000e+00, v45;
	v47 =	vpop (erf)  }
0xea: {  	(erf) = vrcp.f32 v9;
	v48 =	vadd.f32 $1.000000000e+00, v47;
	v49 =	vpop (erf)  }
0xeb: {  	(erf) = vrcp.f32 v46;
	v11 =	vadd.f32 $1.000000000e+00, v49  }
0xec: {  	(erf) = vrcp.f32 v48  }
0xed: {  	v50 =	vpop (erf);
	(erf) = vrcp.f32 v11  }
0xee: {  	v51 =	vadd.f32 $1.000000000e+00, v50;
	v52 =	vpop (erf)  }
0xef: {  	v53 =	vadd.f32 $1.000000000e+00, v52;
	v54 =	vpop (erf)  }
0xf0: {  	(erf) = vrcp.f32 v51;
	v55 =	vadd.f32 $1.000000000e+00, v54  }
0xf1: {  	(erf) = vrcp.f32 v53  }
0xf2: {  	v56 =	vpop (erf);
	(erf) = vrcp.f32 v55  }
0xf3: {  	v57 =	vpop (erf)  }
0xf4: {  	v58 =	vpop (erf)  }
0xf5: {  	v4 =	vmul.f32 v56, v31;
	v60 =	vpop (erf)  }
0xf6: {  	v8 =	vmul.f32 v57, v34;
	v61 =	vpop (erf)  }
0xf7: {  	[tilespmem:s14+$0x1D0] =	vst v4;
	v59 =	vmul.f32 v58, v10;
	v2 =	vmul.f32 v61, v2  }
0xf8: {  	[tilespmem:s14+$0x1C0] =	vst v8;
	v7 =	vmul.f32 v60, v7  }
0xf9: {  	[tilespmem:s14+$0x1F0] =	vst v59;
	v62 =	vpop (erf)  }
0xfa: {  	[tilespmem:s14+$0x1E0] =	vst v7;
	v4 =	vmul.f32 v62, v6;
	v63 =	vpop (erf)  }
0xfb: {  	v5 =	vmul.f32 v63, v5;
	[tilespmem:s14+$0x1A0] =	vst v2;
	v2 =	vpop (erf)  }
0xfc: {  	[tilespmem:s14+$0x1B0] =	vst v4;
	v2 =	vmul.f32 v2, v3  }
0xfd: {  	[tilespmem:s14+$0x190] =	vst v5  }
0xfe: {  	[tilespmem:s14+$0x180] =	vst v2  }
0xff: {  	[spmem:s2] =	stream.indirect.scatter.add.f32 [tilespmem:s28], [sflag:$0x3], $0x80, s4, s31, $0xb8;
	[tilespmem:$0x15E80] =	vst v63  }
0x100: {  	s12 =	sadd.s32 $0x1, s12;
	_ =	swait.ge [sflag:s26], $0x2800  }
0x101: {  	p0 =	sne.s32 s12, $0x7D;
	[sflag:s26] =	ssyncset.done $0x0  }
.Ltmp4:
0x102: {  	[sflag:s26] =	ssyncadd.s32 $0xFFFFD800;
	(pc) =	sbr.rel @p0 .LBB2_8-.Ltmp4, $4  }
0x103: {  	[spmem:s3] =	stream.indirect.scatter.add.f32 [tilespmem:s6], [sflag:$0x3], $0x10, s4, s31, $0xb8;
	[tilespmem:$0x15E80] =	vst v63  }
0x104: {  	_ =	swait.ge [sflag:s26], $0x500  }
0x105: {  	[sflag:s26] =	ssyncset.done $0x0  }
0x106: {  	[sflag:s26] =	ssyncadd.s32 $0xFFFFFB00  }
0x107: {  	s11 =	stileid.u32  }
0x108: {  	s11 =	sshll.u32 s11, $0x6  }
0x109: {  	[bflag:$0x0] =	sbarrier.arrive $0xFFFF;
	s11 =	sor.u32 $0x1C03, s11  }
0x10a: {  	[hbm:s20], [sflag:s11] =	dma.local [spmem:s24], $0x1400  }
0x10b: {  	s10 =	sadd.s32 $0x1, s10;
	_ =	swait.ge [sflag:s26], $0x1400  }
0x10c: {  	p0 =	sne.s32 s10, s22;
	[sflag:s26] =	ssyncset.done $0x0  }
.Ltmp5:
0x10d: {  	[sflag:s26] =	ssyncadd.s32 $0xFFFFEC00;
	(pc) =	sbr.rel @p0 .LBB2_1-.Ltmp5, $4  }
0x10e: {  	[hbm:s21], [sflag:s11] =	dma.local [spmem:s25], $0x1400  }
0x10f: {  	_ =	swait.ge [sflag:s26], $0x1400  }
0x110: {  	[sflag:s26] =	ssyncset.done $0x0  }
0x111: {  	[sflag:s26] =	ssyncadd.s32 $0xFFFFEC00  }
0x112: {  	_ =	sfence.sel $0x180000  }
0x113: {  	[bflag:$0x0] =	sbarrier.arrive $0xFFFF  }
0x114: {  	_ =	strace $0x90000047  }
0x115: {  	s0 =	stileid.u32;
	[bflag:$0x2] =	sbarrier.arrive $0xFFFF  }
0x116: {  	p0 =	sne.s32 s0, $0x0;
	s0 =	rddreg [dreg:$0x4]  }
0x117: {  	s0 =	sadd.s32 @!p0 $0x100000, s0  }
0x118: {  	[sflag:s0] =	ssyncadd.tile.s32 @!p0 $0x1;
	_ =	shalt  }
.Lfunc_end2:
_tile_overlayer_lowered:
.L_overlay_start_2:
0x119: {  	(tag) =	ssettag $0x2  }
0x11a: {  	s0 =	rddreg [dreg:$0x0];
	s2 =	stileid.u32  }
0x11b: {  	s1 =	rddreg [dreg:$0x1];
	p0 =	sne.s32 s2, $0x0  }
0x11c: {  	s3 =	rddreg [dreg:$0x2];
	[bflag:$0x3] =	sbarrier.arrive $0xFFFF;
	s2 =	simm.s32 @!p0 $0x1C03  }
0x11d: {  	[timem:s3], [sflag:s2] =	dma.local @!p0 [hbm:s0], s1  }
0x11e: {  	s0 =	simm.s32 @!p0 $0x3  }
0x11f: {  	_ =	swait.ge @!p0 [sflag:s0], s1  }
0x120: {  	s1 =	ssub.s32 @!p0 $0x0, s1;
	[sflag:s0] =	ssyncset.done @!p0 $0x0  }
0x121: {  	[sflag:s0] =	ssyncadd.s32 @!p0 s1  }
0x122: {  	[bflag:$0x3] =	sbarrier.arrive $0xFFFF  }
0x123: {  	_ =	shalt  }

// kernel: closed_call.18.cloned.1.call-start
scs
__scs_entry_jumppad:
0x0: {  	(pc) =	sbr.rel $0x88, $3  }
0x1: {  	(tag) =	ssettag $0x0;
	lr =	simm.s32 $0x1  }
0x2: {  	[smem:$0x3F94] =	sst lr;
	_ =	strace $0xD0000000  }
0x3: {  	_ = 	snop  }
0x4: {  	_ = 	snop  }
0x5: {  	_ = 	snop  }
0x6: {  	_ = 	snop  }
0x7: {  	_ = 	snop  }
__scs_overlays_trampoline_lowered:
0x8: {  	[smem:$0x3FA3] =	sst s0  }
0x9: {  	[smem:$0x3FA4] =	sst s1  }
0xa: {  	[smem:$0x3FA5] =	sst s2  }
0xb: {  	[smem:$0x3FA6] =	sst s3  }
0xc: {  	[smem:$0x3FA7] =	sst s4  }
0xd: {  	[smem:$0x3FA8] =	sst s5  }
0xe: {  	[smem:$0x3FA9] =	sst s6  }
0xf: {  	[smem:$0x3FAA] =	sst s7  }
0x10: {  	[smem:$0x3FAB] =	sst s8  }
0x11: {  	[smem:$0x3FAC] =	sst s9;
	s0 =	simm.s32 @!p0 $0x0  }
0x12: {  	s1 =	sld [smem:$0x3F92];
	s0 =	simm.s32 @p0 $0x1  }
0x13: {  	[smem:$0x3FAD] =	sst s0;
	s0 =	simm.s32 @!p1 $0x0  }
0x14: {  	s2 =	sld [smem:$0x3F91];
	s0 =	simm.s32 @p1 $0x1  }
0x15: {  	[smem:$0x3FAE] =	sst s0;
	s0 =	simm.s32 @!p2 $0x0  }
0x16: {  	s3 =	sld [smem:$0x3FDB];
	s0 =	simm.s32 @p2 $0x1  }
0x17: {  	s4 =	simm.s32 $0x1BF5;
	[smem:$0x3FB0] =	sst s0  }
0x18: {  	s0 =	sld [smem:$0x3F93];
	_ =	swait.ge [sflag:s4], $0x0  }
0x19: {  	s7 =	sld [smem:$0x3F94]  }
0x1a: {  	s8 =	sadd.s32 $0xFFFFE003, lr  }
0x1b: {  	s9 =	sadd.s32 $0xFFFFFEF7, lr;
	s5 =	simm.s32 $0xFFFFFFFF;
	p2 =	slt.u32 s8, $0xFFFFF086  }
0x1c: {  	p1 =	slt.u32 s9, $0xF7A;
	s5 =	simm.s32 @!p2 $0x0  }
0x1d: {  	s5 =	simm.s32 @p1 $0x1;
	p0 =	seq.s32 s7, s2  }
0x1e: {  	s7 =	smul.u32 @!p0 $0xF7A, s2;
	p2 =	seq.s32 @!p0 s5, $0x0  }
0x1f: {  	s9 =	smul.u32 $0xF7A, s1;
	s8 =	simm.s32 @!p0 $0x1BF5;
	p2 =	por !p2, p0  }
0x20: {  	[sflag:s8] =	ssyncset.s32 @!p0 $0xFFFFF086;
	s6 =	sadd.s32 @!p0 s3, s7;
	s7 =	simm.s32 @!p0 $0x108  }
0x21: {  	s3 =	sadd.s32 s3, s9;
	s6 =	sadd.s32 @!p0 $0x88, s6;
	s7 =	simm.s32 @p2 $0x1082  }
0x22: {  	[simem:s7], [sflag:s8] =	dma.local @!p0 [hbm:s6], $0xF7A  }
0x23: {  	s9 =	sor.u32 $0xD0000000, s2;
	s6 =	simm.s32 $0x108;
	_ =	swait.ge @!p0 [sflag:s8], $0x0  }
0x24: {  	s3 =	sadd.s32 $0x88, s3;
	s6 =	simm.s32 @!p1 $0x1082;
	[sflag:s4] =	ssyncset.s32 $0xFFFFF086  }
0x25: {  	[simem:s6], [sflag:s4] =	dma.local [hbm:s3], $0xF7A  }
0x26: {  	[smem:$0x3F94] =	sst s1;
	(tag) =	ssettag s2;
	_ =	strace s9  }
0x27: {  	s1 =	sld [smem:$0x3FA4]  }
0x28: {  	s2 =	sld [smem:$0x3FA5]  }
0x29: {  	s4 =	sld [smem:$0x3FA7]  }
0x2a: {  	p0 =	seq.s32 s5, $0x0;
	s5 =	sld [smem:$0x3FA8]  }
0x2b: {  	s6 =	sld [smem:$0x3FA9]  }
0x2c: {  	s7 =	sld [smem:$0x3FAA]  }
0x2d: {  	s3 =	simm.s32 $0x108;
	s8 =	sld [smem:$0x3FAB]  }
0x2e: {  	s3 =	simm.s32 @!p0 $0x1082;
	s9 =	sld [smem:$0x3FAC]  }
0x2f: {  	lr =	sadd.s32 s0, s3;
	s0 =	sld [smem:$0x3FA3]  }
0x30: {  	s3 =	sld [smem:$0x3FA6]  }
0x31: {  	[smem:$0x3FAF] =	sst s10  }
0x32: {  	s10 =	sld [smem:$0x3FAD];
	_ =	sdelay $0x3  }
0x33: {  	p0 =	seq.s32 s10, $0x1;
	s10 =	sld [smem:$0x3FAF];
	_ =	sdelay $0x3  }
0x34: {  	[smem:$0x3FAF] =	sst s10  }
0x35: {  	s10 =	sld [smem:$0x3FAE];
	_ =	sdelay $0x3  }
0x36: {  	p1 =	seq.s32 s10, $0x1;
	s10 =	sld [smem:$0x3FAF];
	_ =	sdelay $0x3  }
0x37: {  	[smem:$0x3FAF] =	sst s10  }
0x38: {  	s10 =	sld [smem:$0x3FB0]  }
0x39: {  	_ = 	snop;
	(pc) =	sbr.ind lr, $3  }
0x3a: {  	_ = 	snop  }
0x3b: {  	_ = 	snop  }
0x3c: {  	p2 =	seq.s32 s10, $0x1;
	s10 =	sld [smem:$0x3FAF]  }
0x3d: {  	_ =	shalt  }
0x3e: {  	_ =	shalt  }
0x3f: {  	_ =	shalt  }
0x40: {  	_ =	shalt  }
0x41: {  	_ =	shalt  }
0x42: {  	_ =	shalt  }
0x43: {  	_ =	shalt  }
0x44: {  	_ =	shalt  }
0x45: {  	_ =	shalt  }
0x46: {  	_ =	shalt  }
0x47: {  	_ =	shalt  }
0x48: {  	_ =	shalt  }
0x49: {  	_ =	shalt  }
0x4a: {  	_ =	shalt  }
0x4b: {  	_ =	shalt  }
0x4c: {  	_ =	shalt  }
0x4d: {  	_ =	shalt  }
0x4e: {  	_ =	shalt  }
0x4f: {  	_ =	shalt  }
0x50: {  	_ =	shalt  }
0x51: {  	_ =	shalt  }
0x52: {  	_ =	shalt  }
0x53: {  	_ =	shalt  }
0x54: {  	_ =	shalt  }
0x55: {  	_ =	shalt  }
0x56: {  	_ =	shalt  }
0x57: {  	_ =	shalt  }
0x58: {  	_ =	shalt  }
0x59: {  	_ =	shalt  }
0x5a: {  	_ =	shalt  }
0x5b: {  	_ =	shalt  }
0x5c: {  	_ =	shalt  }
0x5d: {  	_ =	shalt  }
0x5e: {  	_ =	shalt  }
0x5f: {  	_ =	shalt  }
0x60: {  	_ =	shalt  }
0x61: {  	_ =	shalt  }
0x62: {  	_ =	shalt  }
0x63: {  	_ =	shalt  }
0x64: {  	_ =	shalt  }
0x65: {  	_ =	shalt  }
0x66: {  	_ =	shalt  }
0x67: {  	_ =	shalt  }
0x68: {  	_ =	shalt  }
0x69: {  	_ =	shalt  }
0x6a: {  	_ =	shalt  }
0x6b: {  	_ =	shalt  }
0x6c: {  	_ =	shalt  }
0x6d: {  	_ =	shalt  }
0x6e: {  	_ =	shalt  }
0x6f: {  	_ =	shalt  }
0x70: {  	_ =	shalt  }
0x71: {  	_ =	shalt  }
0x72: {  	_ =	shalt  }
0x73: {  	_ =	shalt  }
0x74: {  	_ =	shalt  }
0x75: {  	_ =	shalt  }
0x76: {  	_ =	shalt  }
0x77: {  	_ =	shalt  }
0x78: {  	_ =	shalt  }
0x79: {  	_ =	shalt  }
0x7a: {  	_ =	shalt  }
0x7b: {  	_ =	shalt  }
0x7c: {  	_ =	shalt  }
0x7d: {  	_ =	shalt  }
0x7e: {  	_ =	shalt  }
0x7f: {  	_ =	shalt  }
0x80: {  	_ =	shalt  }
0x81: {  	_ =	shalt  }
0x82: {  	_ =	shalt  }
0x83: {  	_ =	shalt  }
0x84: {  	_ =	shalt  }
0x85: {  	_ =	shalt  }
0x86: {  	_ =	shalt  }
0x87: {  	_ =	shalt  }
.Lfunc_end0:
.L_simem_size_0:
called_computation.1_lowered:
.L_overlay_start_0:
0x88: {  	s2 =	sld [smem:$0x3FD9]  }
0x89: {  	s3 =	sld [smem:$0x3FFE];
	_ =	sdelay $0x1  }
0x8a: {  	s1 =	srdreg.scid  }
0x8b: {  	s0 =	sand.u32 $0x1, s1  }
0x8c: {  	s14 =	sshll.u32 s0, $0xA;
	s2 =	sadd.s32 s3, s2  }
0x8d: {  	s2 =	sadd.s32 s2, s14  }
0x8e: {  	[smem:$0x3FBB] =	sst s2  }
0x8f: {  	_ = 	snop  }
0x90: {  	s2 =	sld [smem:$0x3FD0];
	_ =	sdelay $0x2  }
0x91: {  	s15 =	simm.s32 $0xB;
	s4 =	simm.s32 $0x10  }
0x92: {  	[smem:s4], [sflag:s15] =	dma.local [hbm:s2], $0x1  }
0x93: {  	_ =	swait.eq [sflag:s15], $0x1  }
0x94: {  	[sflag:s15] =	ssyncset.done $0x0  }
0x95: {  	[sflag:s15] =	ssyncadd.s32 $0xFFFFFFFF  }
0x96: {  	s16 =	sld [smem:$0x10];
	(tm) =	ssettm $0x1  }
0x97: {  	s17 =	sld [smem:$0x3FFB];
	_ =	sdelay $0x3  }
0x98: {  	_ =	strace s17  }
0x99: {  	s3 =	sld [smem:$0x3FFC];
	_ =	sdelay $0x3  }
0x9a: {  	_ =	strace s3  }
0x9b: {  	s3 =	sld [smem:$0x3FFD];
	_ =	sdelay $0x3  }
0x9c: {  	_ =	strace s3  }
0x9d: {  	_ =	strace $0x8FFFFFFF  }
0x9e: {  	s18 =	sld [smem:$0x3FDB];
	_ =	sdelay $0x1  }
0x9f: {  	s19 =	simm.s32 $_scs_section_size  }
0xa0: {  	s5 =	simm.s32 $_size__tile_overlayer_lowered;
	s6 =	simm.s32 $_tile_overlayer_lowered  }
0xa1: {  	s22 =	simm.s32 $0x1BFF;
	s21 =	sshll.u32 s6, $0x1;
	s3 =	sadd.s32 s19, s18  }
0xa2: {  	s7 =	simm.s32 $0x0;
	s20 =	sshll.u32 s5, $0x1;
	s5 =	sadd.s32 s21, s3  }
0xa3: {  	[timem:s7], [sflag:s22] =	dma.local [hbm:s5], s20  }
0xa4: {  	_ =	swait.ge [sflag:s22], s20  }
0xa5: {  	s4 =	ssub.s32 $0x0, s20;
	[sflag:s22] =	ssyncset.done $0x0  }
0xa6: {  	[sflag:s22] =	ssyncadd.s32 s4;
	_ =	sdelay $0x1  }
0xa7: {  	s23 =	simm.s32 $0x1B8B  }
0xa8: {  	_ =	swait.ge [sflag:s23], $0x1  }
0xa9: {  	[sflag:s23] =	ssyncset.done $0x0  }
0xaa: {  	s25 =	simm.s32 $0x1B8E;
	s24 =	sld [smem:$0x3FFE];
	[sflag:s23] =	ssyncadd.s32 $0xFFFFFFFF  }
0xab: {  	s26 =	simm.s32 $execute0_lowered;
	[smem:$0x3FD2] =	sst s25  }
0xac: {  	s5 =	sshll.u32 s26, $0x1;
	_ =	strace $0x80000049;
	[dreg:$0x1] =	wrdreg $0xFFFFFFFF  }
0xad: {  	s28 =	simm.s32 $_size_execute0_lowered;
	s3 =	sadd.s32 s3, s5;
	[dreg:$0x0] =	wrdreg $0x0  }
0xae: {  	s5 =	sshll.u32 s28, $0x1;
	[dreg:$0x2] =	wrdreg s3  }
0xaf: {  	[dreg:$0x3] =	wrdreg s5  }
0xb0: {  	[dreg:$0x4] =	wrdreg $0xC0  }
0xb1: {  	_ =	task [dreg:s7], $0x5FFFF  }
0xb2: {  	[dreg:$0x1] =	wrdreg $0xFFFFFFFF  }
0xb3: {  	[dreg:$0x0] =	wrdreg $0x60  }
0xb4: {  	[dreg:$0x2] =	wrdreg s24  }
0xb5: {  	[dreg:$0x3] =	wrdreg s16  }
0xb6: {  	[dreg:$0x4] =	wrdreg $0xA6000  }
0xb7: {  	[dreg:$0x5] =	wrdreg $0x14A000  }
0xb8: {  	[dreg:$0x6] =	wrdreg $0xA  }
0xb9: {  	_ =	task.clear_ibuf [dreg:s7], $0x7FFFF;
	_ =	strace $0x90000049  }
0xba: {  	s29 =	simm.s32 $0xA;
	_ =	strace $0x8000004B  }
0xbb: {  	_ =	swait.ge [sflag:s29], $0x1  }
0xbc: {  	[sflag:s29] =	ssyncadd.s32 $0xFFFFFFFF  }
0xbd: {  	_ =	strace $0x9000004B  }
0xbe: {  	_ =	sfence  }
0xbf: {  	s30 =	sld [smem:$0x0];
	_ =	sdelay $0x2  }
0xc0: {  	s31 =	sshll.u32 s1, $0xD;
	s1 =	sshrl.u32 s1, $0x2  }
0xc1: {  	s3 =	sand.u32 $0x4000, s31;
	s1 =	sadd.s32 s1, s30  }
0xc2: {  	s0 =	sor.u32 s3, s0;
	s1 =	sshll.u32 s1, $0x11  }
0xc3: {  	s0 =	sor.u32 s1, s0  }
0xc4: {  	s0 =	sadd.s32 $0x8F2B, s0  }
0xc5: {  	[sflag:s0] =	ssyncadd.remote.s32 $0x1  }
0xc6: {  	_ =	sfence.sel $0xFFFF  }
0xc7: {  	[dreg:$0x0] =	wrdreg $0xFFFFFFFF;
	(pc) =	sbr.abs _section_cstart, $3  }
0xc8: {  	[dreg:$0x1] =	wrdreg $0xFFFFFFFF  }
0xc9: {  	_ =	task.clear_ibuf [dreg:s7], $0x2FFFF;
	_ =	strace $0x9FFFFFFF  }
0xca: {  	(tm) =	ssettm $0x7FFFFFFF  }
0xcb: {  	_ =	shalt  }
tec
execute0_lowered:
.L_overlay_start_1:
0x0: {  	(tag) =	ssettag $0x1  }
0x1: {  	s0 =	rddreg [dreg:$0x0]  }
0x2: {  	s1 =	rddreg [dreg:$0x1]  }
0x3: {  	s2 =	rddreg [dreg:$0x2]  }
0x4: {  	s3 =	rddreg [dreg:$0x3];
	s4 =	srdreg.scid  }
0x5: {  	s6 =	simm.s32 $0x0;
	s13 =	stileid.u32;
	s28 =	simm.s32 $0x180  }
0x6: {  	s29 =	simm.s32 $0x7980;
	s30 =	simm.s32 $0x80;
	s31 =	simm.s32 $0x50  }
0x7: {  	s4 =	sand.u32 $0x1, s4;
	[smem:$0x7FF] =	sst s6;
	s15 =	smul.u32 $0xA000, s13  }
0x8: {  	s7 =	sadd.s32 $0x66800, s0;
	s8 =	sadd.s32 $0x2BA00, s0;
	s11 =	smul.u32 $0x29000, s13  }
0x9: {  	s9 =	sadd.s32 $0x3F600, s0;
	s12 =	smul.u32 $0xA400, s13;
	s6 =	simm.s32 $0x5180  }
0xa: {  	s5 =	smul.u32 $0xA0000, s4;
	_ =	strace $0x8000004A;
	[dreg:$0x5] =	wrdreg s7  }
0xb: {  	s7 =	sadd.s32 $0x35800, s0;
	s10 =	ssub.s32 $0x2, s4;
	s4 =	sshll.u32 s4, $0x4  }
0xc: {  	s16 =	sshrl.u32 s10, $0x1;
	s11 =	sshrl.u32 s11, $0x2;
	s4 =	sor.u32 s13, s4  }
0xd: {  	s18 =	sadd.s32 s12, s2;
	s23 =	sadd.s32 s12, s3;
	s25 =	sadd.s32 s15, s2  }
0xe: {  	s26 =	sadd.s32 s15, s3;
	s5 =	sadd.s32 s15, s5;
	[dreg:$0x6] =	wrdreg s18  }
0xf: {  	s17 =	sadd.s32 s11, s2;
	s22 =	sadd.s32 s11, s3;
	[dreg:$0xb] =	wrdreg s23  }
0x10: {  	s23 =	simm.s32 $0x2;
	s5 =	sshrl.u32 s5, $0x3;
	s19 =	sadd.s32 $0x2800, s17  }
0x11: {  	s20 =	sadd.s32 $0x5000, s17;
	s21 =	sadd.s32 $0x7800, s17;
	[dreg:$0x7] =	wrdreg s19  }
0x12: {  	s24 =	sadd.s32 $0x2900, s22;
	s18 =	sadd.s32 $0x7B00, s22;
	[dreg:$0x8] =	wrdreg s20  }
0x13: {  	s0 =	sadd.s32 s5, s0;
	s5 =	ssub.s32 s10, s16;
	[dreg:$0x9] =	wrdreg s21  }
0x14: {  	s10 =	sadd.s32 $0xA000, s17;
	[dreg:$0xc] =	wrdreg s24;
	s17 =	sadd.s32 $0x5200, s22  }
0x15: {  	s19 =	smul.u32 $0x2710, s4;
	s24 =	sshrl.u32 s25, $0x3;
	s25 =	sshrl.u32 s26, $0x3  }
0x16: {  	s26 =	simm.s32 $0x3;
	s4 =	simm.s32 $0x100;
	[dreg:$0xa] =	wrdreg s10  }
0x17: {  	s20 =	sadd.s32 $0x8EA00, s0;
	s21 =	sadd.s32 $0x66A00, s0;
	s22 =	smax.u32 s5, $0x1  }
0x18: {  	v0 =	vimm.f32 $0.0e+00;
	v1 =	vimm.f32 $1.000000000e+00;
	s0 =	simm.s32 $0x2980;
	s5 =	simm.s32 $0x1;
	s10 =	simm.s32 $0x0  }
.LBB2_1:
0x19: {  	s11 =	simm.s32 $0x0;
	s12 =	rddreg [dreg:$0x5];
	s13 =	simm.s32 $0xA580  }
0x1a: {  	[tilespmem:s13], [sflag:$0x3] =	stream.linear.gather [hbm4b:s12+s11], $0x80, $0x38;
	[tilespmem:$0x15E80] =	vst v63  }
0x1b: {  	_ =	swait.ge [sflag:s26], $0x80  }
0x1c: {  	[sflag:s26] =	ssyncset.done $0x0  }
0x1d: {  	s11 =	simm.s32 $0x0;
	s12 =	simm.s32 $0x200;
	[sflag:s26] =	ssyncadd.s32 $0xFFFFFF80  }
.LBB2_2:
0x1e: {  	p0 =	sne.s32 s12, $0x9E00;
	[tilespmem:s11+$0x1F0] =	vst v0  }
0x1f: {  	[tilespmem:s11+$0x180] =	vst v0  }
0x20: {  	[tilespmem:s11+$0x190] =	vst v0  }
.Ltmp0:
0x21: {  	[tilespmem:s11+$0x1A0] =	vst v0;
	(pc) =	sbr.rel @p0 .LBB2_2-.Ltmp0, $4  }
0x22: {  	[tilespmem:s11+$0x1B0] =	vst v0  }
0x23: {  	[tilespmem:s11+$0x1C0] =	vst v0  }
0x24: {  	[tilespmem:s11+$0x1D0] =	vst v0  }
0x25: {  	[tilespmem:s11+$0x1E0] =	vst v0;
	s11 =	sshra.s32 s12, $0x2;
	s12 =	sadd.s32 $0x200, s12  }
0x26: {  	[tilespmem:s11+$0x1F0] =	vst v0  }
0x27: {  	[tilespmem:s11+$0x180] =	vst v0  }
0x28: {  	[tilespmem:s11+$0x190] =	vst v0  }
0x29: {  	[tilespmem:s11+$0x1A0] =	vst v0  }
0x2a: {  	[tilespmem:s11+$0x1B0] =	vst v0  }
0x2b: {  	[tilespmem:s11+$0x1C0] =	vst v0  }
0x2c: {  	[tilespmem:s11+$0x1D0] =	vst v0  }
0x2d: {  	[tilespmem:s11+$0x1E0] =	vst v0;
	s12 =	rddreg [dreg:$0x6]  }
0x2e: {  	[spmem:s12] =	stream.linear.scatter [tilespmem:s28], [sflag:$0x3], $0x2800, $0x38;
	[tilespmem:$0x15E80] =	vst v63  }
0x2f: {  	_ =	swait.ge [sflag:s26], $0x2800  }
0x30: {  	[sflag:s26] =	ssyncset.done $0x0  }
0x31: {  	s13 =	rddreg [dreg:$0x7];
	[sflag:s26] =	ssyncadd.s32 $0xFFFFD800  }
0x32: {  	[spmem:s13] =	stream.linear.scatter [tilespmem:s28], [sflag:$0x3], $0x2800, $0x38;
	[tilespmem:$0x15E80] =	vst v63  }
0x33: {  	_ =	swait.ge [sflag:s26], $0x2800  }
0x34: {  	[sflag:s26] =	ssyncset.done $0x0  }
0x35: {  	s14 =	rddreg [dreg:$0x8];
	[sflag:s26] =	ssyncadd.s32 $0xFFFFD800  }
0x36: {  	[spmem:s14] =	stream.linear.scatter [tilespmem:s28], [sflag:$0x3], $0x2800, $0x38;
	[tilespmem:$0x15E80] =	vst v63  }
0x37: {  	_ =	swait.ge [sflag:s26], $0x2800  }
0x38: {  	[sflag:s26] =	ssyncset.done $0x0  }
0x39: {  	s15 =	rddreg [dreg:$0x9];
	[sflag:s26] =	ssyncadd.s32 $0xFFFFD800  }
0x3a: {  	[spmem:s15] =	stream.linear.scatter [tilespmem:s28], [sflag:$0x3], $0x2800, $0x38;
	[tilespmem:$0x15E80] =	vst v63  }
0x3b: {  	_ =	swait.ge [sflag:s26], $0x2800  }
0x3c: {  	[sflag:s26] =	ssyncset.done $0x0  }
0x3d: {  	s16 =	rddreg [dreg:$0xa];
	[sflag:s26] =	ssyncadd.s32 $0xFFFFD800  }
0x3e: {  	[spmem:s16] =	stream.linear.scatter [tilespmem:s28], [sflag:$0x3], $0x400, $0x38;
	[tilespmem:$0x15E80] =	vst v63  }
0x3f: {  	_ =	swait.ge [sflag:s26], $0x400  }
0x40: {  	[sflag:s26] =	ssyncset.done $0x0  }
0x41: {  	s11 =	simm.s32 $0x200;
	s12 =	simm.s32 $0x0;
	[sflag:s26] =	ssyncadd.s32 $0xFFFFFC00  }
.LBB2_4:
0x42: {  	p0 =	sne.s32 s11, $0xA200;
	[tilespmem:s12+$0x7980] =	vst v0;
	s12 =	smov.u32 s11;
	s11 =	sadd.s32 $0x200, s11  }
.Ltmp1:
0x43: {  	(pc) =	sbr.rel @p0 .LBB2_4-.Ltmp1, $2  }
0x44: {  	_ =	sdelay $0x2  }
0x45: {  	s12 =	sshra.s32 s12, $0x2  }
0x46: {  	[tilespmem:s12+$0x7980] =	vst v0;
	s11 =	rddreg [dreg:$0xb]  }
0x47: {  	[spmem:s11] =	stream.linear.scatter [tilespmem:s29], [sflag:$0x3], $0x2900, $0x38;
	[tilespmem:$0x15E80] =	vst v63  }
0x48: {  	_ =	swait.ge [sflag:s26], $0x2900  }
0x49: {  	[sflag:s26] =	ssyncset.done $0x0  }
0x4a: {  	s16 =	rddreg [dreg:$0xc];
	[sflag:s26] =	ssyncadd.s32 $0xFFFFD700  }
0x4b: {  	[spmem:s16] =	stream.linear.scatter [tilespmem:s29], [sflag:$0x3], $0x2900, $0x38;
	[tilespmem:$0x15E80] =	vst v63  }
0x4c: {  	_ =	swait.ge [sflag:s26], $0x2900  }
0x4d: {  	[sflag:s26] =	ssyncset.done $0x0  }
0x4e: {  	[sflag:s26] =	ssyncadd.s32 $0xFFFFD700  }
0x4f: {  	[spmem:s17] =	stream.linear.scatter [tilespmem:s29], [sflag:$0x3], $0x2900, $0x38;
	[tilespmem:$0x15E80] =	vst v63  }
0x50: {  	_ =	swait.ge [sflag:s26], $0x2900  }
0x51: {  	[sflag:s26] =	ssyncset.done $0x0  }
0x52: {  	[sflag:s26] =	ssyncadd.s32 $0xFFFFD700  }
0x53: {  	[spmem:s18] =	stream.linear.scatter [tilespmem:s29], [sflag:$0x3], $0x2900, $0x38;
	[tilespmem:$0x15E80] =	vst v63  }
0x54: {  	_ =	swait.ge [sflag:s26], $0x2900  }
0x55: {  	[sflag:s26] =	ssyncset.done $0x0  }
0x56: {  	s12 =	simm.s32 $0x0;
	s11 =	simm.s32 $0x200;
	[sflag:s26] =	ssyncadd.s32 $0xFFFFD700  }
.LBB2_6:
0x57: {  	p0 =	sne.s32 s11, $0x9E00;
	[tilespmem:s12+$0x5180] =	vst v1;
	s12 =	smov.u32 s11;
	s11 =	sadd.s32 $0x200, s11  }
.Ltmp2:
0x58: {  	(pc) =	sbr.rel @p0 .LBB2_6-.Ltmp2, $2  }
0x59: {  	_ =	sdelay $0x2  }
0x5a: {  	s12 =	sshra.s32 s12, $0x2  }
0x5b: {  	[tilespmem:s12+$0x5180] =	vst v1  }
0x5c: {  	s11 =	simm.s32 $0x0;
	s12 =	simm.s32 $0x0;
	[bflag:$0x0] =	sbarrier.arrive $0xFFFF  }
.LBB2_8:
0x5d: {  	s13 =	smul.u32 $0x50, s12;
	_ =	sdelay $0x1  }
0x5e: {  	s13 =	sadd.s32 s19, s13  }
0x5f: {  	s13 =	sshrl.u32 s13, $0x3  }
0x60: {  	s14 =	sadd.s32 s7, s13  }
0x61: {  	[tilespmem:s11], [sflag:$0x3] =	stream.linear.gather [hbm4b:s14+s11], $0x50, $0x38;
	[tilespmem:$0x15E80] =	vst v63  }
0x62: {  	_ =	swait.ge [sflag:s26], $0x50  }
0x63: {  	[sflag:s26] =	ssyncset.done $0x0  }
0x64: {  	s13 =	sadd.s32 s8, s13;
	[sflag:s26] =	ssyncadd.s32 $0xFFFFFFB0  }
0x65: {  	[tilespmem:s30], [sflag:$0x3] =	stream.linear.gather [hbm4b:s13+s11], $0x50, $0x38;
	[tilespmem:$0x15E80] =	vst v63  }
0x66: {  	_ =	swait.ge [sflag:s26], $0x50  }
0x67: {  	[sflag:s26] =	ssyncset.done $0x0  }
0x68: {  	[sflag:s26] =	ssyncadd.s32 $0xFFFFFFB0  }
0x69: {  	[tilespmem:s28], [sflag:$0x1] =	stream.indirect.gather [hbm4b:s1+s31], $0x80, s11, s31, $0xb8;
	[tilespmem:$0x15E80] =	vst v63  }
0x6a: {  	_ = 	snop  }
0x6b: {  	[tilespmem:s0], [sflag:$0x2] =	stream.indirect.gather [hbm4b:s9+s31], $0x80, s30, s31, $0xb8;
	[tilespmem:$0x15E80] =	vst v63  }
0x6c: {  	v2 =	vld [tilespmem:$0xA580]  }
0x6d: {  	v3 =	vld [tilespmem:$0x0]  }
0x6e: {  	v4 =	vld [tilespmem:$0x10]  }
0x6f: {  	v5 =	vld [tilespmem:$0x20]  }
0x70: {  	v6 =	vld [tilespmem:$0x30]  }
0x71: {  	v7 =	vld [tilespmem:$0x40]  }
0x72: {  	v3 =	vsub.s32 v3, v2  }
0x73: {  	v4 =	vsub.s32 v4, v2;
	v3 =	vmin.u32 v3, $0x1400  }
0x74: {  	[tilespmem:$0x100] =	vst v3;
	v3 =	vmin.u32 v4, $0x1400;
	v4 =	vsub.s32 v5, v2  }
0x75: {  	[tilespmem:$0x110] =	vst v3;
	v3 =	vmin.u32 v4, $0x1400;
	v4 =	vsub.s32 v6, v2  }
0x76: {  	v2 =	vsub.s32 v7, v2;
	[tilespmem:$0x120] =	vst v3;
	v3 =	vmin.u32 v4, $0x1400  }
0x77: {  	v2 =	vmin.u32 v2, $0x1400;
	[tilespmem:$0x130] =	vst v3  }
0x78: {  	[tilespmem:$0x140] =	vst v2  }
0x79: {  	_ =	swait.ge [sflag:s5], $0x2800  }
0x7a: {  	[sflag:s5] =	ssyncset.done $0x0  }
0x7b: {  	[sflag:s5] =	ssyncadd.s32 $0xFFFFD800  }
0x7c: {  	_ =	swait.ge [sflag:s23], $0x2800  }
0x7d: {  	[sflag:s23] =	ssyncset.done $0x0  }
0x7e: {  	s13 =	simm.s32 $0x0;
	[sflag:s23] =	ssyncadd.s32 $0xFFFFD800  }
0x7f: {  	v2 =	vld [tilespmem:s13+$0x29A0]  }
0x80: {  	v3 =	vld [tilespmem:s13+$0x29C0]  }
0x81: {  	v6 =	vld [tilespmem:s13+$0x29E0]  }
0x82: {  	v7 =	vld [tilespmem:s13+$0x29F0]  }
0x83: {  	v4 =	vld [tilespmem:s13+$0x29D0]  }
0x84: {  	v5 =	vld [tilespmem:s13+$0x1D0]  }
0x85: {  	v8 =	vld [tilespmem:s13+$0x1C0]  }
0x86: {  	v9 =	vld [tilespmem:s13+$0x1F0]  }
0x87: {  	v10 =	vld [tilespmem:s13+$0x1E0]  }
0x88: {  	v11 =	vld [tilespmem:s13+$0x1A0]  }
0x89: {  	v4 =	vadd.f32 v4, v5  }
0x8a: {  	v5 =	vadd.f32 v3, v8  }
0x8b: {  	v8 =	vadd.f32 v7, v9;
	v9 =	vld [tilespmem:s13+$0x29B0];
	v3 =	vsub.f32 $0.0e+00, v4  }
0x8c: {  	v7 =	vadd.f32 v6, v10;
	v6 =	vld [tilespmem:s13+$0x1B0];
	v14 =	vsub.f32 $0.0e+00, v5  }
0x8d: {  	v12 =	vld [tilespmem:s13+$0x2990];
	v10 =	vmul.f32 $1.442695020e+00, v3;
	v3 =	vadd.f32 v2, v11;
	v2 =	vsub.f32 $0.0e+00, v8  }
0x8e: {  	v13 =	vld [tilespmem:s13+$0x2980];
	v15 =	vsub.f32 $0.0e+00, v7;
	v14 =	vmul.f32 $1.442695020e+00, v14  }
0x8f: {  	v11 =	vld [tilespmem:s13+$0x190];
	(erf) = vpow2.f32 v10;
	v10 =	vsub.f32 $0.0e+00, v3;
	v2 =	vmul.f32 $1.442695020e+00, v2  }
0x90: {  	v16 =	vld [tilespmem:s13+$0x180];
	(erf) = vpow2.f32 v14;
	v14 =	vmul.f32 $1.442695020e+00, v15  }
0x91: {  	v9 =	vadd.f32 v9, v6;
	v10 =	vmul.f32 $1.442695020e+00, v10;
	(erf) = vpow2.f32 v2  }
0x92: {  	(erf) = vpow2.f32 v14  }
0x93: {  	(erf) = vpow2.f32 v10;
	v10 =	vsub.f32 $0.0e+00, v9  }
0x94: {  	v6 =	vadd.f32 v12, v11  }
0x95: {  	v2 =	vadd.f32 v13, v16;
	v10 =	vmul.f32 $1.442695020e+00, v10  }
0x96: {  	v11 =	vsub.f32 $0.0e+00, v6  }
0x97: {  	v12 =	vsub.f32 $0.0e+00, v2  }
0x98: {  	v11 =	vmul.f32 $1.442695020e+00, v11  }
0x99: {  	v12 =	vmul.f32 $1.442695020e+00, v12;
	(erf) = vpow2.f32 v10;
	v10 =	vpop (erf)  }
0x9a: {  	(erf) = vpow2.f32 v11;
	v10 =	vadd.f32 $1.000000000e+00, v10  }
0x9b: {  	(erf) = vpow2.f32 v12  }
0x9c: {  	v11 =	vpop (erf);
	(erf) = vrcp.f32 v10  }
0x9d: {  	v11 =	vadd.f32 $1.000000000e+00, v11  }
0x9e: {  	v12 =	vpop (erf)  }
0x9f: {  	(erf) = vrcp.f32 v11;
	v10 =	vpop (erf)  }
0xa0: {  	s15 =	simm.s32 $0x200;
	s14 =	simm.s32 $0x400;
	v11 =	vadd.f32 $1.000000000e+00, v12;
	v10 =	vadd.f32 $1.000000000e+00, v10;
	v12 =	vpop (erf)  }
.LBB2_9:
0xa1: {  	p0 =	sne.s32 s14, $0x9E00  }
0xa2: {  	s16 =	sshra.s32 s15, $0x2;
	v12 =	vadd.f32 $1.000000000e+00, v12;
	v13 =	vpop (erf);
	(erf) = vrcp.f32 v11;
	s15 =	smov.u32 s14;
	s14 =	sadd.s32 $0x200, s14  }
0xa3: {  	v11 =	vld [tilespmem:s16+$0x29A0];
	v16 =	vadd.f32 $1.000000000e+00, v13;
	v14 =	vpop (erf);
	(erf) = vrcp.f32 v10  }
0xa4: {  	v10 =	vld [tilespmem:s16+$0x29C0];
	v14 =	vadd.f32 $1.000000000e+00, v14;
	v15 =	vpop (erf);
	(erf) = vrcp.f32 v12  }
0xa5: {  	v12 =	vld [tilespmem:s16+$0x29E0];
	v15 =	vadd.f32 $1.000000000e+00, v15;
	(erf) = vrcp.f32 v16;
	v13 =	vpop (erf)  }
0xa6: {  	v16 =	vld [tilespmem:s16+$0x29F0];
	v17 =	vmul.f32 v13, v4;
	(erf) = vrcp.f32 v14  }
0xa7: {  	v13 =	vld [tilespmem:s16+$0x29D0];
	(erf) = vrcp.f32 v15  }
0xa8: {  	v14 =	vld [tilespmem:s16+$0x2990];
	[tilespmem:s13+$0x1D0] =	vst v17;
	v4 =	vpop (erf)  }
0xa9: {  	v15 =	vld [tilespmem:s16+$0x1D0];
	v5 =	vmul.f32 v4, v5;
	_ =	sdelay $0x1  }
0xaa: {  	[tilespmem:s13+$0x1C0] =	vst v5;
	v4 =	vpop (erf)  }
0xab: {  	v5 =	vld [tilespmem:s16+$0x1C0];
	v20 =	vmul.f32 v4, v8;
	v4 =	vpop (erf)  }
0xac: {  	v17 =	vld [tilespmem:s16+$0x2980];
	v21 =	vmul.f32 v4, v7;
	v18 =	vpop (erf)  }
0xad: {  	v19 =	vld [tilespmem:s16+$0x29B0];
	v4 =	vadd.f32 v13, v15;
	v18 =	vmul.f32 v18, v3;
	[tilespmem:s13+$0x1F0] =	vst v20;
	v8 =	vpop (erf)  }
0xae: {  	v13 =	vld [tilespmem:s16+$0x1F0];
	v8 =	vmul.f32 v8, v9;
	[tilespmem:s13+$0x1E0] =	vst v21;
	v7 =	vpop (erf)  }
0xaf: {  	v9 =	vsub.f32 $0.0e+00, v4;
	v15 =	vld [tilespmem:s16+$0x1E0];
	v6 =	vmul.f32 v7, v6;
	[tilespmem:s13+$0x1A0] =	vst v18;
	v3 =	vpop (erf)  }
0xb0: {  	v18 =	vld [tilespmem:s16+$0x1A0];
	v5 =	vadd.f32 v10, v5;
	v2 =	vmul.f32 v3, v2;
	[tilespmem:s13+$0x1B0] =	vst v8  }
0xb1: {  	v10 =	vld [tilespmem:s16+$0x1B0];
	v3 =	vmul.f32 $1.442695020e+00, v9;
	[tilespmem:s13+$0x190] =	vst v6  }
0xb2: {  	v6 =	vld [tilespmem:s16+$0x190];
	v7 =	vsub.f32 $0.0e+00, v5;
	[tilespmem:s13+$0x180] =	vst v2;
	s13 =	smov.u32 s16  }
0xb3: {  	v2 =	vld [tilespmem:s13+$0x180];
	v8 =	vadd.f32 v16, v13;
	(erf) = vpow2.f32 v3  }
0xb4: {  	v13 =	vmul.f32 $1.442695020e+00, v7;
	v7 =	vadd.f32 v12, v15  }
0xb5: {  	v3 =	vadd.f32 v11, v18;
	v11 =	vsub.f32 $0.0e+00, v8  }
0xb6: {  	v9 =	vadd.f32 v19, v10;
	v10 =	vsub.f32 $0.0e+00, v7;
	(erf) = vpow2.f32 v13  }
0xb7: {  	v6 =	vadd.f32 v14, v6;
	v12 =	vsub.f32 $0.0e+00, v3;
	v11 =	vmul.f32 $1.442695020e+00, v11  }
0xb8: {  	v2 =	vadd.f32 v17, v2;
	v13 =	vsub.f32 $0.0e+00, v9;
	v10 =	vmul.f32 $1.442695020e+00, v10  }
0xb9: {  	v14 =	vsub.f32 $0.0e+00, v6;
	v15 =	vmul.f32 $1.442695020e+00, v12;
	(erf) = vpow2.f32 v11  }
0xba: {  	v11 =	vsub.f32 $0.0e+00, v2;
	v13 =	vmul.f32 $1.442695020e+00, v13;
	(erf) = vpow2.f32 v10  }
0xbb: {  	v10 =	vmul.f32 $1.442695020e+00, v14;
	(erf) = vpow2.f32 v15  }
0xbc: {  	v11 =	vmul.f32 $1.442695020e+00, v11;
	(erf) = vpow2.f32 v13;
	v12 =	vpop (erf)  }
0xbd: {  	v12 =	vadd.f32 $1.000000000e+00, v12;
	(erf) = vpow2.f32 v10  }
0xbe: {  	(erf) = vpow2.f32 v11  }
0xbf: {  	v10 =	vpop (erf);
	(erf) = vrcp.f32 v12  }
.Ltmp3:
0xc0: {  	v11 =	vadd.f32 $1.000000000e+00, v10;
	(pc) =	sbr.rel @p0 .LBB2_9-.Ltmp3, $4  }
0xc1: {  	_ = 	snop  }
0xc2: {  	(erf) = vrcp.f32 v11;
	v10 =	vpop (erf)  }
0xc3: {  	v11 =	vadd.f32 $1.000000000e+00, v10;
	v10 =	vpop (erf)  }
0xc4: {  	v10 =	vadd.f32 $1.000000000e+00, v10;
	v12 =	vpop (erf)  }
0xc5: {  	v13 =	vpop (erf);
	(erf) = vrcp.f32 v11;
	v12 =	vadd.f32 $1.000000000e+00, v12  }
0xc6: {  	v14 =	vpop (erf);
	(erf) = vrcp.f32 v10  }
0xc7: {  	v60 =	vpop (erf);
	(erf) = vrcp.f32 v12;
	_ =	sdelay $0x1  }
0xc8: {  	s14 =	sshra.s32 s15, $0x2;
	v13 =	vadd.f32 $1.000000000e+00, v13  }
0xc9: {  	v59 =	vld [tilespmem:s14+$0x29A0];
	v63 =	vadd.f32 $1.000000000e+00, v14  }
0xca: {  	v15 =	vld [tilespmem:s14+$0x29C0];
	(erf) = vrcp.f32 v13  }
0xcb: {  	v16 =	vld [tilespmem:s14+$0x29E0];
	v17 =	vpop (erf);
	v10 =	vadd.f32 $1.000000000e+00, v60;
	(erf) = vrcp.f32 v63  }
0xcc: {  	v18 =	vld [tilespmem:s14+$0x29F0];
	v4 =	vmul.f32 v17, v4;
	v19 =	vpop (erf)  }
0xcd: {  	v61 =	vld [tilespmem:s14+$0x29D0];
	v20 =	vmul.f32 v19, v5;
	v22 =	vpop (erf);
	(erf) = vrcp.f32 v10  }
0xce: {  	v62 =	vld [tilespmem:s14+$0x2990];
	[tilespmem:s13+$0x1D0] =	vst v4;
	v25 =	vpop (erf)  }
0xcf: {  	v21 =	vld [tilespmem:s14+$0x1D0];
	[tilespmem:s13+$0x1C0] =	vst v20;
	v27 =	vpop (erf)  }
0xd0: {  	v23 =	vld [tilespmem:s14+$0x1C0];
	v4 =	vmul.f32 v22, v8;
	v3 =	vmul.f32 v27, v3  }
0xd1: {  	v24 =	vld [tilespmem:s14+$0x2980];
	v7 =	vmul.f32 v25, v7  }
0xd2: {  	v26 =	vld [tilespmem:s14+$0x29B0];
	[tilespmem:s13+$0x1F0] =	vst v4  }
0xd3: {  	v29 =	vpop (erf);
	v28 =	vld [tilespmem:s14+$0x1F0];
	[tilespmem:s13+$0x1E0] =	vst v7  }
0xd4: {  	v4 =	vmul.f32 v29, v9;
	v7 =	vld [tilespmem:s14+$0x1E0];
	[tilespmem:s13+$0x1A0] =	vst v3;
	v3 =	vpop (erf)  }
0xd5: {  	v31 =	vadd.f32 v61, v21;
	v3 =	vmul.f32 v3, v6  }
0xd6: {  	v30 =	vld [tilespmem:s14+$0x1A0];
	[tilespmem:s13+$0x1B0] =	vst v4;
	v32 =	vpop (erf)  }
0xd7: {  	v33 =	vld [tilespmem:s14+$0x1B0];
	v2 =	vmul.f32 v32, v2;
	[tilespmem:s13+$0x190] =	vst v3;
	v3 =	vsub.f32 $0.0e+00, v31  }
0xd8: {  	v34 =	vadd.f32 v15, v23  }
0xd9: {  	v10 =	vadd.f32 v18, v28;
	v35 =	vld [tilespmem:s14+$0x190];
	[tilespmem:s13+$0x180] =	vst v2;
	v2 =	vmul.f32 $1.442695020e+00, v3  }
0xda: {  	v13 =	vsub.f32 $0.0e+00, v34;
	v7 =	vadd.f32 v16, v7  }
0xdb: {  	v36 =	vsub.f32 $0.0e+00, v10;
	v3 =	vld [tilespmem:s14+$0x180];
	(erf) = vpow2.f32 v2;
	v2 =	vadd.f32 v59, v30  }
0xdc: {  	v13 =	vmul.f32 $1.442695020e+00, v13;
	v37 =	vsub.f32 $0.0e+00, v7  }
0xdd: {  	v9 =	vmul.f32 $1.442695020e+00, v36;
	v38 =	vsub.f32 $0.0e+00, v2  }
0xde: {  	v6 =	vadd.f32 v26, v33;
	v11 =	vmul.f32 $1.442695020e+00, v37;
	(erf) = vpow2.f32 v13  }
0xdf: {  	v5 =	vadd.f32 v62, v35;
	(erf) = vpow2.f32 v9;
	v13 =	vmul.f32 $1.442695020e+00, v38  }
0xe0: {  	v39 =	vsub.f32 $0.0e+00, v6;
	(erf) = vpow2.f32 v11;
	v3 =	vadd.f32 v24, v3  }
0xe1: {  	v40 =	vsub.f32 $0.0e+00, v5;
	(erf) = vpow2.f32 v13  }
0xe2: {  	v8 =	vmul.f32 $1.442695020e+00, v39;
	v41 =	vsub.f32 $0.0e+00, v3  }
0xe3: {  	v42 =	vmul.f32 $1.442695020e+00, v40  }
0xe4: {  	(erf) = vpow2.f32 v8;
	v9 =	vmul.f32 $1.442695020e+00, v41  }
0xe5: {  	(erf) = vpow2.f32 v42  }
0xe6: {  	v43 =	vpop (erf);
	(erf) = vpow2.f32 v9  }
0xe7: {  	v8 =	vadd.f32 $1.000000000e+00, v43;
	v44 =	vpop (erf)  }
0xe8: {  	v9 =	vadd.f32 $1.000000000e+00, v44;
	v45 =	vpop (erf)  }
0xe9: {  	(erf) = vrcp.f32 v8;
	v46 =	vadd.f32 $1.000000000e+00, v45;
	v47 =	vpop (erf)  }
0xea: {  	(erf) = vrcp.f32 v9;
	v48 =	vadd.f32 $1.000000000e+00, v47;
	v49 =	vpop (erf)  }
0xeb: {  	(erf) = vrcp.f32 v46;
	v11 =	vadd.f32 $1.000000000e+00, v49  }
0xec: {  	(erf) = vrcp.f32 v48  }
0xed: {  	v50 =	vpop (erf);
	(erf) = vrcp.f32 v11  }
0xee: {  	v51 =	vadd.f32 $1.000000000e+00, v50;
	v52 =	vpop (erf)  }
0xef: {  	v53 =	vadd.f32 $1.000000000e+00, v52;
	v54 =	vpop (erf)  }
0xf0: {  	(erf) = vrcp.f32 v51;
	v55 =	vadd.f32 $1.000000000e+00, v54  }
0xf1: {  	(erf) = vrcp.f32 v53  }
0xf2: {  	v56 =	vpop (erf);
	(erf) = vrcp.f32 v55  }
0xf3: {  	v57 =	vpop (erf)  }
0xf4: {  	v58 =	vpop (erf)  }
0xf5: {  	v4 =	vmul.f32 v56, v31;
	v60 =	vpop (erf)  }
0xf6: {  	v8 =	vmul.f32 v57, v34;
	v61 =	vpop (erf)  }
0xf7: {  	[tilespmem:s14+$0x1D0] =	vst v4;
	v59 =	vmul.f32 v58, v10;
	v2 =	vmul.f32 v61, v2  }
0xf8: {  	[tilespmem:s14+$0x1C0] =	vst v8;
	v7 =	vmul.f32 v60, v7  }
0xf9: {  	[tilespmem:s14+$0x1F0] =	vst v59;
	v62 =	vpop (erf)  }
0xfa: {  	[tilespmem:s14+$0x1E0] =	vst v7;
	v4 =	vmul.f32 v62, v6;
	v63 =	vpop (erf)  }
0xfb: {  	v5 =	vmul.f32 v63, v5;
	[tilespmem:s14+$0x1A0] =	vst v2;
	v2 =	vpop (erf)  }
0xfc: {  	[tilespmem:s14+$0x1B0] =	vst v4;
	v2 =	vmul.f32 v2, v3  }
0xfd: {  	[tilespmem:s14+$0x190] =	vst v5  }
0xfe: {  	[tilespmem:s14+$0x180] =	vst v2  }
0xff: {  	[spmem:s2] =	stream.indirect.scatter.add.f32 [tilespmem:s28], [sflag:$0x3], $0x80, s4, s31, $0xb8;
	[tilespmem:$0x15E80] =	vst v63  }
0x100: {  	s12 =	sadd.s32 $0x1, s12;
	_ =	swait.ge [sflag:s26], $0x2800  }
0x101: {  	p0 =	sne.s32 s12, $0x7D;
	[sflag:s26] =	ssyncset.done $0x0  }
.Ltmp4:
0x102: {  	[sflag:s26] =	ssyncadd.s32 $0xFFFFD800;
	(pc) =	sbr.rel @p0 .LBB2_8-.Ltmp4, $4  }
0x103: {  	[spmem:s3] =	stream.indirect.scatter.add.f32 [tilespmem:s6], [sflag:$0x3], $0x10, s4, s31, $0xb8;
	[tilespmem:$0x15E80] =	vst v63  }
0x104: {  	_ =	swait.ge [sflag:s26], $0x500  }
0x105: {  	[sflag:s26] =	ssyncset.done $0x0  }
0x106: {  	[sflag:s26] =	ssyncadd.s32 $0xFFFFFB00  }
0x107: {  	s11 =	stileid.u32  }
0x108: {  	s11 =	sshll.u32 s11, $0x6  }
0x109: {  	[bflag:$0x0] =	sbarrier.arrive $0xFFFF;
	s11 =	sor.u32 $0x1C03, s11  }
0x10a: {  	[hbm:s20], [sflag:s11] =	dma.local [spmem:s24], $0x1400  }
0x10b: {  	s10 =	sadd.s32 $0x1, s10;
	_ =	swait.ge [sflag:s26], $0x1400  }
0x10c: {  	p0 =	sne.s32 s10, s22;
	[sflag:s26] =	ssyncset.done $0x0  }
.Ltmp5:
0x10d: {  	[sflag:s26] =	ssyncadd.s32 $0xFFFFEC00;
	(pc) =	sbr.rel @p0 .LBB2_1-.Ltmp5, $4  }
0x10e: {  	[hbm:s21], [sflag:s11] =	dma.local [spmem:s25], $0x1400  }
0x10f: {  	_ =	swait.ge [sflag:s26], $0x1400  }
0x110: {  	[sflag:s26] =	ssyncset.done $0x0  }
0x111: {  	[sflag:s26] =	ssyncadd.s32 $0xFFFFEC00  }
0x112: {  	_ =	sfence.sel $0x180000  }
0x113: {  	[bflag:$0x0] =	sbarrier.arrive $0xFFFF  }
0x114: {  	_ =	strace $0x9000004A  }
0x115: {  	s0 =	stileid.u32;
	[bflag:$0x2] =	sbarrier.arrive $0xFFFF  }
0x116: {  	p0 =	sne.s32 s0, $0x0;
	s0 =	rddreg [dreg:$0x4]  }
0x117: {  	s0 =	sadd.s32 @!p0 $0x100000, s0  }
0x118: {  	[sflag:s0] =	ssyncadd.tile.s32 @!p0 $0x1;
	_ =	shalt  }
.Lfunc_end2:
_tile_overlayer_lowered:
.L_overlay_start_2:
0x119: {  	(tag) =	ssettag $0x2  }
0x11a: {  	s0 =	rddreg [dreg:$0x0];
	s2 =	stileid.u32  }
0x11b: {  	s1 =	rddreg [dreg:$0x1];
	p0 =	sne.s32 s2, $0x0  }
0x11c: {  	s3 =	rddreg [dreg:$0x2];
	[bflag:$0x3] =	sbarrier.arrive $0xFFFF;
	s2 =	simm.s32 @!p0 $0x1C03  }
0x11d: {  	[timem:s3], [sflag:s2] =	dma.local @!p0 [hbm:s0], s1  }
0x11e: {  	s0 =	simm.s32 @!p0 $0x3  }
0x11f: {  	_ =	swait.ge @!p0 [sflag:s0], s1  }
0x120: {  	s1 =	ssub.s32 @!p0 $0x0, s1;
	[sflag:s0] =	ssyncset.done @!p0 $0x0  }
0x121: {  	[sflag:s0] =	ssyncadd.s32 @!p0 s1  }
0x122: {  	[bflag:$0x3] =	sbarrier.arrive $0xFFFF  }
0x123: {  	_ =	shalt  }

</sc_bundles>
